<compile_context>
chip_gen: v7x
topology: tpu7x:2x2x1
jax: 0.10.2.dev20260603
libtpu: 0.0.44.dev20260713+nightly
codegen_flags: <defaults>
</compile_context>

<pallas_src>
import functools

import jax
import jax.numpy as jnp
from jax import lax
from jax.experimental import pallas as pl
from jax.experimental.pallas import tpu as pltpu
from jax.experimental.pallas import tpu_sc as plsc

_HEADS = 8
_DIM = 256
_KNN = 16
_SCALE = 5.656854249
_NB = 4
_DH = _DIM // _HEADS

_R = 128
_C = 1024
_NC = 2
_NS = 16
_NW = _NC * _NS
_CH = 64


def _knn_body(lo_ref, hi_ref, pqx_ref, pqy_ref, pqz_ref, bq_ref,
              pkx_ref, pky_ref, pkz_ref, bk_ref, out_ref):
    i = pl.program_id(0)
    lo = lo_ref[i]
    hi = hi_ref[i]
    qx = pqx_ref[:, :]
    qy = pqy_ref[:, :]
    qz = pqz_ref[:, :]
    bq = bq_ref[:, :]
    r = qx.shape[0]
    cw = _C + _KNN
    lane = lax.broadcasted_iota(jnp.int32, (r, cw), 1)
    lane_k = lax.broadcasted_iota(jnp.int32, (r, _KNN), 1)
    inf = jnp.float32(jnp.inf)

    def chunk(t, carry):
        vals, gidx = carry
        kx = pkx_ref[pl.ds(t, 1), :]
        ky = pky_ref[pl.ds(t, 1), :]
        kz = pkz_ref[pl.ds(t, 1), :]
        bk = bk_ref[pl.ds(t, 1), :]
        d = (qx - kx) ** 2 + (qy - ky) ** 2 + (qz - kz) ** 2
        d = jnp.where(bq == bk, d, inf)
        work = jnp.concatenate([d, vals], axis=1)
        s = t * _C
        new_vals = []
        new_idx = []
        for _ in range(_KNN):
            mn = jnp.min(work, axis=1, keepdims=True)
            le = work <= mn
            col = jnp.min(jnp.where(le, lane, cw), axis=1, keepdims=True)
            carry_pick = jnp.sum(
                jnp.where(lane_k == col - _C, gidx, 0), axis=1, keepdims=True)
            pick = jnp.where(col < _C, s + col, carry_pick)
            new_vals.append(mn)
            new_idx.append(pick)
            work = jnp.where(le, inf, work)
        return jnp.concatenate(new_vals, axis=1), jnp.concatenate(new_idx, axis=1)

    vals0 = jnp.full((r, _KNN), inf, dtype=jnp.float32)
    gidx0 = jnp.zeros((r, _KNN), dtype=jnp.int32)
    _, gidx = lax.fori_loop(lo // _C, (hi + _C - 1) // _C, chunk, (vals0, gidx0))
    out_ref[:, :] = gidx


def _attn_body(q_ref, kvp_ref, pq_ref,
               w1_ref, b1_ref, w2_ref, b2_ref, out_ref):
    f32 = jnp.float32
    r = q_ref.shape[0]
    g = r * _KNN
    q = q_ref[:, :]
    kg = kvp_ref[:, :_DIM]
    vg = kvp_ref[:, _DIM:2 * _DIM]
    pg = kvp_ref[:, 2 * _DIM:2 * _DIM + 16]
    pq = pq_ref[:, :]
    q_rep = jnp.broadcast_to(q[:, None, :], (r, _KNN, _DIM)).reshape(g, _DIM)
    pq_rep = jnp.broadcast_to(pq[:, None, :], (r, _KNN, 16)).reshape(g, 16)
    dp = pq_rep - pg
    h = jnp.dot(dp, w1_ref[:, :], preferred_element_type=f32) + b1_ref[:, :]
    h = jnp.maximum(h, 0.0)
    pe = jnp.dot(h, w2_ref[:, :], preferred_element_type=f32) + b2_ref[:, :]
    s_pe = jnp.sum(pe, axis=1, keepdims=True)
    hsel = (lax.broadcasted_iota(jnp.int32, (_DIM, _HEADS), 0) // _DH
            == lax.broadcasted_iota(jnp.int32, (_DIM, _HEADS), 1)).astype(f32)
    qk = jnp.dot(kg * q_rep, hsel, preferred_element_type=f32)
    w = (qk + s_pe) * (1.0 / (_SCALE * _KNN + 1e-8))
    w3 = w.reshape(r, _KNN, _HEADS)
    m = jnp.max(w3, axis=1, keepdims=True)
    e = jnp.exp(w3 - m)
    a3 = e / jnp.sum(e, axis=1, keepdims=True)
    a = a3.reshape(g, _HEADS)
    hexp = (lax.broadcasted_iota(jnp.int32, (_HEADS, _DIM), 0)
            == lax.broadcasted_iota(jnp.int32, (_HEADS, _DIM), 1) // _DH).astype(f32)
    a_exp = jnp.dot(a, hexp, preferred_element_type=f32)
    texp = (lax.broadcasted_iota(jnp.int32, (_DH, _DIM), 0)
            == lax.broadcasted_iota(jnp.int32, (_DH, _DIM), 1) % _DH).astype(f32)
    pe_exp = jnp.dot(pe, texp, preferred_element_type=f32)
    contrib = (vg + pe_exp) * a_exp
    out_ref[:, :] = jnp.sum(contrib.reshape(r, _KNN, _DIM), axis=1)


_KVP = 2 * _DIM + 128


def _gather_body(idx_hbm, kvp_hbm, out_hbm, idx0, idx1, buf0, buf1,
                 sem0, sem1, *, total):
    c = lax.axis_index("c")
    s = lax.axis_index("s")
    wid = s * _NC + c
    per_w = total // _NW
    base = wid * per_w

    def chunk(t, carry):
        r0 = base + (2 * t) * _CH
        r1 = r0 + _CH
        pltpu.sync_copy(idx_hbm.at[pl.ds(r0, _CH)], idx0)
        g0 = pltpu.async_copy(kvp_hbm.at[idx0], buf0, sem0)
        pltpu.sync_copy(idx_hbm.at[pl.ds(r1, _CH)], idx1)
        g1 = pltpu.async_copy(kvp_hbm.at[idx1], buf1, sem1)
        g0.wait()
        pltpu.sync_copy(buf0, out_hbm.at[pl.ds(r0, _CH)])
        g1.wait()
        pltpu.sync_copy(buf1, out_hbm.at[pl.ds(r1, _CH)])
        return carry

    lax.fori_loop(0, per_w // (2 * _CH), chunk, 0)


def _knn_call(n, lo_blk, hi_blk, pqx, pqy, pqz, bq2, pkx, pky, pkz, bkr):
    nblk = n // _R
    nrow = pkx.shape[0]
    grid_spec = pltpu.PrefetchScalarGridSpec(
        num_scalar_prefetch=2,
        grid=(nblk,),
        in_specs=[
            pl.BlockSpec((_R, 1), lambda i, lo, hi: (i, 0)),
            pl.BlockSpec((_R, 1), lambda i, lo, hi: (i, 0)),
            pl.BlockSpec((_R, 1), lambda i, lo, hi: (i, 0)),
            pl.BlockSpec((_R, 1), lambda i, lo, hi: (i, 0)),
            pl.BlockSpec((nrow, _C), lambda i, lo, hi: (0, 0)),
            pl.BlockSpec((nrow, _C), lambda i, lo, hi: (0, 0)),
            pl.BlockSpec((nrow, _C), lambda i, lo, hi: (0, 0)),
            pl.BlockSpec((nrow, _C), lambda i, lo, hi: (0, 0)),
        ],
        out_specs=pl.BlockSpec((_R, _KNN), lambda i, lo, hi: (i, 0)),
    )
    return pl.pallas_call(
        _knn_body,
        grid_spec=grid_spec,
        out_shape=jax.ShapeDtypeStruct((n, _KNN), jnp.int32),
    )(lo_blk, hi_blk, pqx, pqy, pqz, bq2, pkx, pky, pkz, bkr)


def _attn_call(n, Q, kvpg, ppad, w1pad, b1pad, w2pad, b2row):
    nblk = n // _R
    return pl.pallas_call(
        _attn_body,
        grid=(nblk,),
        in_specs=[
            pl.BlockSpec((_R, _DIM), lambda i: (i, 0)),
            pl.BlockSpec((_R * _KNN, _KVP), lambda i: (i, 0)),
            pl.BlockSpec((_R, 16), lambda i: (i, 0)),
            pl.BlockSpec((16, 16), lambda i: (0, 0)),
            pl.BlockSpec((1, 16), lambda i: (0, 0)),
            pl.BlockSpec((16, _DH), lambda i: (0, 0)),
            pl.BlockSpec((1, _DH), lambda i: (0, 0)),
        ],
        out_specs=pl.BlockSpec((_R, _DIM), lambda i: (i, 0)),
        out_shape=jax.ShapeDtypeStruct((n, _DIM), jnp.float32),
    )(Q, kvpg, ppad, w1pad, b1pad, w2pad, b2row)


def _gather_call(n, idx_flat, kvp):
    total = n * _KNN
    mesh = plsc.VectorSubcoreMesh(core_axis_name="c", subcore_axis_name="s")
    body = functools.partial(_gather_body, total=total)
    return pl.kernel(
        body,
        out_type=jax.ShapeDtypeStruct((total, _KVP), jnp.float32),
        mesh=mesh,
        scratch_types=[
            pltpu.VMEM((_CH,), jnp.int32),
            pltpu.VMEM((_CH,), jnp.int32),
            pltpu.VMEM((_CH, _KVP), jnp.float32),
            pltpu.VMEM((_CH, _KVP), jnp.float32),
            pltpu.SemaphoreType.DMA,
            pltpu.SemaphoreType.DMA,
        ],
    )(idx_flat, kvp)


def kernel(p, Q, K, V, b, W1, b1, gamma, beta, rm, rv, W2, b2):
    n = Q.shape[0]
    f32 = jnp.float32
    sc = gamma / jnp.sqrt(rv + 1e-5)
    w1f = W1 * sc[None, :]
    b1f = (b1 - rm) * sc + beta
    w1pad = jnp.zeros((16, 16), f32).at[:3, :3].set(w1f)
    b1pad = jnp.zeros((1, 16), f32).at[0, :3].set(b1f)
    w2pad = jnp.zeros((16, _DH), f32).at[:3, :].set(W2)
    b2row = b2.reshape(1, _DH).astype(f32)

    offs = jnp.searchsorted(b, jnp.arange(_NB + 1, dtype=b.dtype)).astype(jnp.int32)
    first = b[::_R]
    last = b[_R - 1::_R]
    lo_blk = offs[first]
    hi_blk = offs[last + 1]

    npad = ((n + _C - 1) // _C) * _C
    padn = npad - n
    px = jnp.pad(p[:, 0], (0, padn)).reshape(npad // _C, _C)
    py = jnp.pad(p[:, 1], (0, padn)).reshape(npad // _C, _C)
    pz = jnp.pad(p[:, 2], (0, padn)).reshape(npad // _C, _C)
    bkr = jnp.pad(b, (0, padn), constant_values=-1).reshape(npad // _C, _C)
    pqx = p[:, 0].reshape(n, 1)
    pqy = p[:, 1].reshape(n, 1)
    pqz = p[:, 2].reshape(n, 1)
    bq2 = b.reshape(n, 1)

    ppad = jnp.zeros((n, 16), f32).at[:, :3].set(p)
    kvp = jnp.concatenate(
        [K, V, ppad, jnp.zeros((n, _KVP - 2 * _DIM - 16), f32)], axis=1)

    npipe = 4
    half = n // npipe
    hb = half // _R
    outs = []
    for h in range(npipe):
        rows = slice(h * half, (h + 1) * half)
        blks = slice(h * hb, (h + 1) * hb)
        idx = _knn_call(half, lo_blk[blks], hi_blk[blks], pqx[rows], pqy[rows],
                        pqz[rows], bq2[rows], px, py, pz, bkr)
        kvpg = _gather_call(half, idx.reshape(half * _KNN), kvp)
        outs.append(_attn_call(half, Q[rows], kvpg, ppad[rows],
                               w1pad, b1pad, w2pad, b2row))
    return jnp.concatenate(outs, axis=0)

# --- scband reference (transcript-rebuilt; emitter-appended) ---
"""Pipeline reference for scband-tree-attention-siblings-53541062312191 (READ-ONLY COPY).

The authoritative reference and input builder live on the scoring server;
editing this copy changes nothing except your own understanding.
"""

import jax, jax.numpy as jnp
import numpy as np

HEADS = 8
DIM = 256
KNN = 16
SCALE = 5.656854249
N = 8192
NB = 4


def setup_inputs(seed: int = 0):
    key = jax.random.key(seed)
    ks = jax.random.split(key, 12)
    dh = DIM // HEADS
    p = jax.random.uniform(ks[0], (N, 3), dtype=jnp.float32)
    Q = jax.random.normal(ks[1], (N, DIM), dtype=jnp.float32)
    K = jax.random.normal(ks[2], (N, DIM), dtype=jnp.float32)
    V = jax.random.normal(ks[3], (N, DIM), dtype=jnp.float32)
    b = jnp.sort(jax.random.randint(ks[4], (N,), 0, NB, dtype=jnp.int32))
    W1 = jax.random.normal(ks[5], (3, 3), dtype=jnp.float32) * 0.5
    b1 = jnp.zeros((3,), dtype=jnp.float32)
    gamma = jnp.ones((3,), dtype=jnp.float32)
    beta = jnp.zeros((3,), dtype=jnp.float32)
    rm = jnp.zeros((3,), dtype=jnp.float32)
    rv = jnp.ones((3,), dtype=jnp.float32)
    W2 = jax.random.normal(ks[6], (3, dh), dtype=jnp.float32) * 0.5
    b2 = jnp.zeros((dh,), dtype=jnp.float32)
    return {"p": p, "Q": Q, "K": K, "V": V, "b": b, "W1": W1, "b1": b1, "gamma": gamma, "beta": beta, "rm": rm, "rv": rv, "W2": W2, "b2": b2}


def reference(p, Q, K, V, b, W1, b1, gamma, beta, rm, rv, W2, b2):
    dh = DIM // HEADS
    n = Q.shape[0]
    # brute-force kNN (query_knn_point): squared distances, k smallest,
    # restricted within each bucket by masking cross-bucket pairs to +inf.
    # Since b is sorted, each bucket occupies a contiguous index range and
    # concatenating per-bucket results in bucket order equals natural order.
    d = jnp.sum((p[:, None, :] - p[None, :, :]) ** 2, axis=-1)
    same = b[:, None] == b[None, :]
    d = jnp.where(same, d, jnp.inf)
    _, idx = jax.lax.top_k(-d, KNN)  # [N, KNN], global indices
    q = jnp.broadcast_to(Q[:, None, :], (n, KNN, DIM)).reshape(-1, DIM)
    k = K[idx].reshape(-1, DIM)
    v = V[idx].reshape(-1, DIM)
    pq = jnp.broadcast_to(p[:, None, :], (n, KNN, 3)).reshape(-1, 3)
    pk = p[idx].reshape(-1, 3)
    pe = pq - pk
    q = q.reshape(-1, HEADS, dh)
    k = k.reshape(-1, HEADS, dh)
    v = v.reshape(-1, HEADS, dh)
    # pe_mlp: Linear(3,3) -> BatchNorm1d(3) (eval mode) -> ReLU -> Linear(3, dh)
    h = pe @ W1 + b1
    h = (h - rm) / jnp.sqrt(rv + 1e-5) * gamma + beta
    h = jnp.maximum(h, 0.0)
    pe = h @ W2 + b2
    w = (k * q + pe[:, None, :]) / (SCALE * KNN + 1e-8)
    w = jnp.sum(w, axis=-1, keepdims=True)
    w = w.reshape(-1, KNN, HEADS, 1)
    a = jax.nn.softmax(w, axis=1)
    pe = pe.reshape(-1, KNN, dh)
    v = v.reshape(-1, KNN, HEADS, dh)
    v = (v + pe[:, :, None, :]) * a
    out = jnp.sum(v, axis=1).reshape(Q.shape[0], -1)
    return out

if __name__ == "__main__":
    import jax
    _d = setup_inputs()
    print(jax.jit(kernel)(*tuple(_d.values())))

</pallas_src>

<mosaic_0001>
#map = affine_map<(d0, d1) -> (0)>
#map1 = affine_map<(d0, d1) -> (0, 0)>
module attributes {stable_mosaic.version = 14 : i64} {
  func.func @_gather_body(%arg0: i32, %arg1: i32, %arg2: memref<32768xi32, #tpu.memory_space<hbm>>, %arg3: memref<8192x640xf32, #tpu.memory_space<hbm>>, %arg4: memref<32768x640xf32, #tpu.memory_space<hbm>>, %arg5: memref<64xi32, #tpu.memory_space<vmem>>, %arg6: memref<64xi32, #tpu.memory_space<vmem>>, %arg7: memref<64x640xf32, #tpu.memory_space<vmem>>, %arg8: memref<64x640xf32, #tpu.memory_space<vmem>>, %arg9: memref<!tpu.dma_semaphore, #tpu.memory_space<semaphore_mem>>, %arg10: memref<!tpu.dma_semaphore, #tpu.memory_space<semaphore_mem>>) attributes {dimension_semantics = [#tpu.dimension_semantics<core_parallel>, #tpu.dimension_semantics<subcore_parallel>], iteration_bounds = array<i64: 2, 16>, scalar_prefetch = 0 : i64, scratch_operands = 6 : i64, tpu.core_type = #tpu.core_type<sc_vector_subcore>, window_params = [{transform_indices = #map}, {transform_indices = #map1}, {transform_indices = #map1}]} {
    %mul3A = arith.constant 2 : i32
    %mul3A_0 = arith.muli %arg1, %mul3A : i32
    %add3A = arith.addi %mul3A_0, %arg0 : i32
    %mul3A_1 = arith.constant 1024 : i32
    %mul3A_2 = arith.muli %add3A, %mul3A_1 : i32
    %scan3A = arith.constant 0 : i32
    %scan3A_3 = arith.constant 0 : i32
    %scan3A_4 = arith.constant 8 : i32
    %scan3A_5 = arith.addi %scan3A_3, %scan3A_4 : i32
    %scan3A_6 = arith.constant 1 : i32
    scf.for %scan3A_8 = %scan3A_3 to %scan3A_5 step %scan3A_6  : i32 {
      %mul3A_9 = arith.constant 2 : i32
      %mul3A_10 = arith.muli %mul3A_9, %scan3A_8 : i32
      %mul3A_11 = arith.constant 64 : i32
      %mul3A_12 = arith.muli %mul3A_10, %mul3A_11 : i32
      %add3A_13 = arith.addi %mul3A_2, %mul3A_12 : i32
      %add3A_14 = arith.constant 64 : i32
      %add3A_15 = arith.addi %add3A_13, %add3A_14 : i32
      "tpu.region"() ({
        %run_scoped3A = tpu.sem_alloc : memref<!tpu.dma_semaphore, #tpu.memory_space<semaphore_mem>>
        %dma_start3A_26 = tpu.memref_slice %arg2[%add3A_13] : memref<32768xi32, #tpu.memory_space<hbm>> -> memref<64xi32, #tpu.memory_space<hbm>>
        %dma_start3A_27 = tpu.memref_slice %arg2[%add3A_13] : memref<32768xi32, #tpu.memory_space<hbm>> -> memref<64xi32, #tpu.memory_space<hbm>>
        tpu.enqueue_dma source(%dma_start3A_27 : memref<64xi32, #tpu.memory_space<hbm>>) target(%arg5 : memref<64xi32, #tpu.memory_space<vmem>>) target_semaphore(%run_scoped3A : memref<!tpu.dma_semaphore, #tpu.memory_space<semaphore_mem>>)
        %dma_wait3A_28 = tpu.memref_slice %arg2[%add3A_13] : memref<32768xi32, #tpu.memory_space<hbm>> -> memref<64xi32, #tpu.memory_space<hbm>>
        %dma_wait3A_29 = tpu.memref_slice %arg2[%add3A_13] : memref<32768xi32, #tpu.memory_space<hbm>> -> memref<64xi32, #tpu.memory_space<hbm>>
        tpu.wait_dma2 semaphore(%run_scoped3A : memref<!tpu.dma_semaphore, #tpu.memory_space<semaphore_mem>>) src(%dma_wait3A_29 : memref<64xi32, #tpu.memory_space<hbm>>) dst(%arg5 : memref<64xi32, #tpu.memory_space<vmem>>)
        tpu.yield
      }) : () -> ()
      %dma_start3A = arith.constant 0 : i32
      %dma_start3A_16 = arith.constant 0 : i32
      %dma_start3A_17 = tpu.memref_slice %arg3[%dma_start3A, %dma_start3A_16] : memref<8192x640xf32, #tpu.memory_space<hbm>> -> memref<8192x640xf32, #tpu.memory_space<hbm>>
      tpu.enqueue_indirect_dma source(%dma_start3A_17 : memref<8192x640xf32, #tpu.memory_space<hbm>>) target(%arg7 : memref<64x640xf32, #tpu.memory_space<vmem>>) offsets(%arg5 : memref<64xi32, #tpu.memory_space<vmem>>) semaphore(%arg9 : memref<!tpu.dma_semaphore, #tpu.memory_space<semaphore_mem>>)
      "tpu.region"() ({
        %run_scoped3A = tpu.sem_alloc : memref<!tpu.dma_semaphore, #tpu.memory_space<semaphore_mem>>
        %dma_start3A_26 = tpu.memref_slice %arg2[%add3A_15] : memref<32768xi32, #tpu.memory_space<hbm>> -> memref<64xi32, #tpu.memory_space<hbm>>
        %dma_start3A_27 = tpu.memref_slice %arg2[%add3A_15] : memref<32768xi32, #tpu.memory_space<hbm>> -> memref<64xi32, #tpu.memory_space<hbm>>
        tpu.enqueue_dma source(%dma_start3A_27 : memref<64xi32, #tpu.memory_space<hbm>>) target(%arg6 : memref<64xi32, #tpu.memory_space<vmem>>) target_semaphore(%run_scoped3A : memref<!tpu.dma_semaphore, #tpu.memory_space<semaphore_mem>>)
        %dma_wait3A_28 = tpu.memref_slice %arg2[%add3A_15] : memref<32768xi32, #tpu.memory_space<hbm>> -> memref<64xi32, #tpu.memory_space<hbm>>
        %dma_wait3A_29 = tpu.memref_slice %arg2[%add3A_15] : memref<32768xi32, #tpu.memory_space<hbm>> -> memref<64xi32, #tpu.memory_space<hbm>>
        tpu.wait_dma2 semaphore(%run_scoped3A : memref<!tpu.dma_semaphore, #tpu.memory_space<semaphore_mem>>) src(%dma_wait3A_29 : memref<64xi32, #tpu.memory_space<hbm>>) dst(%arg6 : memref<64xi32, #tpu.memory_space<vmem>>)
        tpu.yield
      }) : () -> ()
      %dma_start3A_18 = arith.constant 0 : i32
      %dma_start3A_19 = arith.constant 0 : i32
      %dma_start3A_20 = tpu.memref_slice %arg3[%dma_start3A_18, %dma_start3A_19] : memref<8192x640xf32, #tpu.memory_space<hbm>> -> memref<8192x640xf32, #tpu.memory_space<hbm>>
      tpu.enqueue_indirect_dma source(%dma_start3A_20 : memref<8192x640xf32, #tpu.memory_space<hbm>>) target(%arg8 : memref<64x640xf32, #tpu.memory_space<vmem>>) offsets(%arg6 : memref<64xi32, #tpu.memory_space<vmem>>) semaphore(%arg10 : memref<!tpu.dma_semaphore, #tpu.memory_space<semaphore_mem>>)
      %dma_wait3A = arith.constant 0 : i32
      %dma_wait3A_21 = arith.constant 0 : i32
      %dma_wait3A_22 = tpu.memref_slice %arg3[%dma_wait3A, %dma_wait3A_21] : memref<8192x640xf32, #tpu.memory_space<hbm>> -> memref<8192x640xf32, #tpu.memory_space<hbm>>
      tpu.wait_indirect_dma semaphore(%arg9 : memref<!tpu.dma_semaphore, #tpu.memory_space<semaphore_mem>>) src(%dma_wait3A_22 : memref<8192x640xf32, #tpu.memory_space<hbm>>) dst(%arg7 : memref<64x640xf32, #tpu.memory_space<vmem>>)
      "tpu.region"() ({
        %run_scoped3A = tpu.sem_alloc : memref<!tpu.dma_semaphore, #tpu.memory_space<semaphore_mem>>
        %dma_start3A_26 = arith.constant 0 : i32
        %dma_start3A_27 = tpu.memref_slice %arg4[%add3A_13, %dma_start3A_26] : memref<32768x640xf32, #tpu.memory_space<hbm>> -> memref<64x640xf32, #tpu.memory_space<hbm>>
        %dma_start3A_28 = arith.constant 0 : i32
        %dma_start3A_29 = tpu.memref_slice %arg4[%add3A_13, %dma_start3A_28] : memref<32768x640xf32, #tpu.memory_space<hbm>> -> memref<64x640xf32, #tpu.memory_space<hbm>>
        tpu.enqueue_dma source(%arg7 : memref<64x640xf32, #tpu.memory_space<vmem>>) target(%dma_start3A_29 : memref<64x640xf32, #tpu.memory_space<hbm>>) target_semaphore(%run_scoped3A : memref<!tpu.dma_semaphore, #tpu.memory_space<semaphore_mem>>)
        %dma_wait3A_30 = arith.constant 0 : i32
        %dma_wait3A_31 = tpu.memref_slice %arg4[%add3A_13, %dma_wait3A_30] : memref<32768x640xf32, #tpu.memory_space<hbm>> -> memref<64x640xf32, #tpu.memory_space<hbm>>
        %dma_wait3A_32 = arith.constant 0 : i32
        %dma_wait3A_33 = tpu.memref_slice %arg4[%add3A_13, %dma_wait3A_32] : memref<32768x640xf32, #tpu.memory_space<hbm>> -> memref<64x640xf32, #tpu.memory_space<hbm>>
        tpu.wait_dma2 semaphore(%run_scoped3A : memref<!tpu.dma_semaphore, #tpu.memory_space<semaphore_mem>>) src(%arg7 : memref<64x640xf32, #tpu.memory_space<vmem>>) dst(%dma_wait3A_33 : memref<64x640xf32, #tpu.memory_space<hbm>>)
        tpu.yield
      }) : () -> ()
      %dma_wait3A_23 = arith.constant 0 : i32
      %dma_wait3A_24 = arith.constant 0 : i32
      %dma_wait3A_25 = tpu.memref_slice %arg3[%dma_wait3A_23, %dma_wait3A_24] : memref<8192x640xf32, #tpu.memory_space<hbm>> -> memref<8192x640xf32, #tpu.memory_space<hbm>>
      tpu.wait_indirect_dma semaphore(%arg10 : memref<!tpu.dma_semaphore, #tpu.memory_space<semaphore_mem>>) src(%dma_wait3A_25 : memref<8192x640xf32, #tpu.memory_space<hbm>>) dst(%arg8 : memref<64x640xf32, #tpu.memory_space<vmem>>)
      "tpu.region"() ({
        %run_scoped3A = tpu.sem_alloc : memref<!tpu.dma_semaphore, #tpu.memory_space<semaphore_mem>>
        %dma_start3A_26 = arith.constant 0 : i32
        %dma_start3A_27 = tpu.memref_slice %arg4[%add3A_15, %dma_start3A_26] : memref<32768x640xf32, #tpu.memory_space<hbm>> -> memref<64x640xf32, #tpu.memory_space<hbm>>
        %dma_start3A_28 = arith.constant 0 : i32
        %dma_start3A_29 = tpu.memref_slice %arg4[%add3A_15, %dma_start3A_28] : memref<32768x640xf32, #tpu.memory_space<hbm>> -> memref<64x640xf32, #tpu.memory_space<hbm>>
        tpu.enqueue_dma source(%arg8 : memref<64x640xf32, #tpu.memory_space<vmem>>) target(%dma_start3A_29 : memref<64x640xf32, #tpu.memory_space<hbm>>) target_semaphore(%run_scoped3A : memref<!tpu.dma_semaphore, #tpu.memory_space<semaphore_mem>>)
        %dma_wait3A_30 = arith.constant 0 : i32
        %dma_wait3A_31 = tpu.memref_slice %arg4[%add3A_15, %dma_wait3A_30] : memref<32768x640xf32, #tpu.memory_space<hbm>> -> memref<64x640xf32, #tpu.memory_space<hbm>>
        %dma_wait3A_32 = arith.constant 0 : i32
        %dma_wait3A_33 = tpu.memref_slice %arg4[%add3A_15, %dma_wait3A_32] : memref<32768x640xf32, #tpu.memory_space<hbm>> -> memref<64x640xf32, #tpu.memory_space<hbm>>
        tpu.wait_dma2 semaphore(%run_scoped3A : memref<!tpu.dma_semaphore, #tpu.memory_space<semaphore_mem>>) src(%arg8 : memref<64x640xf32, #tpu.memory_space<vmem>>) dst(%dma_wait3A_33 : memref<64x640xf32, #tpu.memory_space<hbm>>)
        tpu.yield
      }) : () -> ()
    }
    %scan3A_7 = arith.constant 8 : i32
    return
  }
}

#map = affine_map<(d0, d1) -> (0)>
#map1 = affine_map<(d0, d1) -> (0, 0)>
module attributes {stable_mosaic.version = 14 : i64} {
  func.func @_gather_body(%arg0: i32, %arg1: i32, %arg2: memref<32768xi32, #tpu.memory_space<hbm>>, %arg3: memref<8192x640xf32, #tpu.memory_space<hbm>>, %arg4: memref<32768x640xf32, #tpu.memory_space<hbm>>, %arg5: memref<64xi32, #tpu.memory_space<vmem>>, %arg6: memref<64xi32, #tpu.memory_space<vmem>>, %arg7: memref<64x640xf32, #tpu.memory_space<vmem>>, %arg8: memref<64x640xf32, #tpu.memory_space<vmem>>, %arg9: memref<!tpu.dma_semaphore, #tpu.memory_space<semaphore_mem>>, %arg10: memref<!tpu.dma_semaphore, #tpu.memory_space<semaphore_mem>>) attributes {dimension_semantics = [#tpu.dimension_semantics<core_parallel>, #tpu.dimension_semantics<subcore_parallel>], iteration_bounds = array<i64: 2, 16>, scalar_prefetch = 0 : i64, scratch_operands = 6 : i64, tpu.core_type = #tpu.core_type<sc_vector_subcore>, window_params = [{transform_indices = #map}, {transform_indices = #map1}, {transform_indices = #map1}]} {
    %mul3A = arith.constant 2 : i32
    %mul3A_0 = arith.muli %arg1, %mul3A : i32
    %add3A = arith.addi %mul3A_0, %arg0 : i32
    %mul3A_1 = arith.constant 1024 : i32
    %mul3A_2 = arith.muli %add3A, %mul3A_1 : i32
    %scan3A = arith.constant 0 : i32
    %scan3A_3 = arith.constant 0 : i32
    %scan3A_4 = arith.constant 8 : i32
    %scan3A_5 = arith.addi %scan3A_3, %scan3A_4 : i32
    %scan3A_6 = arith.constant 1 : i32
    scf.for %scan3A_8 = %scan3A_3 to %scan3A_5 step %scan3A_6  : i32 {
      %mul3A_9 = arith.constant 2 : i32
      %mul3A_10 = arith.muli %mul3A_9, %scan3A_8 : i32
      %mul3A_11 = arith.constant 64 : i32
      %mul3A_12 = arith.muli %mul3A_10, %mul3A_11 : i32
      %add3A_13 = arith.addi %mul3A_2, %mul3A_12 : i32
      %add3A_14 = arith.constant 64 : i32
      %add3A_15 = arith.addi %add3A_13, %add3A_14 : i32
      "tpu.region"() ({
        %run_scoped3A = tpu.sem_alloc : memref<!tpu.dma_semaphore, #tpu.memory_space<semaphore_mem>>
        %dma_start3A_26 = tpu.memref_slice %arg2[%add3A_13] : memref<32768xi32, #tpu.memory_space<hbm>> -> memref<64xi32, #tpu.memory_space<hbm>>
        %dma_start3A_27 = tpu.memref_slice %arg2[%add3A_13] : memref<32768xi32, #tpu.memory_space<hbm>> -> memref<64xi32, #tpu.memory_space<hbm>>
        tpu.enqueue_dma source(%dma_start3A_27 : memref<64xi32, #tpu.memory_space<hbm>>) target(%arg5 : memref<64xi32, #tpu.memory_space<vmem>>) target_semaphore(%run_scoped3A : memref<!tpu.dma_semaphore, #tpu.memory_space<semaphore_mem>>)
        %dma_wait3A_28 = tpu.memref_slice %arg2[%add3A_13] : memref<32768xi32, #tpu.memory_space<hbm>> -> memref<64xi32, #tpu.memory_space<hbm>>
        %dma_wait3A_29 = tpu.memref_slice %arg2[%add3A_13] : memref<32768xi32, #tpu.memory_space<hbm>> -> memref<64xi32, #tpu.memory_space<hbm>>
        tpu.wait_dma2 semaphore(%run_scoped3A : memref<!tpu.dma_semaphore, #tpu.memory_space<semaphore_mem>>) src(%dma_wait3A_29 : memref<64xi32, #tpu.memory_space<hbm>>) dst(%arg5 : memref<64xi32, #tpu.memory_space<vmem>>)
        tpu.yield
      }) : () -> ()
      %dma_start3A = arith.constant 0 : i32
      %dma_start3A_16 = arith.constant 0 : i32
      %dma_start3A_17 = tpu.memref_slice %arg3[%dma_start3A, %dma_start3A_16] : memref<8192x640xf32, #tpu.memory_space<hbm>> -> memref<8192x640xf32, #tpu.memory_space<hbm>>
      tpu.enqueue_indirect_dma source(%dma_start3A_17 : memref<8192x640xf32, #tpu.memory_space<hbm>>) target(%arg7 : memref<64x640xf32, #tpu.memory_space<vmem>>) offsets(%arg5 : memref<64xi32, #tpu.memory_space<vmem>>) semaphore(%arg9 : memref<!tpu.dma_semaphore, #tpu.memory_space<semaphore_mem>>)
      "tpu.region"() ({
        %run_scoped3A = tpu.sem_alloc : memref<!tpu.dma_semaphore, #tpu.memory_space<semaphore_mem>>
        %dma_start3A_26 = tpu.memref_slice %arg2[%add3A_15] : memref<32768xi32, #tpu.memory_space<hbm>> -> memref<64xi32, #tpu.memory_space<hbm>>
        %dma_start3A_27 = tpu.memref_slice %arg2[%add3A_15] : memref<32768xi32, #tpu.memory_space<hbm>> -> memref<64xi32, #tpu.memory_space<hbm>>
        tpu.enqueue_dma source(%dma_start3A_27 : memref<64xi32, #tpu.memory_space<hbm>>) target(%arg6 : memref<64xi32, #tpu.memory_space<vmem>>) target_semaphore(%run_scoped3A : memref<!tpu.dma_semaphore, #tpu.memory_space<semaphore_mem>>)
        %dma_wait3A_28 = tpu.memref_slice %arg2[%add3A_15] : memref<32768xi32, #tpu.memory_space<hbm>> -> memref<64xi32, #tpu.memory_space<hbm>>
        %dma_wait3A_29 = tpu.memref_slice %arg2[%add3A_15] : memref<32768xi32, #tpu.memory_space<hbm>> -> memref<64xi32, #tpu.memory_space<hbm>>
        tpu.wait_dma2 semaphore(%run_scoped3A : memref<!tpu.dma_semaphore, #tpu.memory_space<semaphore_mem>>) src(%dma_wait3A_29 : memref<64xi32, #tpu.memory_space<hbm>>) dst(%arg6 : memref<64xi32, #tpu.memory_space<vmem>>)
        tpu.yield
      }) : () -> ()
      %dma_start3A_18 = arith.constant 0 : i32
      %dma_start3A_19 = arith.constant 0 : i32
      %dma_start3A_20 = tpu.memref_slice %arg3[%dma_start3A_18, %dma_start3A_19] : memref<8192x640xf32, #tpu.memory_space<hbm>> -> memref<8192x640xf32, #tpu.memory_space<hbm>>
      tpu.enqueue_indirect_dma source(%dma_start3A_20 : memref<8192x640xf32, #tpu.memory_space<hbm>>) target(%arg8 : memref<64x640xf32, #tpu.memory_space<vmem>>) offsets(%arg6 : memref<64xi32, #tpu.memory_space<vmem>>) semaphore(%arg10 : memref<!tpu.dma_semaphore, #tpu.memory_space<semaphore_mem>>)
      %dma_wait3A = arith.constant 0 : i32
      %dma_wait3A_21 = arith.constant 0 : i32
      %dma_wait3A_22 = tpu.memref_slice %arg3[%dma_wait3A, %dma_wait3A_21] : memref<8192x640xf32, #tpu.memory_space<hbm>> -> memref<8192x640xf32, #tpu.memory_space<hbm>>
      tpu.wait_indirect_dma semaphore(%arg9 : memref<!tpu.dma_semaphore, #tpu.memory_space<semaphore_mem>>) src(%dma_wait3A_22 : memref<8192x640xf32, #tpu.memory_space<hbm>>) dst(%arg7 : memref<64x640xf32, #tpu.memory_space<vmem>>)
      "tpu.region"() ({
        %run_scoped3A = tpu.sem_alloc : memref<!tpu.dma_semaphore, #tpu.memory_space<semaphore_mem>>
        %dma_start3A_26 = arith.constant 0 : i32
        %dma_start3A_27 = tpu.memref_slice %arg4[%add3A_13, %dma_start3A_26] : memref<32768x640xf32, #tpu.memory_space<hbm>> -> memref<64x640xf32, #tpu.memory_space<hbm>>
        %dma_start3A_28 = arith.constant 0 : i32
        %dma_start3A_29 = tpu.memref_slice %arg4[%add3A_13, %dma_start3A_28] : memref<32768x640xf32, #tpu.memory_space<hbm>> -> memref<64x640xf32, #tpu.memory_space<hbm>>
        tpu.enqueue_dma source(%arg7 : memref<64x640xf32, #tpu.memory_space<vmem>>) target(%dma_start3A_29 : memref<64x640xf32, #tpu.memory_space<hbm>>) target_semaphore(%run_scoped3A : memref<!tpu.dma_semaphore, #tpu.memory_space<semaphore_mem>>)
        %dma_wait3A_30 = arith.constant 0 : i32
        %dma_wait3A_31 = tpu.memref_slice %arg4[%add3A_13, %dma_wait3A_30] : memref<32768x640xf32, #tpu.memory_space<hbm>> -> memref<64x640xf32, #tpu.memory_space<hbm>>
        %dma_wait3A_32 = arith.constant 0 : i32
        %dma_wait3A_33 = tpu.memref_slice %arg4[%add3A_13, %dma_wait3A_32] : memref<32768x640xf32, #tpu.memory_space<hbm>> -> memref<64x640xf32, #tpu.memory_space<hbm>>
        tpu.wait_dma2 semaphore(%run_scoped3A : memref<!tpu.dma_semaphore, #tpu.memory_space<semaphore_mem>>) src(%arg7 : memref<64x640xf32, #tpu.memory_space<vmem>>) dst(%dma_wait3A_33 : memref<64x640xf32, #tpu.memory_space<hbm>>)
        tpu.yield
      }) : () -> ()
      %dma_wait3A_23 = arith.constant 0 : i32
      %dma_wait3A_24 = arith.constant 0 : i32
      %dma_wait3A_25 = tpu.memref_slice %arg3[%dma_wait3A_23, %dma_wait3A_24] : memref<8192x640xf32, #tpu.memory_space<hbm>> -> memref<8192x640xf32, #tpu.memory_space<hbm>>
      tpu.wait_indirect_dma semaphore(%arg10 : memref<!tpu.dma_semaphore, #tpu.memory_space<semaphore_mem>>) src(%dma_wait3A_25 : memref<8192x640xf32, #tpu.memory_space<hbm>>) dst(%arg8 : memref<64x640xf32, #tpu.memory_space<vmem>>)
      "tpu.region"() ({
        %run_scoped3A = tpu.sem_alloc : memref<!tpu.dma_semaphore, #tpu.memory_space<semaphore_mem>>
        %dma_start3A_26 = arith.constant 0 : i32
        %dma_start3A_27 = tpu.memref_slice %arg4[%add3A_15, %dma_start3A_26] : memref<32768x640xf32, #tpu.memory_space<hbm>> -> memref<64x640xf32, #tpu.memory_space<hbm>>
        %dma_start3A_28 = arith.constant 0 : i32
        %dma_start3A_29 = tpu.memref_slice %arg4[%add3A_15, %dma_start3A_28] : memref<32768x640xf32, #tpu.memory_space<hbm>> -> memref<64x640xf32, #tpu.memory_space<hbm>>
        tpu.enqueue_dma source(%arg8 : memref<64x640xf32, #tpu.memory_space<vmem>>) target(%dma_start3A_29 : memref<64x640xf32, #tpu.memory_space<hbm>>) target_semaphore(%run_scoped3A : memref<!tpu.dma_semaphore, #tpu.memory_space<semaphore_mem>>)
        %dma_wait3A_30 = arith.constant 0 : i32
        %dma_wait3A_31 = tpu.memref_slice %arg4[%add3A_15, %dma_wait3A_30] : memref<32768x640xf32, #tpu.memory_space<hbm>> -> memref<64x640xf32, #tpu.memory_space<hbm>>
        %dma_wait3A_32 = arith.constant 0 : i32
        %dma_wait3A_33 = tpu.memref_slice %arg4[%add3A_15, %dma_wait3A_32] : memref<32768x640xf32, #tpu.memory_space<hbm>> -> memref<64x640xf32, #tpu.memory_space<hbm>>
        tpu.wait_dma2 semaphore(%run_scoped3A : memref<!tpu.dma_semaphore, #tpu.memory_space<semaphore_mem>>) src(%arg8 : memref<64x640xf32, #tpu.memory_space<vmem>>) dst(%dma_wait3A_33 : memref<64x640xf32, #tpu.memory_space<hbm>>)
        tpu.yield
      }) : () -> ()
    }
    %scan3A_7 = arith.constant 8 : i32
    return
  }
}

#map = affine_map<(d0, d1) -> (0)>
#map1 = affine_map<(d0, d1) -> (0, 0)>
module attributes {stable_mosaic.version = 14 : i64} {
  func.func @_gather_body(%arg0: i32, %arg1: i32, %arg2: memref<32768xi32, #tpu.memory_space<hbm>>, %arg3: memref<8192x640xf32, #tpu.memory_space<hbm>>, %arg4: memref<32768x640xf32, #tpu.memory_space<hbm>>, %arg5: memref<64xi32, #tpu.memory_space<vmem>>, %arg6: memref<64xi32, #tpu.memory_space<vmem>>, %arg7: memref<64x640xf32, #tpu.memory_space<vmem>>, %arg8: memref<64x640xf32, #tpu.memory_space<vmem>>, %arg9: memref<!tpu.dma_semaphore, #tpu.memory_space<semaphore_mem>>, %arg10: memref<!tpu.dma_semaphore, #tpu.memory_space<semaphore_mem>>) attributes {dimension_semantics = [#tpu.dimension_semantics<core_parallel>, #tpu.dimension_semantics<subcore_parallel>], iteration_bounds = array<i64: 2, 16>, scalar_prefetch = 0 : i64, scratch_operands = 6 : i64, tpu.core_type = #tpu.core_type<sc_vector_subcore>, window_params = [{transform_indices = #map}, {transform_indices = #map1}, {transform_indices = #map1}]} {
    %mul3A = arith.constant 2 : i32
    %mul3A_0 = arith.muli %arg1, %mul3A : i32
    %add3A = arith.addi %mul3A_0, %arg0 : i32
    %mul3A_1 = arith.constant 1024 : i32
    %mul3A_2 = arith.muli %add3A, %mul3A_1 : i32
    %scan3A = arith.constant 0 : i32
    %scan3A_3 = arith.constant 0 : i32
    %scan3A_4 = arith.constant 8 : i32
    %scan3A_5 = arith.addi %scan3A_3, %scan3A_4 : i32
    %scan3A_6 = arith.constant 1 : i32
    scf.for %scan3A_8 = %scan3A_3 to %scan3A_5 step %scan3A_6  : i32 {
      %mul3A_9 = arith.constant 2 : i32
      %mul3A_10 = arith.muli %mul3A_9, %scan3A_8 : i32
      %mul3A_11 = arith.constant 64 : i32
      %mul3A_12 = arith.muli %mul3A_10, %mul3A_11 : i32
      %add3A_13 = arith.addi %mul3A_2, %mul3A_12 : i32
      %add3A_14 = arith.constant 64 : i32
      %add3A_15 = arith.addi %add3A_13, %add3A_14 : i32
      "tpu.region"() ({
        %run_scoped3A = tpu.sem_alloc : memref<!tpu.dma_semaphore, #tpu.memory_space<semaphore_mem>>
        %dma_start3A_26 = tpu.memref_slice %arg2[%add3A_13] : memref<32768xi32, #tpu.memory_space<hbm>> -> memref<64xi32, #tpu.memory_space<hbm>>
        %dma_start3A_27 = tpu.memref_slice %arg2[%add3A_13] : memref<32768xi32, #tpu.memory_space<hbm>> -> memref<64xi32, #tpu.memory_space<hbm>>
        tpu.enqueue_dma source(%dma_start3A_27 : memref<64xi32, #tpu.memory_space<hbm>>) target(%arg5 : memref<64xi32, #tpu.memory_space<vmem>>) target_semaphore(%run_scoped3A : memref<!tpu.dma_semaphore, #tpu.memory_space<semaphore_mem>>)
        %dma_wait3A_28 = tpu.memref_slice %arg2[%add3A_13] : memref<32768xi32, #tpu.memory_space<hbm>> -> memref<64xi32, #tpu.memory_space<hbm>>
        %dma_wait3A_29 = tpu.memref_slice %arg2[%add3A_13] : memref<32768xi32, #tpu.memory_space<hbm>> -> memref<64xi32, #tpu.memory_space<hbm>>
        tpu.wait_dma2 semaphore(%run_scoped3A : memref<!tpu.dma_semaphore, #tpu.memory_space<semaphore_mem>>) src(%dma_wait3A_29 : memref<64xi32, #tpu.memory_space<hbm>>) dst(%arg5 : memref<64xi32, #tpu.memory_space<vmem>>)
        tpu.yield
      }) : () -> ()
      %dma_start3A = arith.constant 0 : i32
      %dma_start3A_16 = arith.constant 0 : i32
      %dma_start3A_17 = tpu.memref_slice %arg3[%dma_start3A, %dma_start3A_16] : memref<8192x640xf32, #tpu.memory_space<hbm>> -> memref<8192x640xf32, #tpu.memory_space<hbm>>
      tpu.enqueue_indirect_dma source(%dma_start3A_17 : memref<8192x640xf32, #tpu.memory_space<hbm>>) target(%arg7 : memref<64x640xf32, #tpu.memory_space<vmem>>) offsets(%arg5 : memref<64xi32, #tpu.memory_space<vmem>>) semaphore(%arg9 : memref<!tpu.dma_semaphore, #tpu.memory_space<semaphore_mem>>)
      "tpu.region"() ({
        %run_scoped3A = tpu.sem_alloc : memref<!tpu.dma_semaphore, #tpu.memory_space<semaphore_mem>>
        %dma_start3A_26 = tpu.memref_slice %arg2[%add3A_15] : memref<32768xi32, #tpu.memory_space<hbm>> -> memref<64xi32, #tpu.memory_space<hbm>>
        %dma_start3A_27 = tpu.memref_slice %arg2[%add3A_15] : memref<32768xi32, #tpu.memory_space<hbm>> -> memref<64xi32, #tpu.memory_space<hbm>>
        tpu.enqueue_dma source(%dma_start3A_27 : memref<64xi32, #tpu.memory_space<hbm>>) target(%arg6 : memref<64xi32, #tpu.memory_space<vmem>>) target_semaphore(%run_scoped3A : memref<!tpu.dma_semaphore, #tpu.memory_space<semaphore_mem>>)
        %dma_wait3A_28 = tpu.memref_slice %arg2[%add3A_15] : memref<32768xi32, #tpu.memory_space<hbm>> -> memref<64xi32, #tpu.memory_space<hbm>>
        %dma_wait3A_29 = tpu.memref_slice %arg2[%add3A_15] : memref<32768xi32, #tpu.memory_space<hbm>> -> memref<64xi32, #tpu.memory_space<hbm>>
        tpu.wait_dma2 semaphore(%run_scoped3A : memref<!tpu.dma_semaphore, #tpu.memory_space<semaphore_mem>>) src(%dma_wait3A_29 : memref<64xi32, #tpu.memory_space<hbm>>) dst(%arg6 : memref<64xi32, #tpu.memory_space<vmem>>)
        tpu.yield
      }) : () -> ()
      %dma_start3A_18 = arith.constant 0 : i32
      %dma_start3A_19 = arith.constant 0 : i32
      %dma_start3A_20 = tpu.memref_slice %arg3[%dma_start3A_18, %dma_start3A_19] : memref<8192x640xf32, #tpu.memory_space<hbm>> -> memref<8192x640xf32, #tpu.memory_space<hbm>>
      tpu.enqueue_indirect_dma source(%dma_start3A_20 : memref<8192x640xf32, #tpu.memory_space<hbm>>) target(%arg8 : memref<64x640xf32, #tpu.memory_space<vmem>>) offsets(%arg6 : memref<64xi32, #tpu.memory_space<vmem>>) semaphore(%arg10 : memref<!tpu.dma_semaphore, #tpu.memory_space<semaphore_mem>>)
      %dma_wait3A = arith.constant 0 : i32
      %dma_wait3A_21 = arith.constant 0 : i32
      %dma_wait3A_22 = tpu.memref_slice %arg3[%dma_wait3A, %dma_wait3A_21] : memref<8192x640xf32, #tpu.memory_space<hbm>> -> memref<8192x640xf32, #tpu.memory_space<hbm>>
      tpu.wait_indirect_dma semaphore(%arg9 : memref<!tpu.dma_semaphore, #tpu.memory_space<semaphore_mem>>) src(%dma_wait3A_22 : memref<8192x640xf32, #tpu.memory_space<hbm>>) dst(%arg7 : memref<64x640xf32, #tpu.memory_space<vmem>>)
      "tpu.region"() ({
        %run_scoped3A = tpu.sem_alloc : memref<!tpu.dma_semaphore, #tpu.memory_space<semaphore_mem>>
        %dma_start3A_26 = arith.constant 0 : i32
        %dma_start3A_27 = tpu.memref_slice %arg4[%add3A_13, %dma_start3A_26] : memref<32768x640xf32, #tpu.memory_space<hbm>> -> memref<64x640xf32, #tpu.memory_space<hbm>>
        %dma_start3A_28 = arith.constant 0 : i32
        %dma_start3A_29 = tpu.memref_slice %arg4[%add3A_13, %dma_start3A_28] : memref<32768x640xf32, #tpu.memory_space<hbm>> -> memref<64x640xf32, #tpu.memory_space<hbm>>
        tpu.enqueue_dma source(%arg7 : memref<64x640xf32, #tpu.memory_space<vmem>>) target(%dma_start3A_29 : memref<64x640xf32, #tpu.memory_space<hbm>>) target_semaphore(%run_scoped3A : memref<!tpu.dma_semaphore, #tpu.memory_space<semaphore_mem>>)
        %dma_wait3A_30 = arith.constant 0 : i32
        %dma_wait3A_31 = tpu.memref_slice %arg4[%add3A_13, %dma_wait3A_30] : memref<32768x640xf32, #tpu.memory_space<hbm>> -> memref<64x640xf32, #tpu.memory_space<hbm>>
        %dma_wait3A_32 = arith.constant 0 : i32
        %dma_wait3A_33 = tpu.memref_slice %arg4[%add3A_13, %dma_wait3A_32] : memref<32768x640xf32, #tpu.memory_space<hbm>> -> memref<64x640xf32, #tpu.memory_space<hbm>>
        tpu.wait_dma2 semaphore(%run_scoped3A : memref<!tpu.dma_semaphore, #tpu.memory_space<semaphore_mem>>) src(%arg7 : memref<64x640xf32, #tpu.memory_space<vmem>>) dst(%dma_wait3A_33 : memref<64x640xf32, #tpu.memory_space<hbm>>)
        tpu.yield
      }) : () -> ()
      %dma_wait3A_23 = arith.constant 0 : i32
      %dma_wait3A_24 = arith.constant 0 : i32
      %dma_wait3A_25 = tpu.memref_slice %arg3[%dma_wait3A_23, %dma_wait3A_24] : memref<8192x640xf32, #tpu.memory_space<hbm>> -> memref<8192x640xf32, #tpu.memory_space<hbm>>
      tpu.wait_indirect_dma semaphore(%arg10 : memref<!tpu.dma_semaphore, #tpu.memory_space<semaphore_mem>>) src(%dma_wait3A_25 : memref<8192x640xf32, #tpu.memory_space<hbm>>) dst(%arg8 : memref<64x640xf32, #tpu.memory_space<vmem>>)
      "tpu.region"() ({
        %run_scoped3A = tpu.sem_alloc : memref<!tpu.dma_semaphore, #tpu.memory_space<semaphore_mem>>
        %dma_start3A_26 = arith.constant 0 : i32
        %dma_start3A_27 = tpu.memref_slice %arg4[%add3A_15, %dma_start3A_26] : memref<32768x640xf32, #tpu.memory_space<hbm>> -> memref<64x640xf32, #tpu.memory_space<hbm>>
        %dma_start3A_28 = arith.constant 0 : i32
        %dma_start3A_29 = tpu.memref_slice %arg4[%add3A_15, %dma_start3A_28] : memref<32768x640xf32, #tpu.memory_space<hbm>> -> memref<64x640xf32, #tpu.memory_space<hbm>>
        tpu.enqueue_dma source(%arg8 : memref<64x640xf32, #tpu.memory_space<vmem>>) target(%dma_start3A_29 : memref<64x640xf32, #tpu.memory_space<hbm>>) target_semaphore(%run_scoped3A : memref<!tpu.dma_semaphore, #tpu.memory_space<semaphore_mem>>)
        %dma_wait3A_30 = arith.constant 0 : i32
        %dma_wait3A_31 = tpu.memref_slice %arg4[%add3A_15, %dma_wait3A_30] : memref<32768x640xf32, #tpu.memory_space<hbm>> -> memref<64x640xf32, #tpu.memory_space<hbm>>
        %dma_wait3A_32 = arith.constant 0 : i32
        %dma_wait3A_33 = tpu.memref_slice %arg4[%add3A_15, %dma_wait3A_32] : memref<32768x640xf32, #tpu.memory_space<hbm>> -> memref<64x640xf32, #tpu.memory_space<hbm>>
        tpu.wait_dma2 semaphore(%run_scoped3A : memref<!tpu.dma_semaphore, #tpu.memory_space<semaphore_mem>>) src(%arg8 : memref<64x640xf32, #tpu.memory_space<vmem>>) dst(%dma_wait3A_33 : memref<64x640xf32, #tpu.memory_space<hbm>>)
        tpu.yield
      }) : () -> ()
    }
    %scan3A_7 = arith.constant 8 : i32
    return
  }
}

#map = affine_map<(d0, d1) -> (0)>
#map1 = affine_map<(d0, d1) -> (0, 0)>
module attributes {stable_mosaic.version = 14 : i64} {
  func.func @_gather_body(%arg0: i32, %arg1: i32, %arg2: memref<32768xi32, #tpu.memory_space<hbm>>, %arg3: memref<8192x640xf32, #tpu.memory_space<hbm>>, %arg4: memref<32768x640xf32, #tpu.memory_space<hbm>>, %arg5: memref<64xi32, #tpu.memory_space<vmem>>, %arg6: memref<64xi32, #tpu.memory_space<vmem>>, %arg7: memref<64x640xf32, #tpu.memory_space<vmem>>, %arg8: memref<64x640xf32, #tpu.memory_space<vmem>>, %arg9: memref<!tpu.dma_semaphore, #tpu.memory_space<semaphore_mem>>, %arg10: memref<!tpu.dma_semaphore, #tpu.memory_space<semaphore_mem>>) attributes {dimension_semantics = [#tpu.dimension_semantics<core_parallel>, #tpu.dimension_semantics<subcore_parallel>], iteration_bounds = array<i64: 2, 16>, scalar_prefetch = 0 : i64, scratch_operands = 6 : i64, tpu.core_type = #tpu.core_type<sc_vector_subcore>, window_params = [{transform_indices = #map}, {transform_indices = #map1}, {transform_indices = #map1}]} {
    %mul3A = arith.constant 2 : i32
    %mul3A_0 = arith.muli %arg1, %mul3A : i32
    %add3A = arith.addi %mul3A_0, %arg0 : i32
    %mul3A_1 = arith.constant 1024 : i32
    %mul3A_2 = arith.muli %add3A, %mul3A_1 : i32
    %scan3A = arith.constant 0 : i32
    %scan3A_3 = arith.constant 0 : i32
    %scan3A_4 = arith.constant 8 : i32
    %scan3A_5 = arith.addi %scan3A_3, %scan3A_4 : i32
    %scan3A_6 = arith.constant 1 : i32
    scf.for %scan3A_8 = %scan3A_3 to %scan3A_5 step %scan3A_6  : i32 {
      %mul3A_9 = arith.constant 2 : i32
      %mul3A_10 = arith.muli %mul3A_9, %scan3A_8 : i32
      %mul3A_11 = arith.constant 64 : i32
      %mul3A_12 = arith.muli %mul3A_10, %mul3A_11 : i32
      %add3A_13 = arith.addi %mul3A_2, %mul3A_12 : i32
      %add3A_14 = arith.constant 64 : i32
      %add3A_15 = arith.addi %add3A_13, %add3A_14 : i32
      "tpu.region"() ({
        %run_scoped3A = tpu.sem_alloc : memref<!tpu.dma_semaphore, #tpu.memory_space<semaphore_mem>>
        %dma_start3A_26 = tpu.memref_slice %arg2[%add3A_13] : memref<32768xi32, #tpu.memory_space<hbm>> -> memref<64xi32, #tpu.memory_space<hbm>>
        %dma_start3A_27 = tpu.memref_slice %arg2[%add3A_13] : memref<32768xi32, #tpu.memory_space<hbm>> -> memref<64xi32, #tpu.memory_space<hbm>>
        tpu.enqueue_dma source(%dma_start3A_27 : memref<64xi32, #tpu.memory_space<hbm>>) target(%arg5 : memref<64xi32, #tpu.memory_space<vmem>>) target_semaphore(%run_scoped3A : memref<!tpu.dma_semaphore, #tpu.memory_space<semaphore_mem>>)
        %dma_wait3A_28 = tpu.memref_slice %arg2[%add3A_13] : memref<32768xi32, #tpu.memory_space<hbm>> -> memref<64xi32, #tpu.memory_space<hbm>>
        %dma_wait3A_29 = tpu.memref_slice %arg2[%add3A_13] : memref<32768xi32, #tpu.memory_space<hbm>> -> memref<64xi32, #tpu.memory_space<hbm>>
        tpu.wait_dma2 semaphore(%run_scoped3A : memref<!tpu.dma_semaphore, #tpu.memory_space<semaphore_mem>>) src(%dma_wait3A_29 : memref<64xi32, #tpu.memory_space<hbm>>) dst(%arg5 : memref<64xi32, #tpu.memory_space<vmem>>)
        tpu.yield
      }) : () -> ()
      %dma_start3A = arith.constant 0 : i32
      %dma_start3A_16 = arith.constant 0 : i32
      %dma_start3A_17 = tpu.memref_slice %arg3[%dma_start3A, %dma_start3A_16] : memref<8192x640xf32, #tpu.memory_space<hbm>> -> memref<8192x640xf32, #tpu.memory_space<hbm>>
      tpu.enqueue_indirect_dma source(%dma_start3A_17 : memref<8192x640xf32, #tpu.memory_space<hbm>>) target(%arg7 : memref<64x640xf32, #tpu.memory_space<vmem>>) offsets(%arg5 : memref<64xi32, #tpu.memory_space<vmem>>) semaphore(%arg9 : memref<!tpu.dma_semaphore, #tpu.memory_space<semaphore_mem>>)
      "tpu.region"() ({
        %run_scoped3A = tpu.sem_alloc : memref<!tpu.dma_semaphore, #tpu.memory_space<semaphore_mem>>
        %dma_start3A_26 = tpu.memref_slice %arg2[%add3A_15] : memref<32768xi32, #tpu.memory_space<hbm>> -> memref<64xi32, #tpu.memory_space<hbm>>
        %dma_start3A_27 = tpu.memref_slice %arg2[%add3A_15] : memref<32768xi32, #tpu.memory_space<hbm>> -> memref<64xi32, #tpu.memory_space<hbm>>
        tpu.enqueue_dma source(%dma_start3A_27 : memref<64xi32, #tpu.memory_space<hbm>>) target(%arg6 : memref<64xi32, #tpu.memory_space<vmem>>) target_semaphore(%run_scoped3A : memref<!tpu.dma_semaphore, #tpu.memory_space<semaphore_mem>>)
        %dma_wait3A_28 = tpu.memref_slice %arg2[%add3A_15] : memref<32768xi32, #tpu.memory_space<hbm>> -> memref<64xi32, #tpu.memory_space<hbm>>
        %dma_wait3A_29 = tpu.memref_slice %arg2[%add3A_15] : memref<32768xi32, #tpu.memory_space<hbm>> -> memref<64xi32, #tpu.memory_space<hbm>>
        tpu.wait_dma2 semaphore(%run_scoped3A : memref<!tpu.dma_semaphore, #tpu.memory_space<semaphore_mem>>) src(%dma_wait3A_29 : memref<64xi32, #tpu.memory_space<hbm>>) dst(%arg6 : memref<64xi32, #tpu.memory_space<vmem>>)
        tpu.yield
      }) : () -> ()
      %dma_start3A_18 = arith.constant 0 : i32
      %dma_start3A_19 = arith.constant 0 : i32
      %dma_start3A_20 = tpu.memref_slice %arg3[%dma_start3A_18, %dma_start3A_19] : memref<8192x640xf32, #tpu.memory_space<hbm>> -> memref<8192x640xf32, #tpu.memory_space<hbm>>
      tpu.enqueue_indirect_dma source(%dma_start3A_20 : memref<8192x640xf32, #tpu.memory_space<hbm>>) target(%arg8 : memref<64x640xf32, #tpu.memory_space<vmem>>) offsets(%arg6 : memref<64xi32, #tpu.memory_space<vmem>>) semaphore(%arg10 : memref<!tpu.dma_semaphore, #tpu.memory_space<semaphore_mem>>)
      %dma_wait3A = arith.constant 0 : i32
      %dma_wait3A_21 = arith.constant 0 : i32
      %dma_wait3A_22 = tpu.memref_slice %arg3[%dma_wait3A, %dma_wait3A_21] : memref<8192x640xf32, #tpu.memory_space<hbm>> -> memref<8192x640xf32, #tpu.memory_space<hbm>>
      tpu.wait_indirect_dma semaphore(%arg9 : memref<!tpu.dma_semaphore, #tpu.memory_space<semaphore_mem>>) src(%dma_wait3A_22 : memref<8192x640xf32, #tpu.memory_space<hbm>>) dst(%arg7 : memref<64x640xf32, #tpu.memory_space<vmem>>)
      "tpu.region"() ({
        %run_scoped3A = tpu.sem_alloc : memref<!tpu.dma_semaphore, #tpu.memory_space<semaphore_mem>>
        %dma_start3A_26 = arith.constant 0 : i32
        %dma_start3A_27 = tpu.memref_slice %arg4[%add3A_13, %dma_start3A_26] : memref<32768x640xf32, #tpu.memory_space<hbm>> -> memref<64x640xf32, #tpu.memory_space<hbm>>
        %dma_start3A_28 = arith.constant 0 : i32
        %dma_start3A_29 = tpu.memref_slice %arg4[%add3A_13, %dma_start3A_28] : memref<32768x640xf32, #tpu.memory_space<hbm>> -> memref<64x640xf32, #tpu.memory_space<hbm>>
        tpu.enqueue_dma source(%arg7 : memref<64x640xf32, #tpu.memory_space<vmem>>) target(%dma_start3A_29 : memref<64x640xf32, #tpu.memory_space<hbm>>) target_semaphore(%run_scoped3A : memref<!tpu.dma_semaphore, #tpu.memory_space<semaphore_mem>>)
        %dma_wait3A_30 = arith.constant 0 : i32
        %dma_wait3A_31 = tpu.memref_slice %arg4[%add3A_13, %dma_wait3A_30] : memref<32768x640xf32, #tpu.memory_space<hbm>> -> memref<64x640xf32, #tpu.memory_space<hbm>>
        %dma_wait3A_32 = arith.constant 0 : i32
        %dma_wait3A_33 = tpu.memref_slice %arg4[%add3A_13, %dma_wait3A_32] : memref<32768x640xf32, #tpu.memory_space<hbm>> -> memref<64x640xf32, #tpu.memory_space<hbm>>
        tpu.wait_dma2 semaphore(%run_scoped3A : memref<!tpu.dma_semaphore, #tpu.memory_space<semaphore_mem>>) src(%arg7 : memref<64x640xf32, #tpu.memory_space<vmem>>) dst(%dma_wait3A_33 : memref<64x640xf32, #tpu.memory_space<hbm>>)
        tpu.yield
      }) : () -> ()
      %dma_wait3A_23 = arith.constant 0 : i32
      %dma_wait3A_24 = arith.constant 0 : i32
      %dma_wait3A_25 = tpu.memref_slice %arg3[%dma_wait3A_23, %dma_wait3A_24] : memref<8192x640xf32, #tpu.memory_space<hbm>> -> memref<8192x640xf32, #tpu.memory_space<hbm>>
      tpu.wait_indirect_dma semaphore(%arg10 : memref<!tpu.dma_semaphore, #tpu.memory_space<semaphore_mem>>) src(%dma_wait3A_25 : memref<8192x640xf32, #tpu.memory_space<hbm>>) dst(%arg8 : memref<64x640xf32, #tpu.memory_space<vmem>>)
      "tpu.region"() ({
        %run_scoped3A = tpu.sem_alloc : memref<!tpu.dma_semaphore, #tpu.memory_space<semaphore_mem>>
        %dma_start3A_26 = arith.constant 0 : i32
        %dma_start3A_27 = tpu.memref_slice %arg4[%add3A_15, %dma_start3A_26] : memref<32768x640xf32, #tpu.memory_space<hbm>> -> memref<64x640xf32, #tpu.memory_space<hbm>>
        %dma_start3A_28 = arith.constant 0 : i32
        %dma_start3A_29 = tpu.memref_slice %arg4[%add3A_15, %dma_start3A_28] : memref<32768x640xf32, #tpu.memory_space<hbm>> -> memref<64x640xf32, #tpu.memory_space<hbm>>
        tpu.enqueue_dma source(%arg8 : memref<64x640xf32, #tpu.memory_space<vmem>>) target(%dma_start3A_29 : memref<64x640xf32, #tpu.memory_space<hbm>>) target_semaphore(%run_scoped3A : memref<!tpu.dma_semaphore, #tpu.memory_space<semaphore_mem>>)
        %dma_wait3A_30 = arith.constant 0 : i32
        %dma_wait3A_31 = tpu.memref_slice %arg4[%add3A_15, %dma_wait3A_30] : memref<32768x640xf32, #tpu.memory_space<hbm>> -> memref<64x640xf32, #tpu.memory_space<hbm>>
        %dma_wait3A_32 = arith.constant 0 : i32
        %dma_wait3A_33 = tpu.memref_slice %arg4[%add3A_15, %dma_wait3A_32] : memref<32768x640xf32, #tpu.memory_space<hbm>> -> memref<64x640xf32, #tpu.memory_space<hbm>>
        tpu.wait_dma2 semaphore(%run_scoped3A : memref<!tpu.dma_semaphore, #tpu.memory_space<semaphore_mem>>) src(%arg8 : memref<64x640xf32, #tpu.memory_space<vmem>>) dst(%dma_wait3A_33 : memref<64x640xf32, #tpu.memory_space<hbm>>)
        tpu.yield
      }) : () -> ()
    }
    %scan3A_7 = arith.constant 8 : i32
    return
  }
}

module attributes {stable_mosaic.version = 14 : i64} {
  func.func @_knn_body(%arg0: i32, %arg1: memref<16xi32, #tpu.memory_space<smem>>, %arg2: memref<16xi32, #tpu.memory_space<smem>>, %arg3: memref<128x1xf32, #tpu.memory_space<vmem>>, %arg4: memref<128x1xf32, #tpu.memory_space<vmem>>, %arg5: memref<128x1xf32, #tpu.memory_space<vmem>>, %arg6: memref<128x1xi32, #tpu.memory_space<vmem>>, %arg7: memref<8x1024xf32, #tpu.memory_space<vmem>>, %arg8: memref<8x1024xf32, #tpu.memory_space<vmem>>, %arg9: memref<8x1024xf32, #tpu.memory_space<vmem>>, %arg10: memref<8x1024xi32, #tpu.memory_space<vmem>>, %arg11: memref<128x16xi32, #tpu.memory_space<vmem>>) attributes {dimension_semantics = [#tpu.dimension_semantics<arbitrary>], iteration_bounds = array<i64: 16>, scalar_prefetch = 2 : i64, scratch_operands = 0 : i64, tpu.core_type = #tpu.core_type<tc>, window_params = [{transform_indices = @transform_0, window_bounds = array<i64: 128, 1>}, {transform_indices = @transform_1, window_bounds = array<i64: 128, 1>}, {transform_indices = @transform_2, window_bounds = array<i64: 128, 1>}, {transform_indices = @transform_3, window_bounds = array<i64: 128, 1>}, {pipeline_mode = #tpu.pipeline_mode<synchronous>, transform_indices = @transform_4, window_bounds = array<i64: 8, 1024>}, {pipeline_mode = #tpu.pipeline_mode<synchronous>, transform_indices = @transform_5, window_bounds = array<i64: 8, 1024>}, {pipeline_mode = #tpu.pipeline_mode<synchronous>, transform_indices = @transform_6, window_bounds = array<i64: 8, 1024>}, {pipeline_mode = #tpu.pipeline_mode<synchronous>, transform_indices = @transform_7, window_bounds = array<i64: 8, 1024>}, {transform_indices = @transform_8, window_bounds = array<i64: 128, 16>}]} {
    %get3A = arith.index_cast %arg0 : i32 to index
    %get3A_0 = memref.load %arg1[%get3A] : memref<16xi32, #tpu.memory_space<smem>>
    %get3A_1 = arith.index_cast %arg0 : i32 to index
    %get3A_2 = memref.load %arg2[%get3A_1] : memref<16xi32, #tpu.memory_space<smem>>
    %get3A_3 = arith.constant 0 : index
    %get3A_4 = arith.constant 0 : index
    %get3A_5 = vector.load %arg3[%get3A_3, %get3A_4] : memref<128x1xf32, #tpu.memory_space<vmem>>, vector<128x1xf32>
    %get3A_6 = arith.constant 0 : index
    %get3A_7 = arith.constant 0 : index
    %get3A_8 = vector.load %arg4[%get3A_6, %get3A_7] : memref<128x1xf32, #tpu.memory_space<vmem>>, vector<128x1xf32>
    %get3A_9 = arith.constant 0 : index
    %get3A_10 = arith.constant 0 : index
    %get3A_11 = vector.load %arg5[%get3A_9, %get3A_10] : memref<128x1xf32, #tpu.memory_space<vmem>>, vector<128x1xf32>
    %get3A_12 = arith.constant 0 : index
    %get3A_13 = arith.constant 0 : index
    %get3A_14 = vector.load %arg6[%get3A_12, %get3A_13] : memref<128x1xi32, #tpu.memory_space<vmem>>, vector<128x1xi32>
    %iota3A = tpu.iota {dimensions = array<i32: 1>} : vector<128x1040xi32>
    %iota3A_15 = tpu.iota {dimensions = array<i32: 1>} : vector<128x16xi32>
    %broadcast_in_dim3A = arith.constant 0x7F800000 : f32
    %broadcast_in_dim3A_16 = vector.broadcast %broadcast_in_dim3A : f32 to vector<128x16xf32>
    %broadcast_in_dim3A_17 = arith.constant 0 : i32
    %broadcast_in_dim3A_18 = vector.broadcast %broadcast_in_dim3A_17 : i32 to vector<128x16xi32>
    %jit3A = arith.constant 1024 : i32
    %div3A = arith.divsi %get3A_0, %jit3A : i32
    %sign3A = arith.constant 0 : i32
    %sign3A_19 = arith.cmpi sgt, %get3A_0, %sign3A : i32
    %sign3A_20 = arith.extui %sign3A_19 : i1 to i32
    %sign3A_21 = arith.constant 0 : i32
    %sign3A_22 = arith.cmpi slt, %get3A_0, %sign3A_21 : i32
    %sign3A_23 = arith.extui %sign3A_22 : i1 to i32
    %sign3A_24 = arith.subi %sign3A_20, %sign3A_23 : i32
    %sign3A_25 = arith.constant 0 : i32
    %sign3A_26 = arith.cmpi sgt, %jit3A, %sign3A_25 : i32
    %sign3A_27 = arith.extui %sign3A_26 : i1 to i32
    %sign3A_28 = arith.constant 0 : i32
    %sign3A_29 = arith.cmpi slt, %jit3A, %sign3A_28 : i32
    %sign3A_30 = arith.extui %sign3A_29 : i1 to i32
    %sign3A_31 = arith.subi %sign3A_27, %sign3A_30 : i32
    %ne3A = arith.cmpi ne, %sign3A_24, %sign3A_31 : i32
    %rem3A = arith.remsi %get3A_0, %jit3A : i32
    %ne3A_32 = arith.constant 0 : i32
    %ne3A_33 = arith.cmpi ne, %rem3A, %ne3A_32 : i32
    %and3A = arith.andi %ne3A, %ne3A_33 : i1
    %sub3A = arith.constant 1 : i32
    %sub3A_34 = arith.subi %div3A, %sub3A : i32
    %select_n3A = arith.select %and3A, %sub3A_34, %div3A : i32
    %add3A = arith.constant 1024 : i32
    %add3A_35 = arith.addi %get3A_2, %add3A : i32
    %sub3A_36 = arith.constant 1 : i32
    %sub3A_37 = arith.subi %add3A_35, %sub3A_36 : i32
    %jit3A_38 = arith.constant 1024 : i32
    %div3A_39 = arith.divsi %sub3A_37, %jit3A_38 : i32
    %sign3A_40 = arith.constant 0 : i32
    %sign3A_41 = arith.cmpi sgt, %sub3A_37, %sign3A_40 : i32
    %sign3A_42 = arith.extui %sign3A_41 : i1 to i32
    %sign3A_43 = arith.constant 0 : i32
    %sign3A_44 = arith.cmpi slt, %sub3A_37, %sign3A_43 : i32
    %sign3A_45 = arith.extui %sign3A_44 : i1 to i32
    %sign3A_46 = arith.subi %sign3A_42, %sign3A_45 : i32
    %sign3A_47 = arith.constant 0 : i32
    %sign3A_48 = arith.cmpi sgt, %jit3A_38, %sign3A_47 : i32
    %sign3A_49 = arith.extui %sign3A_48 : i1 to i32
    %sign3A_50 = arith.constant 0 : i32
    %sign3A_51 = arith.cmpi slt, %jit3A_38, %sign3A_50 : i32
    %sign3A_52 = arith.extui %sign3A_51 : i1 to i32
    %sign3A_53 = arith.subi %sign3A_49, %sign3A_52 : i32
    %ne3A_54 = arith.cmpi ne, %sign3A_46, %sign3A_53 : i32
    %rem3A_55 = arith.remsi %sub3A_37, %jit3A_38 : i32
    %ne3A_56 = arith.constant 0 : i32
    %ne3A_57 = arith.cmpi ne, %rem3A_55, %ne3A_56 : i32
    %and3A_58 = arith.andi %ne3A_54, %ne3A_57 : i1
    %sub3A_59 = arith.constant 1 : i32
    %sub3A_60 = arith.subi %div3A_39, %sub3A_59 : i32
    %select_n3A_61 = arith.select %and3A_58, %sub3A_60, %div3A_39 : i32
    %while3A = arith.constant 0x7F800000 : f32
    %while3A_62 = arith.subi %select_n3A_61, %select_n3A : i32
    %while3A_63 = arith.addi %select_n3A, %while3A_62 : i32
    %while3A_64 = arith.constant 1 : i32
    %while3A_65 = arith.divsi %while3A_62, %while3A_64 : i32
    %while3A_66 = arith.muli %while3A_65, %while3A_64 : i32
    %while3A_67 = arith.addi %select_n3A, %while3A_66 : i32
    %while3A_68 = arith.constant 1 : i32
    %while3A_69:2 = scf.for %while3A_74 = %select_n3A to %while3A_67 step %while3A_68 iter_args(%while3A_75 = %broadcast_in_dim3A_16, %while3A_76 = %broadcast_in_dim3A_18) -> (vector<128x16xf32>, vector<128x16xi32>)  : i32 {
      %get3A_77 = arith.index_cast %while3A_74 : i32 to index
      %get3A_78 = arith.constant 0 : index
      %get3A_79 = vector.load %arg7[%get3A_77, %get3A_78] : memref<8x1024xf32, #tpu.memory_space<vmem>>, vector<1x1024xf32>
      %get3A_80 = arith.index_cast %while3A_74 : i32 to index
      %get3A_81 = arith.constant 0 : index
      %get3A_82 = vector.load %arg8[%get3A_80, %get3A_81] : memref<8x1024xf32, #tpu.memory_space<vmem>>, vector<1x1024xf32>
      %get3A_83 = arith.index_cast %while3A_74 : i32 to index
      %get3A_84 = arith.constant 0 : index
      %get3A_85 = vector.load %arg9[%get3A_83, %get3A_84] : memref<8x1024xf32, #tpu.memory_space<vmem>>, vector<1x1024xf32>
      %get3A_86 = arith.index_cast %while3A_74 : i32 to index
      %get3A_87 = arith.constant 0 : index
      %get3A_88 = vector.load %arg10[%get3A_86, %get3A_87] : memref<8x1024xi32, #tpu.memory_space<vmem>>, vector<1x1024xi32>
      %sub3A_89 = vector.broadcast %get3A_5 : vector<128x1xf32> to vector<128x1024xf32>
      %sub3A_90 = vector.broadcast %get3A_79 : vector<1x1024xf32> to vector<128x1024xf32>
      %sub3A_91 = arith.subf %sub3A_89, %sub3A_90 : vector<128x1024xf32>
      %integer_pow3A = arith.mulf %sub3A_91, %sub3A_91 : vector<128x1024xf32>
      %sub3A_92 = vector.broadcast %get3A_8 : vector<128x1xf32> to vector<128x1024xf32>
      %sub3A_93 = vector.broadcast %get3A_82 : vector<1x1024xf32> to vector<128x1024xf32>
      %sub3A_94 = arith.subf %sub3A_92, %sub3A_93 : vector<128x1024xf32>
      %integer_pow3A_95 = arith.mulf %sub3A_94, %sub3A_94 : vector<128x1024xf32>
      %add3A_96 = arith.addf %integer_pow3A, %integer_pow3A_95 : vector<128x1024xf32>
      %sub3A_97 = vector.broadcast %get3A_11 : vector<128x1xf32> to vector<128x1024xf32>
      %sub3A_98 = vector.broadcast %get3A_85 : vector<1x1024xf32> to vector<128x1024xf32>
      %sub3A_99 = arith.subf %sub3A_97, %sub3A_98 : vector<128x1024xf32>
      %integer_pow3A_100 = arith.mulf %sub3A_99, %sub3A_99 : vector<128x1024xf32>
      %add3A_101 = arith.addf %add3A_96, %integer_pow3A_100 : vector<128x1024xf32>
      %eq3A = vector.broadcast %get3A_14 : vector<128x1xi32> to vector<128x1024xi32>
      %eq3A_102 = vector.broadcast %get3A_88 : vector<1x1024xi32> to vector<128x1024xi32>
      %eq3A_103 = arith.cmpi eq, %eq3A, %eq3A_102 : vector<128x1024xi32>
      %broadcast_in_dim3A_104 = vector.broadcast %while3A : f32 to vector<128x1024xf32>
      %select_n3A_105 = arith.select %eq3A_103, %add3A_101, %broadcast_in_dim3A_104 : vector<128x1024xi1>, vector<128x1024xf32>
      %concatenate3A = tpu.concatenate %select_n3A_105, %while3A_75 in 1 : vector<128x1024xf32>, vector<128x16xf32> -> vector<128x1040xf32>
      %mul3A = arith.constant 1024 : i32
      %mul3A_106 = arith.muli %while3A_74, %mul3A : i32
      %reduce_min3A = arith.constant dense<0x7F800000> : vector<128xf32>
      %reduce_min3A_107 = vector.multi_reduction <minimumf>, %concatenate3A, %reduce_min3A [1] : vector<128x1040xf32> to vector<128xf32>
      %broadcast_in_dim3A_108 = vector.shape_cast %reduce_min3A_107 : vector<128xf32> to vector<128x1xf32>
      %le3A = vector.broadcast %broadcast_in_dim3A_108 : vector<128x1xf32> to vector<128x1040xf32>
      %le3A_109 = arith.cmpf ole, %concatenate3A, %le3A : vector<128x1040xf32>
      %jit3A_110 = arith.constant 1040 : i32
      %broadcast_in_dim3A_111 = vector.broadcast %jit3A_110 : i32 to vector<128x1040xi32>
      %select_n3A_112 = arith.select %le3A_109, %iota3A, %broadcast_in_dim3A_111 : vector<128x1040xi1>, vector<128x1040xi32>
      %reduce_min3A_113 = arith.constant dense<2147483647> : vector<128xi32>
      %reduce_min3A_114 = vector.multi_reduction <minsi>, %select_n3A_112, %reduce_min3A_113 [1] : vector<128x1040xi32> to vector<128xi32>
      %broadcast_in_dim3A_115 = vector.shape_cast %reduce_min3A_114 : vector<128xi32> to vector<128x1xi32>
      %sub3A_116 = arith.constant 1024 : i32
      %sub3A_117 = vector.broadcast %sub3A_116 : i32 to vector<128x1xi32>
      %sub3A_118 = arith.subi %broadcast_in_dim3A_115, %sub3A_117 : vector<128x1xi32>
      %eq3A_119 = vector.broadcast %sub3A_118 : vector<128x1xi32> to vector<128x16xi32>
      %eq3A_120 = arith.cmpi eq, %iota3A_15, %eq3A_119 : vector<128x16xi32>
      %jit3A_121 = arith.constant 0 : i32
      %broadcast_in_dim3A_122 = vector.broadcast %jit3A_121 : i32 to vector<128x16xi32>
      %select_n3A_123 = arith.select %eq3A_120, %while3A_76, %broadcast_in_dim3A_122 : vector<128x16xi1>, vector<128x16xi32>
      %reduce_sum3A = arith.constant dense<0> : vector<128xi32>
      %reduce_sum3A_124 = vector.multi_reduction <add>, %select_n3A_123, %reduce_sum3A [1] : vector<128x16xi32> to vector<128xi32>
      %broadcast_in_dim3A_125 = vector.shape_cast %reduce_sum3A_124 : vector<128xi32> to vector<128x1xi32>
      %lt3A = arith.constant 1024 : i32
      %lt3A_126 = vector.broadcast %lt3A : i32 to vector<128x1xi32>
      %lt3A_127 = arith.cmpi slt, %broadcast_in_dim3A_115, %lt3A_126 : vector<128x1xi32>
      %add3A_128 = vector.broadcast %mul3A_106 : i32 to vector<128x1xi32>
      %add3A_129 = arith.addi %add3A_128, %broadcast_in_dim3A_115 : vector<128x1xi32>
      %select_n3A_130 = arith.select %lt3A_127, %add3A_129, %broadcast_in_dim3A_125 : vector<128x1xi1>, vector<128x1xi32>
      %broadcast_in_dim3A_131 = vector.broadcast %while3A : f32 to vector<128x1040xf32>
      %select_n3A_132 = arith.select %le3A_109, %broadcast_in_dim3A_131, %concatenate3A : vector<128x1040xi1>, vector<128x1040xf32>
      %reduce_min3A_133 = arith.constant dense<0x7F800000> : vector<128xf32>
      %reduce_min3A_134 = vector.multi_reduction <minimumf>, %select_n3A_132, %reduce_min3A_133 [1] : vector<128x1040xf32> to vector<128xf32>
      %broadcast_in_dim3A_135 = vector.shape_cast %reduce_min3A_134 : vector<128xf32> to vector<128x1xf32>
      %le3A_136 = vector.broadcast %broadcast_in_dim3A_135 : vector<128x1xf32> to vector<128x1040xf32>
      %le3A_137 = arith.cmpf ole, %select_n3A_132, %le3A_136 : vector<128x1040xf32>
      %jit3A_138 = arith.constant 1040 : i32
      %broadcast_in_dim3A_139 = vector.broadcast %jit3A_138 : i32 to vector<128x1040xi32>
      %select_n3A_140 = arith.select %le3A_137, %iota3A, %broadcast_in_dim3A_139 : vector<128x1040xi1>, vector<128x1040xi32>
      %reduce_min3A_141 = arith.constant dense<2147483647> : vector<128xi32>
      %reduce_min3A_142 = vector.multi_reduction <minsi>, %select_n3A_140, %reduce_min3A_141 [1] : vector<128x1040xi32> to vector<128xi32>
      %broadcast_in_dim3A_143 = vector.shape_cast %reduce_min3A_142 : vector<128xi32> to vector<128x1xi32>
      %sub3A_144 = arith.constant 1024 : i32
      %sub3A_145 = vector.broadcast %sub3A_144 : i32 to vector<128x1xi32>
      %sub3A_146 = arith.subi %broadcast_in_dim3A_143, %sub3A_145 : vector<128x1xi32>
      %eq3A_147 = vector.broadcast %sub3A_146 : vector<128x1xi32> to vector<128x16xi32>
      %eq3A_148 = arith.cmpi eq, %iota3A_15, %eq3A_147 : vector<128x16xi32>
      %jit3A_149 = arith.constant 0 : i32
      %broadcast_in_dim3A_150 = vector.broadcast %jit3A_149 : i32 to vector<128x16xi32>
      %select_n3A_151 = arith.select %eq3A_148, %while3A_76, %broadcast_in_dim3A_150 : vector<128x16xi1>, vector<128x16xi32>
      %reduce_sum3A_152 = arith.constant dense<0> : vector<128xi32>
      %reduce_sum3A_153 = vector.multi_reduction <add>, %select_n3A_151, %reduce_sum3A_152 [1] : vector<128x16xi32> to vector<128xi32>
      %broadcast_in_dim3A_154 = vector.shape_cast %reduce_sum3A_153 : vector<128xi32> to vector<128x1xi32>
      %lt3A_155 = arith.constant 1024 : i32
      %lt3A_156 = vector.broadcast %lt3A_155 : i32 to vector<128x1xi32>
      %lt3A_157 = arith.cmpi slt, %broadcast_in_dim3A_143, %lt3A_156 : vector<128x1xi32>
      %add3A_158 = vector.broadcast %mul3A_106 : i32 to vector<128x1xi32>
      %add3A_159 = arith.addi %add3A_158, %broadcast_in_dim3A_143 : vector<128x1xi32>
      %select_n3A_160 = arith.select %lt3A_157, %add3A_159, %broadcast_in_dim3A_154 : vector<128x1xi1>, vector<128x1xi32>
      %broadcast_in_dim3A_161 = vector.broadcast %while3A : f32 to vector<128x1040xf32>
      %select_n3A_162 = arith.select %le3A_137, %broadcast_in_dim3A_161, %select_n3A_132 : vector<128x1040xi1>, vector<128x1040xf32>
      %reduce_min3A_163 = arith.constant dense<0x7F800000> : vector<128xf32>
      %reduce_min3A_164 = vector.multi_reduction <minimumf>, %select_n3A_162, %reduce_min3A_163 [1] : vector<128x1040xf32> to vector<128xf32>
      %broadcast_in_dim3A_165 = vector.shape_cast %reduce_min3A_164 : vector<128xf32> to vector<128x1xf32>
      %le3A_166 = vector.broadcast %broadcast_in_dim3A_165 : vector<128x1xf32> to vector<128x1040xf32>
      %le3A_167 = arith.cmpf ole, %select_n3A_162, %le3A_166 : vector<128x1040xf32>
      %jit3A_168 = arith.constant 1040 : i32
      %broadcast_in_dim3A_169 = vector.broadcast %jit3A_168 : i32 to vector<128x1040xi32>
      %select_n3A_170 = arith.select %le3A_167, %iota3A, %broadcast_in_dim3A_169 : vector<128x1040xi1>, vector<128x1040xi32>
      %reduce_min3A_171 = arith.constant dense<2147483647> : vector<128xi32>
      %reduce_min3A_172 = vector.multi_reduction <minsi>, %select_n3A_170, %reduce_min3A_171 [1] : vector<128x1040xi32> to vector<128xi32>
      %broadcast_in_dim3A_173 = vector.shape_cast %reduce_min3A_172 : vector<128xi32> to vector<128x1xi32>
      %sub3A_174 = arith.constant 1024 : i32
      %sub3A_175 = vector.broadcast %sub3A_174 : i32 to vector<128x1xi32>
      %sub3A_176 = arith.subi %broadcast_in_dim3A_173, %sub3A_175 : vector<128x1xi32>
      %eq3A_177 = vector.broadcast %sub3A_176 : vector<128x1xi32> to vector<128x16xi32>
      %eq3A_178 = arith.cmpi eq, %iota3A_15, %eq3A_177 : vector<128x16xi32>
      %jit3A_179 = arith.constant 0 : i32
      %broadcast_in_dim3A_180 = vector.broadcast %jit3A_179 : i32 to vector<128x16xi32>
      %select_n3A_181 = arith.select %eq3A_178, %while3A_76, %broadcast_in_dim3A_180 : vector<128x16xi1>, vector<128x16xi32>
      %reduce_sum3A_182 = arith.constant dense<0> : vector<128xi32>
      %reduce_sum3A_183 = vector.multi_reduction <add>, %select_n3A_181, %reduce_sum3A_182 [1] : vector<128x16xi32> to vector<128xi32>
      %broadcast_in_dim3A_184 = vector.shape_cast %reduce_sum3A_183 : vector<128xi32> to vector<128x1xi32>
      %lt3A_185 = arith.constant 1024 : i32
      %lt3A_186 = vector.broadcast %lt3A_185 : i32 to vector<128x1xi32>
      %lt3A_187 = arith.cmpi slt, %broadcast_in_dim3A_173, %lt3A_186 : vector<128x1xi32>
      %add3A_188 = vector.broadcast %mul3A_106 : i32 to vector<128x1xi32>
      %add3A_189 = arith.addi %add3A_188, %broadcast_in_dim3A_173 : vector<128x1xi32>
      %select_n3A_190 = arith.select %lt3A_187, %add3A_189, %broadcast_in_dim3A_184 : vector<128x1xi1>, vector<128x1xi32>
      %broadcast_in_dim3A_191 = vector.broadcast %while3A : f32 to vector<128x1040xf32>
      %select_n3A_192 = arith.select %le3A_167, %broadcast_in_dim3A_191, %select_n3A_162 : vector<128x1040xi1>, vector<128x1040xf32>
      %reduce_min3A_193 = arith.constant dense<0x7F800000> : vector<128xf32>
      %reduce_min3A_194 = vector.multi_reduction <minimumf>, %select_n3A_192, %reduce_min3A_193 [1] : vector<128x1040xf32> to vector<128xf32>
      %broadcast_in_dim3A_195 = vector.shape_cast %reduce_min3A_194 : vector<128xf32> to vector<128x1xf32>
      %le3A_196 = vector.broadcast %broadcast_in_dim3A_195 : vector<128x1xf32> to vector<128x1040xf32>
      %le3A_197 = arith.cmpf ole, %select_n3A_192, %le3A_196 : vector<128x1040xf32>
      %jit3A_198 = arith.constant 1040 : i32
      %broadcast_in_dim3A_199 = vector.broadcast %jit3A_198 : i32 to vector<128x1040xi32>
      %select_n3A_200 = arith.select %le3A_197, %iota3A, %broadcast_in_dim3A_199 : vector<128x1040xi1>, vector<128x1040xi32>
      %reduce_min3A_201 = arith.constant dense<2147483647> : vector<128xi32>
      %reduce_min3A_202 = vector.multi_reduction <minsi>, %select_n3A_200, %reduce_min3A_201 [1] : vector<128x1040xi32> to vector<128xi32>
      %broadcast_in_dim3A_203 = vector.shape_cast %reduce_min3A_202 : vector<128xi32> to vector<128x1xi32>
      %sub3A_204 = arith.constant 1024 : i32
      %sub3A_205 = vector.broadcast %sub3A_204 : i32 to vector<128x1xi32>
      %sub3A_206 = arith.subi %broadcast_in_dim3A_203, %sub3A_205 : vector<128x1xi32>
      %eq3A_207 = vector.broadcast %sub3A_206 : vector<128x1xi32> to vector<128x16xi32>
      %eq3A_208 = arith.cmpi eq, %iota3A_15, %eq3A_207 : vector<128x16xi32>
      %jit3A_209 = arith.constant 0 : i32
      %broadcast_in_dim3A_210 = vector.broadcast %jit3A_209 : i32 to vector<128x16xi32>
      %select_n3A_211 = arith.select %eq3A_208, %while3A_76, %broadcast_in_dim3A_210 : vector<128x16xi1>, vector<128x16xi32>
      %reduce_sum3A_212 = arith.constant dense<0> : vector<128xi32>
      %reduce_sum3A_213 = vector.multi_reduction <add>, %select_n3A_211, %reduce_sum3A_212 [1] : vector<128x16xi32> to vector<128xi32>
      %broadcast_in_dim3A_214 = vector.shape_cast %reduce_sum3A_213 : vector<128xi32> to vector<128x1xi32>
      %lt3A_215 = arith.constant 1024 : i32
      %lt3A_216 = vector.broadcast %lt3A_215 : i32 to vector<128x1xi32>
      %lt3A_217 = arith.cmpi slt, %broadcast_in_dim3A_203, %lt3A_216 : vector<128x1xi32>
      %add3A_218 = vector.broadcast %mul3A_106 : i32 to vector<128x1xi32>
      %add3A_219 = arith.addi %add3A_218, %broadcast_in_dim3A_203 : vector<128x1xi32>
      %select_n3A_220 = arith.select %lt3A_217, %add3A_219, %broadcast_in_dim3A_214 : vector<128x1xi1>, vector<128x1xi32>
      %broadcast_in_dim3A_221 = vector.broadcast %while3A : f32 to vector<128x1040xf32>
      %select_n3A_222 = arith.select %le3A_197, %broadcast_in_dim3A_221, %select_n3A_192 : vector<128x1040xi1>, vector<128x1040xf32>
      %reduce_min3A_223 = arith.constant dense<0x7F800000> : vector<128xf32>
      %reduce_min3A_224 = vector.multi_reduction <minimumf>, %select_n3A_222, %reduce_min3A_223 [1] : vector<128x1040xf32> to vector<128xf32>
      %broadcast_in_dim3A_225 = vector.shape_cast %reduce_min3A_224 : vector<128xf32> to vector<128x1xf32>
      %le3A_226 = vector.broadcast %broadcast_in_dim3A_225 : vector<128x1xf32> to vector<128x1040xf32>
      %le3A_227 = arith.cmpf ole, %select_n3A_222, %le3A_226 : vector<128x1040xf32>
      %jit3A_228 = arith.constant 1040 : i32
      %broadcast_in_dim3A_229 = vector.broadcast %jit3A_228 : i32 to vector<128x1040xi32>
      %select_n3A_230 = arith.select %le3A_227, %iota3A, %broadcast_in_dim3A_229 : vector<128x1040xi1>, vector<128x1040xi32>
      %reduce_min3A_231 = arith.constant dense<2147483647> : vector<128xi32>
      %reduce_min3A_232 = vector.multi_reduction <minsi>, %select_n3A_230, %reduce_min3A_231 [1] : vector<128x1040xi32> to vector<128xi32>
      %broadcast_in_dim3A_233 = vector.shape_cast %reduce_min3A_232 : vector<128xi32> to vector<128x1xi32>
      %sub3A_234 = arith.constant 1024 : i32
      %sub3A_235 = vector.broadcast %sub3A_234 : i32 to vector<128x1xi32>
      %sub3A_236 = arith.subi %broadcast_in_dim3A_233, %sub3A_235 : vector<128x1xi32>
      %eq3A_237 = vector.broadcast %sub3A_236 : vector<128x1xi32> to vector<128x16xi32>
      %eq3A_238 = arith.cmpi eq, %iota3A_15, %eq3A_237 : vector<128x16xi32>
      %jit3A_239 = arith.constant 0 : i32
      %broadcast_in_dim3A_240 = vector.broadcast %jit3A_239 : i32 to vector<128x16xi32>
      %select_n3A_241 = arith.select %eq3A_238, %while3A_76, %broadcast_in_dim3A_240 : vector<128x16xi1>, vector<128x16xi32>
      %reduce_sum3A_242 = arith.constant dense<0> : vector<128xi32>
      %reduce_sum3A_243 = vector.multi_reduction <add>, %select_n3A_241, %reduce_sum3A_242 [1] : vector<128x16xi32> to vector<128xi32>
      %broadcast_in_dim3A_244 = vector.shape_cast %reduce_sum3A_243 : vector<128xi32> to vector<128x1xi32>
      %lt3A_245 = arith.constant 1024 : i32
      %lt3A_246 = vector.broadcast %lt3A_245 : i32 to vector<128x1xi32>
      %lt3A_247 = arith.cmpi slt, %broadcast_in_dim3A_233, %lt3A_246 : vector<128x1xi32>
      %add3A_248 = vector.broadcast %mul3A_106 : i32 to vector<128x1xi32>
      %add3A_249 = arith.addi %add3A_248, %broadcast_in_dim3A_233 : vector<128x1xi32>
      %select_n3A_250 = arith.select %lt3A_247, %add3A_249, %broadcast_in_dim3A_244 : vector<128x1xi1>, vector<128x1xi32>
      %broadcast_in_dim3A_251 = vector.broadcast %while3A : f32 to vector<128x1040xf32>
      %select_n3A_252 = arith.select %le3A_227, %broadcast_in_dim3A_251, %select_n3A_222 : vector<128x1040xi1>, vector<128x1040xf32>
      %reduce_min3A_253 = arith.constant dense<0x7F800000> : vector<128xf32>
      %reduce_min3A_254 = vector.multi_reduction <minimumf>, %select_n3A_252, %reduce_min3A_253 [1] : vector<128x1040xf32> to vector<128xf32>
      %broadcast_in_dim3A_255 = vector.shape_cast %reduce_min3A_254 : vector<128xf32> to vector<128x1xf32>
      %le3A_256 = vector.broadcast %broadcast_in_dim3A_255 : vector<128x1xf32> to vector<128x1040xf32>
      %le3A_257 = arith.cmpf ole, %select_n3A_252, %le3A_256 : vector<128x1040xf32>
      %jit3A_258 = arith.constant 1040 : i32
      %broadcast_in_dim3A_259 = vector.broadcast %jit3A_258 : i32 to vector<128x1040xi32>
      %select_n3A_260 = arith.select %le3A_257, %iota3A, %broadcast_in_dim3A_259 : vector<128x1040xi1>, vector<128x1040xi32>
      %reduce_min3A_261 = arith.constant dense<2147483647> : vector<128xi32>
      %reduce_min3A_262 = vector.multi_reduction <minsi>, %select_n3A_260, %reduce_min3A_261 [1] : vector<128x1040xi32> to vector<128xi32>
      %broadcast_in_dim3A_263 = vector.shape_cast %reduce_min3A_262 : vector<128xi32> to vector<128x1xi32>
      %sub3A_264 = arith.constant 1024 : i32
      %sub3A_265 = vector.broadcast %sub3A_264 : i32 to vector<128x1xi32>
      %sub3A_266 = arith.subi %broadcast_in_dim3A_263, %sub3A_265 : vector<128x1xi32>
      %eq3A_267 = vector.broadcast %sub3A_266 : vector<128x1xi32> to vector<128x16xi32>
      %eq3A_268 = arith.cmpi eq, %iota3A_15, %eq3A_267 : vector<128x16xi32>
      %jit3A_269 = arith.constant 0 : i32
      %broadcast_in_dim3A_270 = vector.broadcast %jit3A_269 : i32 to vector<128x16xi32>
      %select_n3A_271 = arith.select %eq3A_268, %while3A_76, %broadcast_in_dim3A_270 : vector<128x16xi1>, vector<128x16xi32>
      %reduce_sum3A_272 = arith.constant dense<0> : vector<128xi32>
      %reduce_sum3A_273 = vector.multi_reduction <add>, %select_n3A_271, %reduce_sum3A_272 [1] : vector<128x16xi32> to vector<128xi32>
      %broadcast_in_dim3A_274 = vector.shape_cast %reduce_sum3A_273 : vector<128xi32> to vector<128x1xi32>
      %lt3A_275 = arith.constant 1024 : i32
      %lt3A_276 = vector.broadcast %lt3A_275 : i32 to vector<128x1xi32>
      %lt3A_277 = arith.cmpi slt, %broadcast_in_dim3A_263, %lt3A_276 : vector<128x1xi32>
      %add3A_278 = vector.broadcast %mul3A_106 : i32 to vector<128x1xi32>
      %add3A_279 = arith.addi %add3A_278, %broadcast_in_dim3A_263 : vector<128x1xi32>
      %select_n3A_280 = arith.select %lt3A_277, %add3A_279, %broadcast_in_dim3A_274 : vector<128x1xi1>, vector<128x1xi32>
      %broadcast_in_dim3A_281 = vector.broadcast %while3A : f32 to vector<128x1040xf32>
      %select_n3A_282 = arith.select %le3A_257, %broadcast_in_dim3A_281, %select_n3A_252 : vector<128x1040xi1>, vector<128x1040xf32>
      %reduce_min3A_283 = arith.constant dense<0x7F800000> : vector<128xf32>
      %reduce_min3A_284 = vector.multi_reduction <minimumf>, %select_n3A_282, %reduce_min3A_283 [1] : vector<128x1040xf32> to vector<128xf32>
      %broadcast_in_dim3A_285 = vector.shape_cast %reduce_min3A_284 : vector<128xf32> to vector<128x1xf32>
      %le3A_286 = vector.broadcast %broadcast_in_dim3A_285 : vector<128x1xf32> to vector<128x1040xf32>
      %le3A_287 = arith.cmpf ole, %select_n3A_282, %le3A_286 : vector<128x1040xf32>
      %jit3A_288 = arith.constant 1040 : i32
      %broadcast_in_dim3A_289 = vector.broadcast %jit3A_288 : i32 to vector<128x1040xi32>
      %select_n3A_290 = arith.select %le3A_287, %iota3A, %broadcast_in_dim3A_289 : vector<128x1040xi1>, vector<128x1040xi32>
      %reduce_min3A_291 = arith.constant dense<2147483647> : vector<128xi32>
      %reduce_min3A_292 = vector.multi_reduction <minsi>, %select_n3A_290, %reduce_min3A_291 [1] : vector<128x1040xi32> to vector<128xi32>
      %broadcast_in_dim3A_293 = vector.shape_cast %reduce_min3A_292 : vector<128xi32> to vector<128x1xi32>
      %sub3A_294 = arith.constant 1024 : i32
      %sub3A_295 = vector.broadcast %sub3A_294 : i32 to vector<128x1xi32>
      %sub3A_296 = arith.subi %broadcast_in_dim3A_293, %sub3A_295 : vector<128x1xi32>
      %eq3A_297 = vector.broadcast %sub3A_296 : vector<128x1xi32> to vector<128x16xi32>
      %eq3A_298 = arith.cmpi eq, %iota3A_15, %eq3A_297 : vector<128x16xi32>
      %jit3A_299 = arith.constant 0 : i32
      %broadcast_in_dim3A_300 = vector.broadcast %jit3A_299 : i32 to vector<128x16xi32>
      %select_n3A_301 = arith.select %eq3A_298, %while3A_76, %broadcast_in_dim3A_300 : vector<128x16xi1>, vector<128x16xi32>
      %reduce_sum3A_302 = arith.constant dense<0> : vector<128xi32>
      %reduce_sum3A_303 = vector.multi_reduction <add>, %select_n3A_301, %reduce_sum3A_302 [1] : vector<128x16xi32> to vector<128xi32>
      %broadcast_in_dim3A_304 = vector.shape_cast %reduce_sum3A_303 : vector<128xi32> to vector<128x1xi32>
      %lt3A_305 = arith.constant 1024 : i32
      %lt3A_306 = vector.broadcast %lt3A_305 : i32 to vector<128x1xi32>
      %lt3A_307 = arith.cmpi slt, %broadcast_in_dim3A_293, %lt3A_306 : vector<128x1xi32>
      %add3A_308 = vector.broadcast %mul3A_106 : i32 to vector<128x1xi32>
      %add3A_309 = arith.addi %add3A_308, %broadcast_in_dim3A_293 : vector<128x1xi32>
      %select_n3A_310 = arith.select %lt3A_307, %add3A_309, %broadcast_in_dim3A_304 : vector<128x1xi1>, vector<128x1xi32>
      %broadcast_in_dim3A_311 = vector.broadcast %while3A : f32 to vector<128x1040xf32>
      %select_n3A_312 = arith.select %le3A_287, %broadcast_in_dim3A_311, %select_n3A_282 : vector<128x1040xi1>, vector<128x1040xf32>
      %reduce_min3A_313 = arith.constant dense<0x7F800000> : vector<128xf32>
      %reduce_min3A_314 = vector.multi_reduction <minimumf>, %select_n3A_312, %reduce_min3A_313 [1] : vector<128x1040xf32> to vector<128xf32>
      %broadcast_in_dim3A_315 = vector.shape_cast %reduce_min3A_314 : vector<128xf32> to vector<128x1xf32>
      %le3A_316 = vector.broadcast %broadcast_in_dim3A_315 : vector<128x1xf32> to vector<128x1040xf32>
      %le3A_317 = arith.cmpf ole, %select_n3A_312, %le3A_316 : vector<128x1040xf32>
      %jit3A_318 = arith.constant 1040 : i32
      %broadcast_in_dim3A_319 = vector.broadcast %jit3A_318 : i32 to vector<128x1040xi32>
      %select_n3A_320 = arith.select %le3A_317, %iota3A, %broadcast_in_dim3A_319 : vector<128x1040xi1>, vector<128x1040xi32>
      %reduce_min3A_321 = arith.constant dense<2147483647> : vector<128xi32>
      %reduce_min3A_322 = vector.multi_reduction <minsi>, %select_n3A_320, %reduce_min3A_321 [1] : vector<128x1040xi32> to vector<128xi32>
      %broadcast_in_dim3A_323 = vector.shape_cast %reduce_min3A_322 : vector<128xi32> to vector<128x1xi32>
      %sub3A_324 = arith.constant 1024 : i32
      %sub3A_325 = vector.broadcast %sub3A_324 : i32 to vector<128x1xi32>
      %sub3A_326 = arith.subi %broadcast_in_dim3A_323, %sub3A_325 : vector<128x1xi32>
      %eq3A_327 = vector.broadcast %sub3A_326 : vector<128x1xi32> to vector<128x16xi32>
      %eq3A_328 = arith.cmpi eq, %iota3A_15, %eq3A_327 : vector<128x16xi32>
      %jit3A_329 = arith.constant 0 : i32
      %broadcast_in_dim3A_330 = vector.broadcast %jit3A_329 : i32 to vector<128x16xi32>
      %select_n3A_331 = arith.select %eq3A_328, %while3A_76, %broadcast_in_dim3A_330 : vector<128x16xi1>, vector<128x16xi32>
      %reduce_sum3A_332 = arith.constant dense<0> : vector<128xi32>
      %reduce_sum3A_333 = vector.multi_reduction <add>, %select_n3A_331, %reduce_sum3A_332 [1] : vector<128x16xi32> to vector<128xi32>
      %broadcast_in_dim3A_334 = vector.shape_cast %reduce_sum3A_333 : vector<128xi32> to vector<128x1xi32>
      %lt3A_335 = arith.constant 1024 : i32
      %lt3A_336 = vector.broadcast %lt3A_335 : i32 to vector<128x1xi32>
      %lt3A_337 = arith.cmpi slt, %broadcast_in_dim3A_323, %lt3A_336 : vector<128x1xi32>
      %add3A_338 = vector.broadcast %mul3A_106 : i32 to vector<128x1xi32>
      %add3A_339 = arith.addi %add3A_338, %broadcast_in_dim3A_323 : vector<128x1xi32>
      %select_n3A_340 = arith.select %lt3A_337, %add3A_339, %broadcast_in_dim3A_334 : vector<128x1xi1>, vector<128x1xi32>
      %broadcast_in_dim3A_341 = vector.broadcast %while3A : f32 to vector<128x1040xf32>
      %select_n3A_342 = arith.select %le3A_317, %broadcast_in_dim3A_341, %select_n3A_312 : vector<128x1040xi1>, vector<128x1040xf32>
      %reduce_min3A_343 = arith.constant dense<0x7F800000> : vector<128xf32>
      %reduce_min3A_344 = vector.multi_reduction <minimumf>, %select_n3A_342, %reduce_min3A_343 [1] : vector<128x1040xf32> to vector<128xf32>
      %broadcast_in_dim3A_345 = vector.shape_cast %reduce_min3A_344 : vector<128xf32> to vector<128x1xf32>
      %le3A_346 = vector.broadcast %broadcast_in_dim3A_345 : vector<128x1xf32> to vector<128x1040xf32>
      %le3A_347 = arith.cmpf ole, %select_n3A_342, %le3A_346 : vector<128x1040xf32>
      %jit3A_348 = arith.constant 1040 : i32
      %broadcast_in_dim3A_349 = vector.broadcast %jit3A_348 : i32 to vector<128x1040xi32>
      %select_n3A_350 = arith.select %le3A_347, %iota3A, %broadcast_in_dim3A_349 : vector<128x1040xi1>, vector<128x1040xi32>
      %reduce_min3A_351 = arith.constant dense<2147483647> : vector<128xi32>
      %reduce_min3A_352 = vector.multi_reduction <minsi>, %select_n3A_350, %reduce_min3A_351 [1] : vector<128x1040xi32> to vector<128xi32>
      %broadcast_in_dim3A_353 = vector.shape_cast %reduce_min3A_352 : vector<128xi32> to vector<128x1xi32>
      %sub3A_354 = arith.constant 1024 : i32
      %sub3A_355 = vector.broadcast %sub3A_354 : i32 to vector<128x1xi32>
      %sub3A_356 = arith.subi %broadcast_in_dim3A_353, %sub3A_355 : vector<128x1xi32>
      %eq3A_357 = vector.broadcast %sub3A_356 : vector<128x1xi32> to vector<128x16xi32>
      %eq3A_358 = arith.cmpi eq, %iota3A_15, %eq3A_357 : vector<128x16xi32>
      %jit3A_359 = arith.constant 0 : i32
      %broadcast_in_dim3A_360 = vector.broadcast %jit3A_359 : i32 to vector<128x16xi32>
      %select_n3A_361 = arith.select %eq3A_358, %while3A_76, %broadcast_in_dim3A_360 : vector<128x16xi1>, vector<128x16xi32>
      %reduce_sum3A_362 = arith.constant dense<0> : vector<128xi32>
      %reduce_sum3A_363 = vector.multi_reduction <add>, %select_n3A_361, %reduce_sum3A_362 [1] : vector<128x16xi32> to vector<128xi32>
      %broadcast_in_dim3A_364 = vector.shape_cast %reduce_sum3A_363 : vector<128xi32> to vector<128x1xi32>
      %lt3A_365 = arith.constant 1024 : i32
      %lt3A_366 = vector.broadcast %lt3A_365 : i32 to vector<128x1xi32>
      %lt3A_367 = arith.cmpi slt, %broadcast_in_dim3A_353, %lt3A_366 : vector<128x1xi32>
      %add3A_368 = vector.broadcast %mul3A_106 : i32 to vector<128x1xi32>
      %add3A_369 = arith.addi %add3A_368, %broadcast_in_dim3A_353 : vector<128x1xi32>
      %select_n3A_370 = arith.select %lt3A_367, %add3A_369, %broadcast_in_dim3A_364 : vector<128x1xi1>, vector<128x1xi32>
      %broadcast_in_dim3A_371 = vector.broadcast %while3A : f32 to vector<128x1040xf32>
      %select_n3A_372 = arith.select %le3A_347, %broadcast_in_dim3A_371, %select_n3A_342 : vector<128x1040xi1>, vector<128x1040xf32>
      %reduce_min3A_373 = arith.constant dense<0x7F800000> : vector<128xf32>
      %reduce_min3A_374 = vector.multi_reduction <minimumf>, %select_n3A_372, %reduce_min3A_373 [1] : vector<128x1040xf32> to vector<128xf32>
      %broadcast_in_dim3A_375 = vector.shape_cast %reduce_min3A_374 : vector<128xf32> to vector<128x1xf32>
      %le3A_376 = vector.broadcast %broadcast_in_dim3A_375 : vector<128x1xf32> to vector<128x1040xf32>
      %le3A_377 = arith.cmpf ole, %select_n3A_372, %le3A_376 : vector<128x1040xf32>
      %jit3A_378 = arith.constant 1040 : i32
      %broadcast_in_dim3A_379 = vector.broadcast %jit3A_378 : i32 to vector<128x1040xi32>
      %select_n3A_380 = arith.select %le3A_377, %iota3A, %broadcast_in_dim3A_379 : vector<128x1040xi1>, vector<128x1040xi32>
      %reduce_min3A_381 = arith.constant dense<2147483647> : vector<128xi32>
      %reduce_min3A_382 = vector.multi_reduction <minsi>, %select_n3A_380, %reduce_min3A_381 [1] : vector<128x1040xi32> to vector<128xi32>
      %broadcast_in_dim3A_383 = vector.shape_cast %reduce_min3A_382 : vector<128xi32> to vector<128x1xi32>
      %sub3A_384 = arith.constant 1024 : i32
      %sub3A_385 = vector.broadcast %sub3A_384 : i32 to vector<128x1xi32>
      %sub3A_386 = arith.subi %broadcast_in_dim3A_383, %sub3A_385 : vector<128x1xi32>
      %eq3A_387 = vector.broadcast %sub3A_386 : vector<128x1xi32> to vector<128x16xi32>
      %eq3A_388 = arith.cmpi eq, %iota3A_15, %eq3A_387 : vector<128x16xi32>
      %jit3A_389 = arith.constant 0 : i32
      %broadcast_in_dim3A_390 = vector.broadcast %jit3A_389 : i32 to vector<128x16xi32>
      %select_n3A_391 = arith.select %eq3A_388, %while3A_76, %broadcast_in_dim3A_390 : vector<128x16xi1>, vector<128x16xi32>
      %reduce_sum3A_392 = arith.constant dense<0> : vector<128xi32>
      %reduce_sum3A_393 = vector.multi_reduction <add>, %select_n3A_391, %reduce_sum3A_392 [1] : vector<128x16xi32> to vector<128xi32>
      %broadcast_in_dim3A_394 = vector.shape_cast %reduce_sum3A_393 : vector<128xi32> to vector<128x1xi32>
      %lt3A_395 = arith.constant 1024 : i32
      %lt3A_396 = vector.broadcast %lt3A_395 : i32 to vector<128x1xi32>
      %lt3A_397 = arith.cmpi slt, %broadcast_in_dim3A_383, %lt3A_396 : vector<128x1xi32>
      %add3A_398 = vector.broadcast %mul3A_106 : i32 to vector<128x1xi32>
      %add3A_399 = arith.addi %add3A_398, %broadcast_in_dim3A_383 : vector<128x1xi32>
      %select_n3A_400 = arith.select %lt3A_397, %add3A_399, %broadcast_in_dim3A_394 : vector<128x1xi1>, vector<128x1xi32>
      %broadcast_in_dim3A_401 = vector.broadcast %while3A : f32 to vector<128x1040xf32>
      %select_n3A_402 = arith.select %le3A_377, %broadcast_in_dim3A_401, %select_n3A_372 : vector<128x1040xi1>, vector<128x1040xf32>
      %reduce_min3A_403 = arith.constant dense<0x7F800000> : vector<128xf32>
      %reduce_min3A_404 = vector.multi_reduction <minimumf>, %select_n3A_402, %reduce_min3A_403 [1] : vector<128x1040xf32> to vector<128xf32>
      %broadcast_in_dim3A_405 = vector.shape_cast %reduce_min3A_404 : vector<128xf32> to vector<128x1xf32>
      %le3A_406 = vector.broadcast %broadcast_in_dim3A_405 : vector<128x1xf32> to vector<128x1040xf32>
      %le3A_407 = arith.cmpf ole, %select_n3A_402, %le3A_406 : vector<128x1040xf32>
      %jit3A_408 = arith.constant 1040 : i32
      %broadcast_in_dim3A_409 = vector.broadcast %jit3A_408 : i32 to vector<128x1040xi32>
      %select_n3A_410 = arith.select %le3A_407, %iota3A, %broadcast_in_dim3A_409 : vector<128x1040xi1>, vector<128x1040xi32>
      %reduce_min3A_411 = arith.constant dense<2147483647> : vector<128xi32>
      %reduce_min3A_412 = vector.multi_reduction <minsi>, %select_n3A_410, %reduce_min3A_411 [1] : vector<128x1040xi32> to vector<128xi32>
      %broadcast_in_dim3A_413 = vector.shape_cast %reduce_min3A_412 : vector<128xi32> to vector<128x1xi32>
      %sub3A_414 = arith.constant 1024 : i32
      %sub3A_415 = vector.broadcast %sub3A_414 : i32 to vector<128x1xi32>
      %sub3A_416 = arith.subi %broadcast_in_dim3A_413, %sub3A_415 : vector<128x1xi32>
      %eq3A_417 = vector.broadcast %sub3A_416 : vector<128x1xi32> to vector<128x16xi32>
      %eq3A_418 = arith.cmpi eq, %iota3A_15, %eq3A_417 : vector<128x16xi32>
      %jit3A_419 = arith.constant 0 : i32
      %broadcast_in_dim3A_420 = vector.broadcast %jit3A_419 : i32 to vector<128x16xi32>
      %select_n3A_421 = arith.select %eq3A_418, %while3A_76, %broadcast_in_dim3A_420 : vector<128x16xi1>, vector<128x16xi32>
      %reduce_sum3A_422 = arith.constant dense<0> : vector<128xi32>
      %reduce_sum3A_423 = vector.multi_reduction <add>, %select_n3A_421, %reduce_sum3A_422 [1] : vector<128x16xi32> to vector<128xi32>
      %broadcast_in_dim3A_424 = vector.shape_cast %reduce_sum3A_423 : vector<128xi32> to vector<128x1xi32>
      %lt3A_425 = arith.constant 1024 : i32
      %lt3A_426 = vector.broadcast %lt3A_425 : i32 to vector<128x1xi32>
      %lt3A_427 = arith.cmpi slt, %broadcast_in_dim3A_413, %lt3A_426 : vector<128x1xi32>
      %add3A_428 = vector.broadcast %mul3A_106 : i32 to vector<128x1xi32>
      %add3A_429 = arith.addi %add3A_428, %broadcast_in_dim3A_413 : vector<128x1xi32>
      %select_n3A_430 = arith.select %lt3A_427, %add3A_429, %broadcast_in_dim3A_424 : vector<128x1xi1>, vector<128x1xi32>
      %broadcast_in_dim3A_431 = vector.broadcast %while3A : f32 to vector<128x1040xf32>
      %select_n3A_432 = arith.select %le3A_407, %broadcast_in_dim3A_431, %select_n3A_402 : vector<128x1040xi1>, vector<128x1040xf32>
      %reduce_min3A_433 = arith.constant dense<0x7F800000> : vector<128xf32>
      %reduce_min3A_434 = vector.multi_reduction <minimumf>, %select_n3A_432, %reduce_min3A_433 [1] : vector<128x1040xf32> to vector<128xf32>
      %broadcast_in_dim3A_435 = vector.shape_cast %reduce_min3A_434 : vector<128xf32> to vector<128x1xf32>
      %le3A_436 = vector.broadcast %broadcast_in_dim3A_435 : vector<128x1xf32> to vector<128x1040xf32>
      %le3A_437 = arith.cmpf ole, %select_n3A_432, %le3A_436 : vector<128x1040xf32>
      %jit3A_438 = arith.constant 1040 : i32
      %broadcast_in_dim3A_439 = vector.broadcast %jit3A_438 : i32 to vector<128x1040xi32>
      %select_n3A_440 = arith.select %le3A_437, %iota3A, %broadcast_in_dim3A_439 : vector<128x1040xi1>, vector<128x1040xi32>
      %reduce_min3A_441 = arith.constant dense<2147483647> : vector<128xi32>
      %reduce_min3A_442 = vector.multi_reduction <minsi>, %select_n3A_440, %reduce_min3A_441 [1] : vector<128x1040xi32> to vector<128xi32>
      %broadcast_in_dim3A_443 = vector.shape_cast %reduce_min3A_442 : vector<128xi32> to vector<128x1xi32>
      %sub3A_444 = arith.constant 1024 : i32
      %sub3A_445 = vector.broadcast %sub3A_444 : i32 to vector<128x1xi32>
      %sub3A_446 = arith.subi %broadcast_in_dim3A_443, %sub3A_445 : vector<128x1xi32>
      %eq3A_447 = vector.broadcast %sub3A_446 : vector<128x1xi32> to vector<128x16xi32>
      %eq3A_448 = arith.cmpi eq, %iota3A_15, %eq3A_447 : vector<128x16xi32>
      %jit3A_449 = arith.constant 0 : i32
      %broadcast_in_dim3A_450 = vector.broadcast %jit3A_449 : i32 to vector<128x16xi32>
      %select_n3A_451 = arith.select %eq3A_448, %while3A_76, %broadcast_in_dim3A_450 : vector<128x16xi1>, vector<128x16xi32>
      %reduce_sum3A_452 = arith.constant dense<0> : vector<128xi32>
      %reduce_sum3A_453 = vector.multi_reduction <add>, %select_n3A_451, %reduce_sum3A_452 [1] : vector<128x16xi32> to vector<128xi32>
      %broadcast_in_dim3A_454 = vector.shape_cast %reduce_sum3A_453 : vector<128xi32> to vector<128x1xi32>
      %lt3A_455 = arith.constant 1024 : i32
      %lt3A_456 = vector.broadcast %lt3A_455 : i32 to vector<128x1xi32>
      %lt3A_457 = arith.cmpi slt, %broadcast_in_dim3A_443, %lt3A_456 : vector<128x1xi32>
      %add3A_458 = vector.broadcast %mul3A_106 : i32 to vector<128x1xi32>
      %add3A_459 = arith.addi %add3A_458, %broadcast_in_dim3A_443 : vector<128x1xi32>
      %select_n3A_460 = arith.select %lt3A_457, %add3A_459, %broadcast_in_dim3A_454 : vector<128x1xi1>, vector<128x1xi32>
      %broadcast_in_dim3A_461 = vector.broadcast %while3A : f32 to vector<128x1040xf32>
      %select_n3A_462 = arith.select %le3A_437, %broadcast_in_dim3A_461, %select_n3A_432 : vector<128x1040xi1>, vector<128x1040xf32>
      %reduce_min3A_463 = arith.constant dense<0x7F800000> : vector<128xf32>
      %reduce_min3A_464 = vector.multi_reduction <minimumf>, %select_n3A_462, %reduce_min3A_463 [1] : vector<128x1040xf32> to vector<128xf32>
      %broadcast_in_dim3A_465 = vector.shape_cast %reduce_min3A_464 : vector<128xf32> to vector<128x1xf32>
      %le3A_466 = vector.broadcast %broadcast_in_dim3A_465 : vector<128x1xf32> to vector<128x1040xf32>
      %le3A_467 = arith.cmpf ole, %select_n3A_462, %le3A_466 : vector<128x1040xf32>
      %jit3A_468 = arith.constant 1040 : i32
      %broadcast_in_dim3A_469 = vector.broadcast %jit3A_468 : i32 to vector<128x1040xi32>
      %select_n3A_470 = arith.select %le3A_467, %iota3A, %broadcast_in_dim3A_469 : vector<128x1040xi1>, vector<128x1040xi32>
      %reduce_min3A_471 = arith.constant dense<2147483647> : vector<128xi32>
      %reduce_min3A_472 = vector.multi_reduction <minsi>, %select_n3A_470, %reduce_min3A_471 [1] : vector<128x1040xi32> to vector<128xi32>
      %broadcast_in_dim3A_473 = vector.shape_cast %reduce_min3A_472 : vector<128xi32> to vector<128x1xi32>
      %sub3A_474 = arith.constant 1024 : i32
      %sub3A_475 = vector.broadcast %sub3A_474 : i32 to vector<128x1xi32>
      %sub3A_476 = arith.subi %broadcast_in_dim3A_473, %sub3A_475 : vector<128x1xi32>
      %eq3A_477 = vector.broadcast %sub3A_476 : vector<128x1xi32> to vector<128x16xi32>
      %eq3A_478 = arith.cmpi eq, %iota3A_15, %eq3A_477 : vector<128x16xi32>
      %jit3A_479 = arith.constant 0 : i32
      %broadcast_in_dim3A_480 = vector.broadcast %jit3A_479 : i32 to vector<128x16xi32>
      %select_n3A_481 = arith.select %eq3A_478, %while3A_76, %broadcast_in_dim3A_480 : vector<128x16xi1>, vector<128x16xi32>
      %reduce_sum3A_482 = arith.constant dense<0> : vector<128xi32>
      %reduce_sum3A_483 = vector.multi_reduction <add>, %select_n3A_481, %reduce_sum3A_482 [1] : vector<128x16xi32> to vector<128xi32>
      %broadcast_in_dim3A_484 = vector.shape_cast %reduce_sum3A_483 : vector<128xi32> to vector<128x1xi32>
      %lt3A_485 = arith.constant 1024 : i32
      %lt3A_486 = vector.broadcast %lt3A_485 : i32 to vector<128x1xi32>
      %lt3A_487 = arith.cmpi slt, %broadcast_in_dim3A_473, %lt3A_486 : vector<128x1xi32>
      %add3A_488 = vector.broadcast %mul3A_106 : i32 to vector<128x1xi32>
      %add3A_489 = arith.addi %add3A_488, %broadcast_in_dim3A_473 : vector<128x1xi32>
      %select_n3A_490 = arith.select %lt3A_487, %add3A_489, %broadcast_in_dim3A_484 : vector<128x1xi1>, vector<128x1xi32>
      %broadcast_in_dim3A_491 = vector.broadcast %while3A : f32 to vector<128x1040xf32>
      %select_n3A_492 = arith.select %le3A_467, %broadcast_in_dim3A_491, %select_n3A_462 : vector<128x1040xi1>, vector<128x1040xf32>
      %reduce_min3A_493 = arith.constant dense<0x7F800000> : vector<128xf32>
      %reduce_min3A_494 = vector.multi_reduction <minimumf>, %select_n3A_492, %reduce_min3A_493 [1] : vector<128x1040xf32> to vector<128xf32>
      %broadcast_in_dim3A_495 = vector.shape_cast %reduce_min3A_494 : vector<128xf32> to vector<128x1xf32>
      %le3A_496 = vector.broadcast %broadcast_in_dim3A_495 : vector<128x1xf32> to vector<128x1040xf32>
      %le3A_497 = arith.cmpf ole, %select_n3A_492, %le3A_496 : vector<128x1040xf32>
      %jit3A_498 = arith.constant 1040 : i32
      %broadcast_in_dim3A_499 = vector.broadcast %jit3A_498 : i32 to vector<128x1040xi32>
      %select_n3A_500 = arith.select %le3A_497, %iota3A, %broadcast_in_dim3A_499 : vector<128x1040xi1>, vector<128x1040xi32>
      %reduce_min3A_501 = arith.constant dense<2147483647> : vector<128xi32>
      %reduce_min3A_502 = vector.multi_reduction <minsi>, %select_n3A_500, %reduce_min3A_501 [1] : vector<128x1040xi32> to vector<128xi32>
      %broadcast_in_dim3A_503 = vector.shape_cast %reduce_min3A_502 : vector<128xi32> to vector<128x1xi32>
      %sub3A_504 = arith.constant 1024 : i32
      %sub3A_505 = vector.broadcast %sub3A_504 : i32 to vector<128x1xi32>
      %sub3A_506 = arith.subi %broadcast_in_dim3A_503, %sub3A_505 : vector<128x1xi32>
      %eq3A_507 = vector.broadcast %sub3A_506 : vector<128x1xi32> to vector<128x16xi32>
      %eq3A_508 = arith.cmpi eq, %iota3A_15, %eq3A_507 : vector<128x16xi32>
      %jit3A_509 = arith.constant 0 : i32
      %broadcast_in_dim3A_510 = vector.broadcast %jit3A_509 : i32 to vector<128x16xi32>
      %select_n3A_511 = arith.select %eq3A_508, %while3A_76, %broadcast_in_dim3A_510 : vector<128x16xi1>, vector<128x16xi32>
      %reduce_sum3A_512 = arith.constant dense<0> : vector<128xi32>
      %reduce_sum3A_513 = vector.multi_reduction <add>, %select_n3A_511, %reduce_sum3A_512 [1] : vector<128x16xi32> to vector<128xi32>
      %broadcast_in_dim3A_514 = vector.shape_cast %reduce_sum3A_513 : vector<128xi32> to vector<128x1xi32>
      %lt3A_515 = arith.constant 1024 : i32
      %lt3A_516 = vector.broadcast %lt3A_515 : i32 to vector<128x1xi32>
      %lt3A_517 = arith.cmpi slt, %broadcast_in_dim3A_503, %lt3A_516 : vector<128x1xi32>
      %add3A_518 = vector.broadcast %mul3A_106 : i32 to vector<128x1xi32>
      %add3A_519 = arith.addi %add3A_518, %broadcast_in_dim3A_503 : vector<128x1xi32>
      %select_n3A_520 = arith.select %lt3A_517, %add3A_519, %broadcast_in_dim3A_514 : vector<128x1xi1>, vector<128x1xi32>
      %broadcast_in_dim3A_521 = vector.broadcast %while3A : f32 to vector<128x1040xf32>
      %select_n3A_522 = arith.select %le3A_497, %broadcast_in_dim3A_521, %select_n3A_492 : vector<128x1040xi1>, vector<128x1040xf32>
      %reduce_min3A_523 = arith.constant dense<0x7F800000> : vector<128xf32>
      %reduce_min3A_524 = vector.multi_reduction <minimumf>, %select_n3A_522, %reduce_min3A_523 [1] : vector<128x1040xf32> to vector<128xf32>
      %broadcast_in_dim3A_525 = vector.shape_cast %reduce_min3A_524 : vector<128xf32> to vector<128x1xf32>
      %le3A_526 = vector.broadcast %broadcast_in_dim3A_525 : vector<128x1xf32> to vector<128x1040xf32>
      %le3A_527 = arith.cmpf ole, %select_n3A_522, %le3A_526 : vector<128x1040xf32>
      %jit3A_528 = arith.constant 1040 : i32
      %broadcast_in_dim3A_529 = vector.broadcast %jit3A_528 : i32 to vector<128x1040xi32>
      %select_n3A_530 = arith.select %le3A_527, %iota3A, %broadcast_in_dim3A_529 : vector<128x1040xi1>, vector<128x1040xi32>
      %reduce_min3A_531 = arith.constant dense<2147483647> : vector<128xi32>
      %reduce_min3A_532 = vector.multi_reduction <minsi>, %select_n3A_530, %reduce_min3A_531 [1] : vector<128x1040xi32> to vector<128xi32>
      %broadcast_in_dim3A_533 = vector.shape_cast %reduce_min3A_532 : vector<128xi32> to vector<128x1xi32>
      %sub3A_534 = arith.constant 1024 : i32
      %sub3A_535 = vector.broadcast %sub3A_534 : i32 to vector<128x1xi32>
      %sub3A_536 = arith.subi %broadcast_in_dim3A_533, %sub3A_535 : vector<128x1xi32>
      %eq3A_537 = vector.broadcast %sub3A_536 : vector<128x1xi32> to vector<128x16xi32>
      %eq3A_538 = arith.cmpi eq, %iota3A_15, %eq3A_537 : vector<128x16xi32>
      %jit3A_539 = arith.constant 0 : i32
      %broadcast_in_dim3A_540 = vector.broadcast %jit3A_539 : i32 to vector<128x16xi32>
      %select_n3A_541 = arith.select %eq3A_538, %while3A_76, %broadcast_in_dim3A_540 : vector<128x16xi1>, vector<128x16xi32>
      %reduce_sum3A_542 = arith.constant dense<0> : vector<128xi32>
      %reduce_sum3A_543 = vector.multi_reduction <add>, %select_n3A_541, %reduce_sum3A_542 [1] : vector<128x16xi32> to vector<128xi32>
      %broadcast_in_dim3A_544 = vector.shape_cast %reduce_sum3A_543 : vector<128xi32> to vector<128x1xi32>
      %lt3A_545 = arith.constant 1024 : i32
      %lt3A_546 = vector.broadcast %lt3A_545 : i32 to vector<128x1xi32>
      %lt3A_547 = arith.cmpi slt, %broadcast_in_dim3A_533, %lt3A_546 : vector<128x1xi32>
      %add3A_548 = vector.broadcast %mul3A_106 : i32 to vector<128x1xi32>
      %add3A_549 = arith.addi %add3A_548, %broadcast_in_dim3A_533 : vector<128x1xi32>
      %select_n3A_550 = arith.select %lt3A_547, %add3A_549, %broadcast_in_dim3A_544 : vector<128x1xi1>, vector<128x1xi32>
      %broadcast_in_dim3A_551 = vector.broadcast %while3A : f32 to vector<128x1040xf32>
      %select_n3A_552 = arith.select %le3A_527, %broadcast_in_dim3A_551, %select_n3A_522 : vector<128x1040xi1>, vector<128x1040xf32>
      %reduce_min3A_553 = arith.constant dense<0x7F800000> : vector<128xf32>
      %reduce_min3A_554 = vector.multi_reduction <minimumf>, %select_n3A_552, %reduce_min3A_553 [1] : vector<128x1040xf32> to vector<128xf32>
      %broadcast_in_dim3A_555 = vector.shape_cast %reduce_min3A_554 : vector<128xf32> to vector<128x1xf32>
      %le3A_556 = vector.broadcast %broadcast_in_dim3A_555 : vector<128x1xf32> to vector<128x1040xf32>
      %le3A_557 = arith.cmpf ole, %select_n3A_552, %le3A_556 : vector<128x1040xf32>
      %jit3A_558 = arith.constant 1040 : i32
      %broadcast_in_dim3A_559 = vector.broadcast %jit3A_558 : i32 to vector<128x1040xi32>
      %select_n3A_560 = arith.select %le3A_557, %iota3A, %broadcast_in_dim3A_559 : vector<128x1040xi1>, vector<128x1040xi32>
      %reduce_min3A_561 = arith.constant dense<2147483647> : vector<128xi32>
      %reduce_min3A_562 = vector.multi_reduction <minsi>, %select_n3A_560, %reduce_min3A_561 [1] : vector<128x1040xi32> to vector<128xi32>
      %broadcast_in_dim3A_563 = vector.shape_cast %reduce_min3A_562 : vector<128xi32> to vector<128x1xi32>
      %sub3A_564 = arith.constant 1024 : i32
      %sub3A_565 = vector.broadcast %sub3A_564 : i32 to vector<128x1xi32>
      %sub3A_566 = arith.subi %broadcast_in_dim3A_563, %sub3A_565 : vector<128x1xi32>
      %eq3A_567 = vector.broadcast %sub3A_566 : vector<128x1xi32> to vector<128x16xi32>
      %eq3A_568 = arith.cmpi eq, %iota3A_15, %eq3A_567 : vector<128x16xi32>
      %jit3A_569 = arith.constant 0 : i32
      %broadcast_in_dim3A_570 = vector.broadcast %jit3A_569 : i32 to vector<128x16xi32>
      %select_n3A_571 = arith.select %eq3A_568, %while3A_76, %broadcast_in_dim3A_570 : vector<128x16xi1>, vector<128x16xi32>
      %reduce_sum3A_572 = arith.constant dense<0> : vector<128xi32>
      %reduce_sum3A_573 = vector.multi_reduction <add>, %select_n3A_571, %reduce_sum3A_572 [1] : vector<128x16xi32> to vector<128xi32>
      %broadcast_in_dim3A_574 = vector.shape_cast %reduce_sum3A_573 : vector<128xi32> to vector<128x1xi32>
      %lt3A_575 = arith.constant 1024 : i32
      %lt3A_576 = vector.broadcast %lt3A_575 : i32 to vector<128x1xi32>
      %lt3A_577 = arith.cmpi slt, %broadcast_in_dim3A_563, %lt3A_576 : vector<128x1xi32>
      %add3A_578 = vector.broadcast %mul3A_106 : i32 to vector<128x1xi32>
      %add3A_579 = arith.addi %add3A_578, %broadcast_in_dim3A_563 : vector<128x1xi32>
      %select_n3A_580 = arith.select %lt3A_577, %add3A_579, %broadcast_in_dim3A_574 : vector<128x1xi1>, vector<128x1xi32>
      %broadcast_in_dim3A_581 = vector.broadcast %while3A : f32 to vector<128x1040xf32>
      %select_n3A_582 = arith.select %le3A_557, %broadcast_in_dim3A_581, %select_n3A_552 : vector<128x1040xi1>, vector<128x1040xf32>
      %concatenate3A_583 = tpu.concatenate %broadcast_in_dim3A_108, %broadcast_in_dim3A_135, %broadcast_in_dim3A_165, %broadcast_in_dim3A_195, %broadcast_in_dim3A_225, %broadcast_in_dim3A_255, %broadcast_in_dim3A_285, %broadcast_in_dim3A_315, %broadcast_in_dim3A_345, %broadcast_in_dim3A_375, %broadcast_in_dim3A_405, %broadcast_in_dim3A_435, %broadcast_in_dim3A_465, %broadcast_in_dim3A_495, %broadcast_in_dim3A_525, %broadcast_in_dim3A_555 in 1 : vector<128x1xf32>, vector<128x1xf32>, vector<128x1xf32>, vector<128x1xf32>, vector<128x1xf32>, vector<128x1xf32>, vector<128x1xf32>, vector<128x1xf32>, vector<128x1xf32>, vector<128x1xf32>, vector<128x1xf32>, vector<128x1xf32>, vector<128x1xf32>, vector<128x1xf32>, vector<128x1xf32>, vector<128x1xf32> -> vector<128x16xf32>
      %concatenate3A_584 = tpu.concatenate %select_n3A_130, %select_n3A_160, %select_n3A_190, %select_n3A_220, %select_n3A_250, %select_n3A_280, %select_n3A_310, %select_n3A_340, %select_n3A_370, %select_n3A_400, %select_n3A_430, %select_n3A_460, %select_n3A_490, %select_n3A_520, %select_n3A_550, %select_n3A_580 in 1 : vector<128x1xi32>, vector<128x1xi32>, vector<128x1xi32>, vector<128x1xi32>, vector<128x1xi32>, vector<128x1xi32>, vector<128x1xi32>, vector<128x1xi32>, vector<128x1xi32>, vector<128x1xi32>, vector<128x1xi32>, vector<128x1xi32>, vector<128x1xi32>, vector<128x1xi32>, vector<128x1xi32>, vector<128x1xi32> -> vector<128x16xi32>
      scf.yield %concatenate3A_583, %concatenate3A_584 : vector<128x16xf32>, vector<128x16xi32>
    }
    %while3A_70 = arith.constant 1 : i32
    %while3A_71:2 = scf.for %while3A_74 = %while3A_67 to %while3A_63 step %while3A_70 iter_args(%while3A_75 = %while3A_69#0, %while3A_76 = %while3A_69#1) -> (vector<128x16xf32>, vector<128x16xi32>)  : i32 {
      %get3A_77 = arith.index_cast %while3A_74 : i32 to index
      %get3A_78 = arith.constant 0 : index
      %get3A_79 = vector.load %arg7[%get3A_77, %get3A_78] : memref<8x1024xf32, #tpu.memory_space<vmem>>, vector<1x1024xf32>
      %get3A_80 = arith.index_cast %while3A_74 : i32 to index
      %get3A_81 = arith.constant 0 : index
      %get3A_82 = vector.load %arg8[%get3A_80, %get3A_81] : memref<8x1024xf32, #tpu.memory_space<vmem>>, vector<1x1024xf32>
      %get3A_83 = arith.index_cast %while3A_74 : i32 to index
      %get3A_84 = arith.constant 0 : index
      %get3A_85 = vector.load %arg9[%get3A_83, %get3A_84] : memref<8x1024xf32, #tpu.memory_space<vmem>>, vector<1x1024xf32>
      %get3A_86 = arith.index_cast %while3A_74 : i32 to index
      %get3A_87 = arith.constant 0 : index
      %get3A_88 = vector.load %arg10[%get3A_86, %get3A_87] : memref<8x1024xi32, #tpu.memory_space<vmem>>, vector<1x1024xi32>
      %sub3A_89 = vector.broadcast %get3A_5 : vector<128x1xf32> to vector<128x1024xf32>
      %sub3A_90 = vector.broadcast %get3A_79 : vector<1x1024xf32> to vector<128x1024xf32>
      %sub3A_91 = arith.subf %sub3A_89, %sub3A_90 : vector<128x1024xf32>
      %integer_pow3A = arith.mulf %sub3A_91, %sub3A_91 : vector<128x1024xf32>
      %sub3A_92 = vector.broadcast %get3A_8 : vector<128x1xf32> to vector<128x1024xf32>
      %sub3A_93 = vector.broadcast %get3A_82 : vector<1x1024xf32> to vector<128x1024xf32>
      %sub3A_94 = arith.subf %sub3A_92, %sub3A_93 : vector<128x1024xf32>
      %integer_pow3A_95 = arith.mulf %sub3A_94, %sub3A_94 : vector<128x1024xf32>
      %add3A_96 = arith.addf %integer_pow3A, %integer_pow3A_95 : vector<128x1024xf32>
      %sub3A_97 = vector.broadcast %get3A_11 : vector<128x1xf32> to vector<128x1024xf32>
      %sub3A_98 = vector.broadcast %get3A_85 : vector<1x1024xf32> to vector<128x1024xf32>
      %sub3A_99 = arith.subf %sub3A_97, %sub3A_98 : vector<128x1024xf32>
      %integer_pow3A_100 = arith.mulf %sub3A_99, %sub3A_99 : vector<128x1024xf32>
      %add3A_101 = arith.addf %add3A_96, %integer_pow3A_100 : vector<128x1024xf32>
      %eq3A = vector.broadcast %get3A_14 : vector<128x1xi32> to vector<128x1024xi32>
      %eq3A_102 = vector.broadcast %get3A_88 : vector<1x1024xi32> to vector<128x1024xi32>
      %eq3A_103 = arith.cmpi eq, %eq3A, %eq3A_102 : vector<128x1024xi32>
      %broadcast_in_dim3A_104 = vector.broadcast %while3A : f32 to vector<128x1024xf32>
      %select_n3A_105 = arith.select %eq3A_103, %add3A_101, %broadcast_in_dim3A_104 : vector<128x1024xi1>, vector<128x1024xf32>
      %concatenate3A = tpu.concatenate %select_n3A_105, %while3A_75 in 1 : vector<128x1024xf32>, vector<128x16xf32> -> vector<128x1040xf32>
      %mul3A = arith.constant 1024 : i32
      %mul3A_106 = arith.muli %while3A_74, %mul3A : i32
      %reduce_min3A = arith.constant dense<0x7F800000> : vector<128xf32>
      %reduce_min3A_107 = vector.multi_reduction <minimumf>, %concatenate3A, %reduce_min3A [1] : vector<128x1040xf32> to vector<128xf32>
      %broadcast_in_dim3A_108 = vector.shape_cast %reduce_min3A_107 : vector<128xf32> to vector<128x1xf32>
      %le3A = vector.broadcast %broadcast_in_dim3A_108 : vector<128x1xf32> to vector<128x1040xf32>
      %le3A_109 = arith.cmpf ole, %concatenate3A, %le3A : vector<128x1040xf32>
      %jit3A_110 = arith.constant 1040 : i32
      %broadcast_in_dim3A_111 = vector.broadcast %jit3A_110 : i32 to vector<128x1040xi32>
      %select_n3A_112 = arith.select %le3A_109, %iota3A, %broadcast_in_dim3A_111 : vector<128x1040xi1>, vector<128x1040xi32>
      %reduce_min3A_113 = arith.constant dense<2147483647> : vector<128xi32>
      %reduce_min3A_114 = vector.multi_reduction <minsi>, %select_n3A_112, %reduce_min3A_113 [1] : vector<128x1040xi32> to vector<128xi32>
      %broadcast_in_dim3A_115 = vector.shape_cast %reduce_min3A_114 : vector<128xi32> to vector<128x1xi32>
      %sub3A_116 = arith.constant 1024 : i32
      %sub3A_117 = vector.broadcast %sub3A_116 : i32 to vector<128x1xi32>
      %sub3A_118 = arith.subi %broadcast_in_dim3A_115, %sub3A_117 : vector<128x1xi32>
      %eq3A_119 = vector.broadcast %sub3A_118 : vector<128x1xi32> to vector<128x16xi32>
      %eq3A_120 = arith.cmpi eq, %iota3A_15, %eq3A_119 : vector<128x16xi32>
      %jit3A_121 = arith.constant 0 : i32
      %broadcast_in_dim3A_122 = vector.broadcast %jit3A_121 : i32 to vector<128x16xi32>
      %select_n3A_123 = arith.select %eq3A_120, %while3A_76, %broadcast_in_dim3A_122 : vector<128x16xi1>, vector<128x16xi32>
      %reduce_sum3A = arith.constant dense<0> : vector<128xi32>
      %reduce_sum3A_124 = vector.multi_reduction <add>, %select_n3A_123, %reduce_sum3A [1] : vector<128x16xi32> to vector<128xi32>
      %broadcast_in_dim3A_125 = vector.shape_cast %reduce_sum3A_124 : vector<128xi32> to vector<128x1xi32>
      %lt3A = arith.constant 1024 : i32
      %lt3A_126 = vector.broadcast %lt3A : i32 to vector<128x1xi32>
      %lt3A_127 = arith.cmpi slt, %broadcast_in_dim3A_115, %lt3A_126 : vector<128x1xi32>
      %add3A_128 = vector.broadcast %mul3A_106 : i32 to vector<128x1xi32>
      %add3A_129 = arith.addi %add3A_128, %broadcast_in_dim3A_115 : vector<128x1xi32>
      %select_n3A_130 = arith.select %lt3A_127, %add3A_129, %broadcast_in_dim3A_125 : vector<128x1xi1>, vector<128x1xi32>
      %broadcast_in_dim3A_131 = vector.broadcast %while3A : f32 to vector<128x1040xf32>
      %select_n3A_132 = arith.select %le3A_109, %broadcast_in_dim3A_131, %concatenate3A : vector<128x1040xi1>, vector<128x1040xf32>
      %reduce_min3A_133 = arith.constant dense<0x7F800000> : vector<128xf32>
      %reduce_min3A_134 = vector.multi_reduction <minimumf>, %select_n3A_132, %reduce_min3A_133 [1] : vector<128x1040xf32> to vector<128xf32>
      %broadcast_in_dim3A_135 = vector.shape_cast %reduce_min3A_134 : vector<128xf32> to vector<128x1xf32>
      %le3A_136 = vector.broadcast %broadcast_in_dim3A_135 : vector<128x1xf32> to vector<128x1040xf32>
      %le3A_137 = arith.cmpf ole, %select_n3A_132, %le3A_136 : vector<128x1040xf32>
      %jit3A_138 = arith.constant 1040 : i32
      %broadcast_in_dim3A_139 = vector.broadcast %jit3A_138 : i32 to vector<128x1040xi32>
      %select_n3A_140 = arith.select %le3A_137, %iota3A, %broadcast_in_dim3A_139 : vector<128x1040xi1>, vector<128x1040xi32>
      %reduce_min3A_141 = arith.constant dense<2147483647> : vector<128xi32>
      %reduce_min3A_142 = vector.multi_reduction <minsi>, %select_n3A_140, %reduce_min3A_141 [1] : vector<128x1040xi32> to vector<128xi32>
      %broadcast_in_dim3A_143 = vector.shape_cast %reduce_min3A_142 : vector<128xi32> to vector<128x1xi32>
      %sub3A_144 = arith.constant 1024 : i32
      %sub3A_145 = vector.broadcast %sub3A_144 : i32 to vector<128x1xi32>
      %sub3A_146 = arith.subi %broadcast_in_dim3A_143, %sub3A_145 : vector<128x1xi32>
      %eq3A_147 = vector.broadcast %sub3A_146 : vector<128x1xi32> to vector<128x16xi32>
      %eq3A_148 = arith.cmpi eq, %iota3A_15, %eq3A_147 : vector<128x16xi32>
      %jit3A_149 = arith.constant 0 : i32
      %broadcast_in_dim3A_150 = vector.broadcast %jit3A_149 : i32 to vector<128x16xi32>
      %select_n3A_151 = arith.select %eq3A_148, %while3A_76, %broadcast_in_dim3A_150 : vector<128x16xi1>, vector<128x16xi32>
      %reduce_sum3A_152 = arith.constant dense<0> : vector<128xi32>
      %reduce_sum3A_153 = vector.multi_reduction <add>, %select_n3A_151, %reduce_sum3A_152 [1] : vector<128x16xi32> to vector<128xi32>
      %broadcast_in_dim3A_154 = vector.shape_cast %reduce_sum3A_153 : vector<128xi32> to vector<128x1xi32>
      %lt3A_155 = arith.constant 1024 : i32
      %lt3A_156 = vector.broadcast %lt3A_155 : i32 to vector<128x1xi32>
      %lt3A_157 = arith.cmpi slt, %broadcast_in_dim3A_143, %lt3A_156 : vector<128x1xi32>
      %add3A_158 = vector.broadcast %mul3A_106 : i32 to vector<128x1xi32>
      %add3A_159 = arith.addi %add3A_158, %broadcast_in_dim3A_143 : vector<128x1xi32>
      %select_n3A_160 = arith.select %lt3A_157, %add3A_159, %broadcast_in_dim3A_154 : vector<128x1xi1>, vector<128x1xi32>
      %broadcast_in_dim3A_161 = vector.broadcast %while3A : f32 to vector<128x1040xf32>
      %select_n3A_162 = arith.select %le3A_137, %broadcast_in_dim3A_161, %select_n3A_132 : vector<128x1040xi1>, vector<128x1040xf32>
      %reduce_min3A_163 = arith.constant dense<0x7F800000> : vector<128xf32>
      %reduce_min3A_164 = vector.multi_reduction <minimumf>, %select_n3A_162, %reduce_min3A_163 [1] : vector<128x1040xf32> to vector<128xf32>
      %broadcast_in_dim3A_165 = vector.shape_cast %reduce_min3A_164 : vector<128xf32> to vector<128x1xf32>
      %le3A_166 = vector.broadcast %broadcast_in_dim3A_165 : vector<128x1xf32> to vector<128x1040xf32>
      %le3A_167 = arith.cmpf ole, %select_n3A_162, %le3A_166 : vector<128x1040xf32>
      %jit3A_168 = arith.constant 1040 : i32
      %broadcast_in_dim3A_169 = vector.broadcast %jit3A_168 : i32 to vector<128x1040xi32>
      %select_n3A_170 = arith.select %le3A_167, %iota3A, %broadcast_in_dim3A_169 : vector<128x1040xi1>, vector<128x1040xi32>
      %reduce_min3A_171 = arith.constant dense<2147483647> : vector<128xi32>
      %reduce_min3A_172 = vector.multi_reduction <minsi>, %select_n3A_170, %reduce_min3A_171 [1] : vector<128x1040xi32> to vector<128xi32>
      %broadcast_in_dim3A_173 = vector.shape_cast %reduce_min3A_172 : vector<128xi32> to vector<128x1xi32>
      %sub3A_174 = arith.constant 1024 : i32
      %sub3A_175 = vector.broadcast %sub3A_174 : i32 to vector<128x1xi32>
      %sub3A_176 = arith.subi %broadcast_in_dim3A_173, %sub3A_175 : vector<128x1xi32>
      %eq3A_177 = vector.broadcast %sub3A_176 : vector<128x1xi32> to vector<128x16xi32>
      %eq3A_178 = arith.cmpi eq, %iota3A_15, %eq3A_177 : vector<128x16xi32>
      %jit3A_179 = arith.constant 0 : i32
      %broadcast_in_dim3A_180 = vector.broadcast %jit3A_179 : i32 to vector<128x16xi32>
      %select_n3A_181 = arith.select %eq3A_178, %while3A_76, %broadcast_in_dim3A_180 : vector<128x16xi1>, vector<128x16xi32>
      %reduce_sum3A_182 = arith.constant dense<0> : vector<128xi32>
      %reduce_sum3A_183 = vector.multi_reduction <add>, %select_n3A_181, %reduce_sum3A_182 [1] : vector<128x16xi32> to vector<128xi32>
      %broadcast_in_dim3A_184 = vector.shape_cast %reduce_sum3A_183 : vector<128xi32> to vector<128x1xi32>
      %lt3A_185 = arith.constant 1024 : i32
      %lt3A_186 = vector.broadcast %lt3A_185 : i32 to vector<128x1xi32>
      %lt3A_187 = arith.cmpi slt, %broadcast_in_dim3A_173, %lt3A_186 : vector<128x1xi32>
      %add3A_188 = vector.broadcast %mul3A_106 : i32 to vector<128x1xi32>
      %add3A_189 = arith.addi %add3A_188, %broadcast_in_dim3A_173 : vector<128x1xi32>
      %select_n3A_190 = arith.select %lt3A_187, %add3A_189, %broadcast_in_dim3A_184 : vector<128x1xi1>, vector<128x1xi32>
      %broadcast_in_dim3A_191 = vector.broadcast %while3A : f32 to vector<128x1040xf32>
      %select_n3A_192 = arith.select %le3A_167, %broadcast_in_dim3A_191, %select_n3A_162 : vector<128x1040xi1>, vector<128x1040xf32>
      %reduce_min3A_193 = arith.constant dense<0x7F800000> : vector<128xf32>
      %reduce_min3A_194 = vector.multi_reduction <minimumf>, %select_n3A_192, %reduce_min3A_193 [1] : vector<128x1040xf32> to vector<128xf32>
      %broadcast_in_dim3A_195 = vector.shape_cast %reduce_min3A_194 : vector<128xf32> to vector<128x1xf32>
      %le3A_196 = vector.broadcast %broadcast_in_dim3A_195 : vector<128x1xf32> to vector<128x1040xf32>
      %le3A_197 = arith.cmpf ole, %select_n3A_192, %le3A_196 : vector<128x1040xf32>
      %jit3A_198 = arith.constant 1040 : i32
      %broadcast_in_dim3A_199 = vector.broadcast %jit3A_198 : i32 to vector<128x1040xi32>
      %select_n3A_200 = arith.select %le3A_197, %iota3A, %broadcast_in_dim3A_199 : vector<128x1040xi1>, vector<128x1040xi32>
      %reduce_min3A_201 = arith.constant dense<2147483647> : vector<128xi32>
      %reduce_min3A_202 = vector.multi_reduction <minsi>, %select_n3A_200, %reduce_min3A_201 [1] : vector<128x1040xi32> to vector<128xi32>
      %broadcast_in_dim3A_203 = vector.shape_cast %reduce_min3A_202 : vector<128xi32> to vector<128x1xi32>
      %sub3A_204 = arith.constant 1024 : i32
      %sub3A_205 = vector.broadcast %sub3A_204 : i32 to vector<128x1xi32>
      %sub3A_206 = arith.subi %broadcast_in_dim3A_203, %sub3A_205 : vector<128x1xi32>
      %eq3A_207 = vector.broadcast %sub3A_206 : vector<128x1xi32> to vector<128x16xi32>
      %eq3A_208 = arith.cmpi eq, %iota3A_15, %eq3A_207 : vector<128x16xi32>
      %jit3A_209 = arith.constant 0 : i32
      %broadcast_in_dim3A_210 = vector.broadcast %jit3A_209 : i32 to vector<128x16xi32>
      %select_n3A_211 = arith.select %eq3A_208, %while3A_76, %broadcast_in_dim3A_210 : vector<128x16xi1>, vector<128x16xi32>
      %reduce_sum3A_212 = arith.constant dense<0> : vector<128xi32>
      %reduce_sum3A_213 = vector.multi_reduction <add>, %select_n3A_211, %reduce_sum3A_212 [1] : vector<128x16xi32> to vector<128xi32>
      %broadcast_in_dim3A_214 = vector.shape_cast %reduce_sum3A_213 : vector<128xi32> to vector<128x1xi32>
      %lt3A_215 = arith.constant 1024 : i32
      %lt3A_216 = vector.broadcast %lt3A_215 : i32 to vector<128x1xi32>
      %lt3A_217 = arith.cmpi slt, %broadcast_in_dim3A_203, %lt3A_216 : vector<128x1xi32>
      %add3A_218 = vector.broadcast %mul3A_106 : i32 to vector<128x1xi32>
      %add3A_219 = arith.addi %add3A_218, %broadcast_in_dim3A_203 : vector<128x1xi32>
      %select_n3A_220 = arith.select %lt3A_217, %add3A_219, %broadcast_in_dim3A_214 : vector<128x1xi1>, vector<128x1xi32>
      %broadcast_in_dim3A_221 = vector.broadcast %while3A : f32 to vector<128x1040xf32>
      %select_n3A_222 = arith.select %le3A_197, %broadcast_in_dim3A_221, %select_n3A_192 : vector<128x1040xi1>, vector<128x1040xf32>
      %reduce_min3A_223 = arith.constant dense<0x7F800000> : vector<128xf32>
      %reduce_min3A_224 = vector.multi_reduction <minimumf>, %select_n3A_222, %reduce_min3A_223 [1] : vector<128x1040xf32> to vector<128xf32>
      %broadcast_in_dim3A_225 = vector.shape_cast %reduce_min3A_224 : vector<128xf32> to vector<128x1xf32>
      %le3A_226 = vector.broadcast %broadcast_in_dim3A_225 : vector<128x1xf32> to vector<128x1040xf32>
      %le3A_227 = arith.cmpf ole, %select_n3A_222, %le3A_226 : vector<128x1040xf32>
      %jit3A_228 = arith.constant 1040 : i32
      %broadcast_in_dim3A_229 = vector.broadcast %jit3A_228 : i32 to vector<128x1040xi32>
      %select_n3A_230 = arith.select %le3A_227, %iota3A, %broadcast_in_dim3A_229 : vector<128x1040xi1>, vector<128x1040xi32>
      %reduce_min3A_231 = arith.constant dense<2147483647> : vector<128xi32>
      %reduce_min3A_232 = vector.multi_reduction <minsi>, %select_n3A_230, %reduce_min3A_231 [1] : vector<128x1040xi32> to vector<128xi32>
      %broadcast_in_dim3A_233 = vector.shape_cast %reduce_min3A_232 : vector<128xi32> to vector<128x1xi32>
      %sub3A_234 = arith.constant 1024 : i32
      %sub3A_235 = vector.broadcast %sub3A_234 : i32 to vector<128x1xi32>
      %sub3A_236 = arith.subi %broadcast_in_dim3A_233, %sub3A_235 : vector<128x1xi32>
      %eq3A_237 = vector.broadcast %sub3A_236 : vector<128x1xi32> to vector<128x16xi32>
      %eq3A_238 = arith.cmpi eq, %iota3A_15, %eq3A_237 : vector<128x16xi32>
      %jit3A_239 = arith.constant 0 : i32
      %broadcast_in_dim3A_240 = vector.broadcast %jit3A_239 : i32 to vector<128x16xi32>
      %select_n3A_241 = arith.select %eq3A_238, %while3A_76, %broadcast_in_dim3A_240 : vector<128x16xi1>, vector<128x16xi32>
      %reduce_sum3A_242 = arith.constant dense<0> : vector<128xi32>
      %reduce_sum3A_243 = vector.multi_reduction <add>, %select_n3A_241, %reduce_sum3A_242 [1] : vector<128x16xi32> to vector<128xi32>
      %broadcast_in_dim3A_244 = vector.shape_cast %reduce_sum3A_243 : vector<128xi32> to vector<128x1xi32>
      %lt3A_245 = arith.constant 1024 : i32
      %lt3A_246 = vector.broadcast %lt3A_245 : i32 to vector<128x1xi32>
      %lt3A_247 = arith.cmpi slt, %broadcast_in_dim3A_233, %lt3A_246 : vector<128x1xi32>
      %add3A_248 = vector.broadcast %mul3A_106 : i32 to vector<128x1xi32>
      %add3A_249 = arith.addi %add3A_248, %broadcast_in_dim3A_233 : vector<128x1xi32>
      %select_n3A_250 = arith.select %lt3A_247, %add3A_249, %broadcast_in_dim3A_244 : vector<128x1xi1>, vector<128x1xi32>
      %broadcast_in_dim3A_251 = vector.broadcast %while3A : f32 to vector<128x1040xf32>
      %select_n3A_252 = arith.select %le3A_227, %broadcast_in_dim3A_251, %select_n3A_222 : vector<128x1040xi1>, vector<128x1040xf32>
      %reduce_min3A_253 = arith.constant dense<0x7F800000> : vector<128xf32>
      %reduce_min3A_254 = vector.multi_reduction <minimumf>, %select_n3A_252, %reduce_min3A_253 [1] : vector<128x1040xf32> to vector<128xf32>
      %broadcast_in_dim3A_255 = vector.shape_cast %reduce_min3A_254 : vector<128xf32> to vector<128x1xf32>
      %le3A_256 = vector.broadcast %broadcast_in_dim3A_255 : vector<128x1xf32> to vector<128x1040xf32>
      %le3A_257 = arith.cmpf ole, %select_n3A_252, %le3A_256 : vector<128x1040xf32>
      %jit3A_258 = arith.constant 1040 : i32
      %broadcast_in_dim3A_259 = vector.broadcast %jit3A_258 : i32 to vector<128x1040xi32>
      %select_n3A_260 = arith.select %le3A_257, %iota3A, %broadcast_in_dim3A_259 : vector<128x1040xi1>, vector<128x1040xi32>
      %reduce_min3A_261 = arith.constant dense<2147483647> : vector<128xi32>
      %reduce_min3A_262 = vector.multi_reduction <minsi>, %select_n3A_260, %reduce_min3A_261 [1] : vector<128x1040xi32> to vector<128xi32>
      %broadcast_in_dim3A_263 = vector.shape_cast %reduce_min3A_262 : vector<128xi32> to vector<128x1xi32>
      %sub3A_264 = arith.constant 1024 : i32
      %sub3A_265 = vector.broadcast %sub3A_264 : i32 to vector<128x1xi32>
      %sub3A_266 = arith.subi %broadcast_in_dim3A_263, %sub3A_265 : vector<128x1xi32>
      %eq3A_267 = vector.broadcast %sub3A_266 : vector<128x1xi32> to vector<128x16xi32>
      %eq3A_268 = arith.cmpi eq, %iota3A_15, %eq3A_267 : vector<128x16xi32>
      %jit3A_269 = arith.constant 0 : i32
      %broadcast_in_dim3A_270 = vector.broadcast %jit3A_269 : i32 to vector<128x16xi32>
      %select_n3A_271 = arith.select %eq3A_268, %while3A_76, %broadcast_in_dim3A_270 : vector<128x16xi1>, vector<128x16xi32>
      %reduce_sum3A_272 = arith.constant dense<0> : vector<128xi32>
      %reduce_sum3A_273 = vector.multi_reduction <add>, %select_n3A_271, %reduce_sum3A_272 [1] : vector<128x16xi32> to vector<128xi32>
      %broadcast_in_dim3A_274 = vector.shape_cast %reduce_sum3A_273 : vector<128xi32> to vector<128x1xi32>
      %lt3A_275 = arith.constant 1024 : i32
      %lt3A_276 = vector.broadcast %lt3A_275 : i32 to vector<128x1xi32>
      %lt3A_277 = arith.cmpi slt, %broadcast_in_dim3A_263, %lt3A_276 : vector<128x1xi32>
      %add3A_278 = vector.broadcast %mul3A_106 : i32 to vector<128x1xi32>
      %add3A_279 = arith.addi %add3A_278, %broadcast_in_dim3A_263 : vector<128x1xi32>
      %select_n3A_280 = arith.select %lt3A_277, %add3A_279, %broadcast_in_dim3A_274 : vector<128x1xi1>, vector<128x1xi32>
      %broadcast_in_dim3A_281 = vector.broadcast %while3A : f32 to vector<128x1040xf32>
      %select_n3A_282 = arith.select %le3A_257, %broadcast_in_dim3A_281, %select_n3A_252 : vector<128x1040xi1>, vector<128x1040xf32>
      %reduce_min3A_283 = arith.constant dense<0x7F800000> : vector<128xf32>
      %reduce_min3A_284 = vector.multi_reduction <minimumf>, %select_n3A_282, %reduce_min3A_283 [1] : vector<128x1040xf32> to vector<128xf32>
      %broadcast_in_dim3A_285 = vector.shape_cast %reduce_min3A_284 : vector<128xf32> to vector<128x1xf32>
      %le3A_286 = vector.broadcast %broadcast_in_dim3A_285 : vector<128x1xf32> to vector<128x1040xf32>
      %le3A_287 = arith.cmpf ole, %select_n3A_282, %le3A_286 : vector<128x1040xf32>
      %jit3A_288 = arith.constant 1040 : i32
      %broadcast_in_dim3A_289 = vector.broadcast %jit3A_288 : i32 to vector<128x1040xi32>
      %select_n3A_290 = arith.select %le3A_287, %iota3A, %broadcast_in_dim3A_289 : vector<128x1040xi1>, vector<128x1040xi32>
      %reduce_min3A_291 = arith.constant dense<2147483647> : vector<128xi32>
      %reduce_min3A_292 = vector.multi_reduction <minsi>, %select_n3A_290, %reduce_min3A_291 [1] : vector<128x1040xi32> to vector<128xi32>
      %broadcast_in_dim3A_293 = vector.shape_cast %reduce_min3A_292 : vector<128xi32> to vector<128x1xi32>
      %sub3A_294 = arith.constant 1024 : i32
      %sub3A_295 = vector.broadcast %sub3A_294 : i32 to vector<128x1xi32>
      %sub3A_296 = arith.subi %broadcast_in_dim3A_293, %sub3A_295 : vector<128x1xi32>
      %eq3A_297 = vector.broadcast %sub3A_296 : vector<128x1xi32> to vector<128x16xi32>
      %eq3A_298 = arith.cmpi eq, %iota3A_15, %eq3A_297 : vector<128x16xi32>
      %jit3A_299 = arith.constant 0 : i32
      %broadcast_in_dim3A_300 = vector.broadcast %jit3A_299 : i32 to vector<128x16xi32>
      %select_n3A_301 = arith.select %eq3A_298, %while3A_76, %broadcast_in_dim3A_300 : vector<128x16xi1>, vector<128x16xi32>
      %reduce_sum3A_302 = arith.constant dense<0> : vector<128xi32>
      %reduce_sum3A_303 = vector.multi_reduction <add>, %select_n3A_301, %reduce_sum3A_302 [1] : vector<128x16xi32> to vector<128xi32>
      %broadcast_in_dim3A_304 = vector.shape_cast %reduce_sum3A_303 : vector<128xi32> to vector<128x1xi32>
      %lt3A_305 = arith.constant 1024 : i32
      %lt3A_306 = vector.broadcast %lt3A_305 : i32 to vector<128x1xi32>
      %lt3A_307 = arith.cmpi slt, %broadcast_in_dim3A_293, %lt3A_306 : vector<128x1xi32>
      %add3A_308 = vector.broadcast %mul3A_106 : i32 to vector<128x1xi32>
      %add3A_309 = arith.addi %add3A_308, %broadcast_in_dim3A_293 : vector<128x1xi32>
      %select_n3A_310 = arith.select %lt3A_307, %add3A_309, %broadcast_in_dim3A_304 : vector<128x1xi1>, vector<128x1xi32>
      %broadcast_in_dim3A_311 = vector.broadcast %while3A : f32 to vector<128x1040xf32>
      %select_n3A_312 = arith.select %le3A_287, %broadcast_in_dim3A_311, %select_n3A_282 : vector<128x1040xi1>, vector<128x1040xf32>
      %reduce_min3A_313 = arith.constant dense<0x7F800000> : vector<128xf32>
      %reduce_min3A_314 = vector.multi_reduction <minimumf>, %select_n3A_312, %reduce_min3A_313 [1] : vector<128x1040xf32> to vector<128xf32>
      %broadcast_in_dim3A_315 = vector.shape_cast %reduce_min3A_314 : vector<128xf32> to vector<128x1xf32>
      %le3A_316 = vector.broadcast %broadcast_in_dim3A_315 : vector<128x1xf32> to vector<128x1040xf32>
      %le3A_317 = arith.cmpf ole, %select_n3A_312, %le3A_316 : vector<128x1040xf32>
      %jit3A_318 = arith.constant 1040 : i32
      %broadcast_in_dim3A_319 = vector.broadcast %jit3A_318 : i32 to vector<128x1040xi32>
      %select_n3A_320 = arith.select %le3A_317, %iota3A, %broadcast_in_dim3A_319 : vector<128x1040xi1>, vector<128x1040xi32>
      %reduce_min3A_321 = arith.constant dense<2147483647> : vector<128xi32>
      %reduce_min3A_322 = vector.multi_reduction <minsi>, %select_n3A_320, %reduce_min3A_321 [1] : vector<128x1040xi32> to vector<128xi32>
      %broadcast_in_dim3A_323 = vector.shape_cast %reduce_min3A_322 : vector<128xi32> to vector<128x1xi32>
      %sub3A_324 = arith.constant 1024 : i32
      %sub3A_325 = vector.broadcast %sub3A_324 : i32 to vector<128x1xi32>
      %sub3A_326 = arith.subi %broadcast_in_dim3A_323, %sub3A_325 : vector<128x1xi32>
      %eq3A_327 = vector.broadcast %sub3A_326 : vector<128x1xi32> to vector<128x16xi32>
      %eq3A_328 = arith.cmpi eq, %iota3A_15, %eq3A_327 : vector<128x16xi32>
      %jit3A_329 = arith.constant 0 : i32
      %broadcast_in_dim3A_330 = vector.broadcast %jit3A_329 : i32 to vector<128x16xi32>
      %select_n3A_331 = arith.select %eq3A_328, %while3A_76, %broadcast_in_dim3A_330 : vector<128x16xi1>, vector<128x16xi32>
      %reduce_sum3A_332 = arith.constant dense<0> : vector<128xi32>
      %reduce_sum3A_333 = vector.multi_reduction <add>, %select_n3A_331, %reduce_sum3A_332 [1] : vector<128x16xi32> to vector<128xi32>
      %broadcast_in_dim3A_334 = vector.shape_cast %reduce_sum3A_333 : vector<128xi32> to vector<128x1xi32>
      %lt3A_335 = arith.constant 1024 : i32
      %lt3A_336 = vector.broadcast %lt3A_335 : i32 to vector<128x1xi32>
      %lt3A_337 = arith.cmpi slt, %broadcast_in_dim3A_323, %lt3A_336 : vector<128x1xi32>
      %add3A_338 = vector.broadcast %mul3A_106 : i32 to vector<128x1xi32>
      %add3A_339 = arith.addi %add3A_338, %broadcast_in_dim3A_323 : vector<128x1xi32>
      %select_n3A_340 = arith.select %lt3A_337, %add3A_339, %broadcast_in_dim3A_334 : vector<128x1xi1>, vector<128x1xi32>
      %broadcast_in_dim3A_341 = vector.broadcast %while3A : f32 to vector<128x1040xf32>
      %select_n3A_342 = arith.select %le3A_317, %broadcast_in_dim3A_341, %select_n3A_312 : vector<128x1040xi1>, vector<128x1040xf32>
      %reduce_min3A_343 = arith.constant dense<0x7F800000> : vector<128xf32>
      %reduce_min3A_344 = vector.multi_reduction <minimumf>, %select_n3A_342, %reduce_min3A_343 [1] : vector<128x1040xf32> to vector<128xf32>
      %broadcast_in_dim3A_345 = vector.shape_cast %reduce_min3A_344 : vector<128xf32> to vector<128x1xf32>
      %le3A_346 = vector.broadcast %broadcast_in_dim3A_345 : vector<128x1xf32> to vector<128x1040xf32>
      %le3A_347 = arith.cmpf ole, %select_n3A_342, %le3A_346 : vector<128x1040xf32>
      %jit3A_348 = arith.constant 1040 : i32
      %broadcast_in_dim3A_349 = vector.broadcast %jit3A_348 : i32 to vector<128x1040xi32>
      %select_n3A_350 = arith.select %le3A_347, %iota3A, %broadcast_in_dim3A_349 : vector<128x1040xi1>, vector<128x1040xi32>
      %reduce_min3A_351 = arith.constant dense<2147483647> : vector<128xi32>
      %reduce_min3A_352 = vector.multi_reduction <minsi>, %select_n3A_350, %reduce_min3A_351 [1] : vector<128x1040xi32> to vector<128xi32>
      %broadcast_in_dim3A_353 = vector.shape_cast %reduce_min3A_352 : vector<128xi32> to vector<128x1xi32>
      %sub3A_354 = arith.constant 1024 : i32
      %sub3A_355 = vector.broadcast %sub3A_354 : i32 to vector<128x1xi32>
      %sub3A_356 = arith.subi %broadcast_in_dim3A_353, %sub3A_355 : vector<128x1xi32>
      %eq3A_357 = vector.broadcast %sub3A_356 : vector<128x1xi32> to vector<128x16xi32>
      %eq3A_358 = arith.cmpi eq, %iota3A_15, %eq3A_357 : vector<128x16xi32>
      %jit3A_359 = arith.constant 0 : i32
      %broadcast_in_dim3A_360 = vector.broadcast %jit3A_359 : i32 to vector<128x16xi32>
      %select_n3A_361 = arith.select %eq3A_358, %while3A_76, %broadcast_in_dim3A_360 : vector<128x16xi1>, vector<128x16xi32>
      %reduce_sum3A_362 = arith.constant dense<0> : vector<128xi32>
      %reduce_sum3A_363 = vector.multi_reduction <add>, %select_n3A_361, %reduce_sum3A_362 [1] : vector<128x16xi32> to vector<128xi32>
      %broadcast_in_dim3A_364 = vector.shape_cast %reduce_sum3A_363 : vector<128xi32> to vector<128x1xi32>
      %lt3A_365 = arith.constant 1024 : i32
      %lt3A_366 = vector.broadcast %lt3A_365 : i32 to vector<128x1xi32>
      %lt3A_367 = arith.cmpi slt, %broadcast_in_dim3A_353, %lt3A_366 : vector<128x1xi32>
      %add3A_368 = vector.broadcast %mul3A_106 : i32 to vector<128x1xi32>
      %add3A_369 = arith.addi %add3A_368, %broadcast_in_dim3A_353 : vector<128x1xi32>
      %select_n3A_370 = arith.select %lt3A_367, %add3A_369, %broadcast_in_dim3A_364 : vector<128x1xi1>, vector<128x1xi32>
      %broadcast_in_dim3A_371 = vector.broadcast %while3A : f32 to vector<128x1040xf32>
      %select_n3A_372 = arith.select %le3A_347, %broadcast_in_dim3A_371, %select_n3A_342 : vector<128x1040xi1>, vector<128x1040xf32>
      %reduce_min3A_373 = arith.constant dense<0x7F800000> : vector<128xf32>
      %reduce_min3A_374 = vector.multi_reduction <minimumf>, %select_n3A_372, %reduce_min3A_373 [1] : vector<128x1040xf32> to vector<128xf32>
      %broadcast_in_dim3A_375 = vector.shape_cast %reduce_min3A_374 : vector<128xf32> to vector<128x1xf32>
      %le3A_376 = vector.broadcast %broadcast_in_dim3A_375 : vector<128x1xf32> to vector<128x1040xf32>
      %le3A_377 = arith.cmpf ole, %select_n3A_372, %le3A_376 : vector<128x1040xf32>
      %jit3A_378 = arith.constant 1040 : i32
      %broadcast_in_dim3A_379 = vector.broadcast %jit3A_378 : i32 to vector<128x1040xi32>
      %select_n3A_380 = arith.select %le3A_377, %iota3A, %broadcast_in_dim3A_379 : vector<128x1040xi1>, vector<128x1040xi32>
      %reduce_min3A_381 = arith.constant dense<2147483647> : vector<128xi32>
      %reduce_min3A_382 = vector.multi_reduction <minsi>, %select_n3A_380, %reduce_min3A_381 [1] : vector<128x1040xi32> to vector<128xi32>
      %broadcast_in_dim3A_383 = vector.shape_cast %reduce_min3A_382 : vector<128xi32> to vector<128x1xi32>
      %sub3A_384 = arith.constant 1024 : i32
      %sub3A_385 = vector.broadcast %sub3A_384 : i32 to vector<128x1xi32>
      %sub3A_386 = arith.subi %broadcast_in_dim3A_383, %sub3A_385 : vector<128x1xi32>
      %eq3A_387 = vector.broadcast %sub3A_386 : vector<128x1xi32> to vector<128x16xi32>
      %eq3A_388 = arith.cmpi eq, %iota3A_15, %eq3A_387 : vector<128x16xi32>
      %jit3A_389 = arith.constant 0 : i32
      %broadcast_in_dim3A_390 = vector.broadcast %jit3A_389 : i32 to vector<128x16xi32>
      %select_n3A_391 = arith.select %eq3A_388, %while3A_76, %broadcast_in_dim3A_390 : vector<128x16xi1>, vector<128x16xi32>
      %reduce_sum3A_392 = arith.constant dense<0> : vector<128xi32>
      %reduce_sum3A_393 = vector.multi_reduction <add>, %select_n3A_391, %reduce_sum3A_392 [1] : vector<128x16xi32> to vector<128xi32>
      %broadcast_in_dim3A_394 = vector.shape_cast %reduce_sum3A_393 : vector<128xi32> to vector<128x1xi32>
      %lt3A_395 = arith.constant 1024 : i32
      %lt3A_396 = vector.broadcast %lt3A_395 : i32 to vector<128x1xi32>
      %lt3A_397 = arith.cmpi slt, %broadcast_in_dim3A_383, %lt3A_396 : vector<128x1xi32>
      %add3A_398 = vector.broadcast %mul3A_106 : i32 to vector<128x1xi32>
      %add3A_399 = arith.addi %add3A_398, %broadcast_in_dim3A_383 : vector<128x1xi32>
      %select_n3A_400 = arith.select %lt3A_397, %add3A_399, %broadcast_in_dim3A_394 : vector<128x1xi1>, vector<128x1xi32>
      %broadcast_in_dim3A_401 = vector.broadcast %while3A : f32 to vector<128x1040xf32>
      %select_n3A_402 = arith.select %le3A_377, %broadcast_in_dim3A_401, %select_n3A_372 : vector<128x1040xi1>, vector<128x1040xf32>
      %reduce_min3A_403 = arith.constant dense<0x7F800000> : vector<128xf32>
      %reduce_min3A_404 = vector.multi_reduction <minimumf>, %select_n3A_402, %reduce_min3A_403 [1] : vector<128x1040xf32> to vector<128xf32>
      %broadcast_in_dim3A_405 = vector.shape_cast %reduce_min3A_404 : vector<128xf32> to vector<128x1xf32>
      %le3A_406 = vector.broadcast %broadcast_in_dim3A_405 : vector<128x1xf32> to vector<128x1040xf32>
      %le3A_407 = arith.cmpf ole, %select_n3A_402, %le3A_406 : vector<128x1040xf32>
      %jit3A_408 = arith.constant 1040 : i32
      %broadcast_in_dim3A_409 = vector.broadcast %jit3A_408 : i32 to vector<128x1040xi32>
      %select_n3A_410 = arith.select %le3A_407, %iota3A, %broadcast_in_dim3A_409 : vector<128x1040xi1>, vector<128x1040xi32>
      %reduce_min3A_411 = arith.constant dense<2147483647> : vector<128xi32>
      %reduce_min3A_412 = vector.multi_reduction <minsi>, %select_n3A_410, %reduce_min3A_411 [1] : vector<128x1040xi32> to vector<128xi32>
      %broadcast_in_dim3A_413 = vector.shape_cast %reduce_min3A_412 : vector<128xi32> to vector<128x1xi32>
      %sub3A_414 = arith.constant 1024 : i32
      %sub3A_415 = vector.broadcast %sub3A_414 : i32 to vector<128x1xi32>
      %sub3A_416 = arith.subi %broadcast_in_dim3A_413, %sub3A_415 : vector<128x1xi32>
      %eq3A_417 = vector.broadcast %sub3A_416 : vector<128x1xi32> to vector<128x16xi32>
      %eq3A_418 = arith.cmpi eq, %iota3A_15, %eq3A_417 : vector<128x16xi32>
      %jit3A_419 = arith.constant 0 : i32
      %broadcast_in_dim3A_420 = vector.broadcast %jit3A_419 : i32 to vector<128x16xi32>
      %select_n3A_421 = arith.select %eq3A_418, %while3A_76, %broadcast_in_dim3A_420 : vector<128x16xi1>, vector<128x16xi32>
      %reduce_sum3A_422 = arith.constant dense<0> : vector<128xi32>
      %reduce_sum3A_423 = vector.multi_reduction <add>, %select_n3A_421, %reduce_sum3A_422 [1] : vector<128x16xi32> to vector<128xi32>
      %broadcast_in_dim3A_424 = vector.shape_cast %reduce_sum3A_423 : vector<128xi32> to vector<128x1xi32>
      %lt3A_425 = arith.constant 1024 : i32
      %lt3A_426 = vector.broadcast %lt3A_425 : i32 to vector<128x1xi32>
      %lt3A_427 = arith.cmpi slt, %broadcast_in_dim3A_413, %lt3A_426 : vector<128x1xi32>
      %add3A_428 = vector.broadcast %mul3A_106 : i32 to vector<128x1xi32>
      %add3A_429 = arith.addi %add3A_428, %broadcast_in_dim3A_413 : vector<128x1xi32>
      %select_n3A_430 = arith.select %lt3A_427, %add3A_429, %broadcast_in_dim3A_424 : vector<128x1xi1>, vector<128x1xi32>
      %broadcast_in_dim3A_431 = vector.broadcast %while3A : f32 to vector<128x1040xf32>
      %select_n3A_432 = arith.select %le3A_407, %broadcast_in_dim3A_431, %select_n3A_402 : vector<128x1040xi1>, vector<128x1040xf32>
      %reduce_min3A_433 = arith.constant dense<0x7F800000> : vector<128xf32>
      %reduce_min3A_434 = vector.multi_reduction <minimumf>, %select_n3A_432, %reduce_min3A_433 [1] : vector<128x1040xf32> to vector<128xf32>
      %broadcast_in_dim3A_435 = vector.shape_cast %reduce_min3A_434 : vector<128xf32> to vector<128x1xf32>
      %le3A_436 = vector.broadcast %broadcast_in_dim3A_435 : vector<128x1xf32> to vector<128x1040xf32>
      %le3A_437 = arith.cmpf ole, %select_n3A_432, %le3A_436 : vector<128x1040xf32>
      %jit3A_438 = arith.constant 1040 : i32
      %broadcast_in_dim3A_439 = vector.broadcast %jit3A_438 : i32 to vector<128x1040xi32>
      %select_n3A_440 = arith.select %le3A_437, %iota3A, %broadcast_in_dim3A_439 : vector<128x1040xi1>, vector<128x1040xi32>
      %reduce_min3A_441 = arith.constant dense<2147483647> : vector<128xi32>
      %reduce_min3A_442 = vector.multi_reduction <minsi>, %select_n3A_440, %reduce_min3A_441 [1] : vector<128x1040xi32> to vector<128xi32>
      %broadcast_in_dim3A_443 = vector.shape_cast %reduce_min3A_442 : vector<128xi32> to vector<128x1xi32>
      %sub3A_444 = arith.constant 1024 : i32
      %sub3A_445 = vector.broadcast %sub3A_444 : i32 to vector<128x1xi32>
      %sub3A_446 = arith.subi %broadcast_in_dim3A_443, %sub3A_445 : vector<128x1xi32>
      %eq3A_447 = vector.broadcast %sub3A_446 : vector<128x1xi32> to vector<128x16xi32>
      %eq3A_448 = arith.cmpi eq, %iota3A_15, %eq3A_447 : vector<128x16xi32>
      %jit3A_449 = arith.constant 0 : i32
      %broadcast_in_dim3A_450 = vector.broadcast %jit3A_449 : i32 to vector<128x16xi32>
      %select_n3A_451 = arith.select %eq3A_448, %while3A_76, %broadcast_in_dim3A_450 : vector<128x16xi1>, vector<128x16xi32>
      %reduce_sum3A_452 = arith.constant dense<0> : vector<128xi32>
      %reduce_sum3A_453 = vector.multi_reduction <add>, %select_n3A_451, %reduce_sum3A_452 [1] : vector<128x16xi32> to vector<128xi32>
      %broadcast_in_dim3A_454 = vector.shape_cast %reduce_sum3A_453 : vector<128xi32> to vector<128x1xi32>
      %lt3A_455 = arith.constant 1024 : i32
      %lt3A_456 = vector.broadcast %lt3A_455 : i32 to vector<128x1xi32>
      %lt3A_457 = arith.cmpi slt, %broadcast_in_dim3A_443, %lt3A_456 : vector<128x1xi32>
      %add3A_458 = vector.broadcast %mul3A_106 : i32 to vector<128x1xi32>
      %add3A_459 = arith.addi %add3A_458, %broadcast_in_dim3A_443 : vector<128x1xi32>
      %select_n3A_460 = arith.select %lt3A_457, %add3A_459, %broadcast_in_dim3A_454 : vector<128x1xi1>, vector<128x1xi32>
      %broadcast_in_dim3A_461 = vector.broadcast %while3A : f32 to vector<128x1040xf32>
      %select_n3A_462 = arith.select %le3A_437, %broadcast_in_dim3A_461, %select_n3A_432 : vector<128x1040xi1>, vector<128x1040xf32>
      %reduce_min3A_463 = arith.constant dense<0x7F800000> : vector<128xf32>
      %reduce_min3A_464 = vector.multi_reduction <minimumf>, %select_n3A_462, %reduce_min3A_463 [1] : vector<128x1040xf32> to vector<128xf32>
      %broadcast_in_dim3A_465 = vector.shape_cast %reduce_min3A_464 : vector<128xf32> to vector<128x1xf32>
      %le3A_466 = vector.broadcast %broadcast_in_dim3A_465 : vector<128x1xf32> to vector<128x1040xf32>
      %le3A_467 = arith.cmpf ole, %select_n3A_462, %le3A_466 : vector<128x1040xf32>
      %jit3A_468 = arith.constant 1040 : i32
      %broadcast_in_dim3A_469 = vector.broadcast %jit3A_468 : i32 to vector<128x1040xi32>
      %select_n3A_470 = arith.select %le3A_467, %iota3A, %broadcast_in_dim3A_469 : vector<128x1040xi1>, vector<128x1040xi32>
      %reduce_min3A_471 = arith.constant dense<2147483647> : vector<128xi32>
      %reduce_min3A_472 = vector.multi_reduction <minsi>, %select_n3A_470, %reduce_min3A_471 [1] : vector<128x1040xi32> to vector<128xi32>
      %broadcast_in_dim3A_473 = vector.shape_cast %reduce_min3A_472 : vector<128xi32> to vector<128x1xi32>
      %sub3A_474 = arith.constant 1024 : i32
      %sub3A_475 = vector.broadcast %sub3A_474 : i32 to vector<128x1xi32>
      %sub3A_476 = arith.subi %broadcast_in_dim3A_473, %sub3A_475 : vector<128x1xi32>
      %eq3A_477 = vector.broadcast %sub3A_476 : vector<128x1xi32> to vector<128x16xi32>
      %eq3A_478 = arith.cmpi eq, %iota3A_15, %eq3A_477 : vector<128x16xi32>
      %jit3A_479 = arith.constant 0 : i32
      %broadcast_in_dim3A_480 = vector.broadcast %jit3A_479 : i32 to vector<128x16xi32>
      %select_n3A_481 = arith.select %eq3A_478, %while3A_76, %broadcast_in_dim3A_480 : vector<128x16xi1>, vector<128x16xi32>
      %reduce_sum3A_482 = arith.constant dense<0> : vector<128xi32>
      %reduce_sum3A_483 = vector.multi_reduction <add>, %select_n3A_481, %reduce_sum3A_482 [1] : vector<128x16xi32> to vector<128xi32>
      %broadcast_in_dim3A_484 = vector.shape_cast %reduce_sum3A_483 : vector<128xi32> to vector<128x1xi32>
      %lt3A_485 = arith.constant 1024 : i32
      %lt3A_486 = vector.broadcast %lt3A_485 : i32 to vector<128x1xi32>
      %lt3A_487 = arith.cmpi slt, %broadcast_in_dim3A_473, %lt3A_486 : vector<128x1xi32>
      %add3A_488 = vector.broadcast %mul3A_106 : i32 to vector<128x1xi32>
      %add3A_489 = arith.addi %add3A_488, %broadcast_in_dim3A_473 : vector<128x1xi32>
      %select_n3A_490 = arith.select %lt3A_487, %add3A_489, %broadcast_in_dim3A_484 : vector<128x1xi1>, vector<128x1xi32>
      %broadcast_in_dim3A_491 = vector.broadcast %while3A : f32 to vector<128x1040xf32>
      %select_n3A_492 = arith.select %le3A_467, %broadcast_in_dim3A_491, %select_n3A_462 : vector<128x1040xi1>, vector<128x1040xf32>
      %reduce_min3A_493 = arith.constant dense<0x7F800000> : vector<128xf32>
      %reduce_min3A_494 = vector.multi_reduction <minimumf>, %select_n3A_492, %reduce_min3A_493 [1] : vector<128x1040xf32> to vector<128xf32>
      %broadcast_in_dim3A_495 = vector.shape_cast %reduce_min3A_494 : vector<128xf32> to vector<128x1xf32>
      %le3A_496 = vector.broadcast %broadcast_in_dim3A_495 : vector<128x1xf32> to vector<128x1040xf32>
      %le3A_497 = arith.cmpf ole, %select_n3A_492, %le3A_496 : vector<128x1040xf32>
      %jit3A_498 = arith.constant 1040 : i32
      %broadcast_in_dim3A_499 = vector.broadcast %jit3A_498 : i32 to vector<128x1040xi32>
      %select_n3A_500 = arith.select %le3A_497, %iota3A, %broadcast_in_dim3A_499 : vector<128x1040xi1>, vector<128x1040xi32>
      %reduce_min3A_501 = arith.constant dense<2147483647> : vector<128xi32>
      %reduce_min3A_502 = vector.multi_reduction <minsi>, %select_n3A_500, %reduce_min3A_501 [1] : vector<128x1040xi32> to vector<128xi32>
      %broadcast_in_dim3A_503 = vector.shape_cast %reduce_min3A_502 : vector<128xi32> to vector<128x1xi32>
      %sub3A_504 = arith.constant 1024 : i32
      %sub3A_505 = vector.broadcast %sub3A_504 : i32 to vector<128x1xi32>
      %sub3A_506 = arith.subi %broadcast_in_dim3A_503, %sub3A_505 : vector<128x1xi32>
      %eq3A_507 = vector.broadcast %sub3A_506 : vector<128x1xi32> to vector<128x16xi32>
      %eq3A_508 = arith.cmpi eq, %iota3A_15, %eq3A_507 : vector<128x16xi32>
      %jit3A_509 = arith.constant 0 : i32
      %broadcast_in_dim3A_510 = vector.broadcast %jit3A_509 : i32 to vector<128x16xi32>
      %select_n3A_511 = arith.select %eq3A_508, %while3A_76, %broadcast_in_dim3A_510 : vector<128x16xi1>, vector<128x16xi32>
      %reduce_sum3A_512 = arith.constant dense<0> : vector<128xi32>
      %reduce_sum3A_513 = vector.multi_reduction <add>, %select_n3A_511, %reduce_sum3A_512 [1] : vector<128x16xi32> to vector<128xi32>
      %broadcast_in_dim3A_514 = vector.shape_cast %reduce_sum3A_513 : vector<128xi32> to vector<128x1xi32>
      %lt3A_515 = arith.constant 1024 : i32
      %lt3A_516 = vector.broadcast %lt3A_515 : i32 to vector<128x1xi32>
      %lt3A_517 = arith.cmpi slt, %broadcast_in_dim3A_503, %lt3A_516 : vector<128x1xi32>
      %add3A_518 = vector.broadcast %mul3A_106 : i32 to vector<128x1xi32>
      %add3A_519 = arith.addi %add3A_518, %broadcast_in_dim3A_503 : vector<128x1xi32>
      %select_n3A_520 = arith.select %lt3A_517, %add3A_519, %broadcast_in_dim3A_514 : vector<128x1xi1>, vector<128x1xi32>
      %broadcast_in_dim3A_521 = vector.broadcast %while3A : f32 to vector<128x1040xf32>
      %select_n3A_522 = arith.select %le3A_497, %broadcast_in_dim3A_521, %select_n3A_492 : vector<128x1040xi1>, vector<128x1040xf32>
      %reduce_min3A_523 = arith.constant dense<0x7F800000> : vector<128xf32>
      %reduce_min3A_524 = vector.multi_reduction <minimumf>, %select_n3A_522, %reduce_min3A_523 [1] : vector<128x1040xf32> to vector<128xf32>
      %broadcast_in_dim3A_525 = vector.shape_cast %reduce_min3A_524 : vector<128xf32> to vector<128x1xf32>
      %le3A_526 = vector.broadcast %broadcast_in_dim3A_525 : vector<128x1xf32> to vector<128x1040xf32>
      %le3A_527 = arith.cmpf ole, %select_n3A_522, %le3A_526 : vector<128x1040xf32>
      %jit3A_528 = arith.constant 1040 : i32
      %broadcast_in_dim3A_529 = vector.broadcast %jit3A_528 : i32 to vector<128x1040xi32>
      %select_n3A_530 = arith.select %le3A_527, %iota3A, %broadcast_in_dim3A_529 : vector<128x1040xi1>, vector<128x1040xi32>
      %reduce_min3A_531 = arith.constant dense<2147483647> : vector<128xi32>
      %reduce_min3A_532 = vector.multi_reduction <minsi>, %select_n3A_530, %reduce_min3A_531 [1] : vector<128x1040xi32> to vector<128xi32>
      %broadcast_in_dim3A_533 = vector.shape_cast %reduce_min3A_532 : vector<128xi32> to vector<128x1xi32>
      %sub3A_534 = arith.constant 1024 : i32
      %sub3A_535 = vector.broadcast %sub3A_534 : i32 to vector<128x1xi32>
      %sub3A_536 = arith.subi %broadcast_in_dim3A_533, %sub3A_535 : vector<128x1xi32>
      %eq3A_537 = vector.broadcast %sub3A_536 : vector<128x1xi32> to vector<128x16xi32>
      %eq3A_538 = arith.cmpi eq, %iota3A_15, %eq3A_537 : vector<128x16xi32>
      %jit3A_539 = arith.constant 0 : i32
      %broadcast_in_dim3A_540 = vector.broadcast %jit3A_539 : i32 to vector<128x16xi32>
      %select_n3A_541 = arith.select %eq3A_538, %while3A_76, %broadcast_in_dim3A_540 : vector<128x16xi1>, vector<128x16xi32>
      %reduce_sum3A_542 = arith.constant dense<0> : vector<128xi32>
      %reduce_sum3A_543 = vector.multi_reduction <add>, %select_n3A_541, %reduce_sum3A_542 [1] : vector<128x16xi32> to vector<128xi32>
      %broadcast_in_dim3A_544 = vector.shape_cast %reduce_sum3A_543 : vector<128xi32> to vector<128x1xi32>
      %lt3A_545 = arith.constant 1024 : i32
      %lt3A_546 = vector.broadcast %lt3A_545 : i32 to vector<128x1xi32>
      %lt3A_547 = arith.cmpi slt, %broadcast_in_dim3A_533, %lt3A_546 : vector<128x1xi32>
      %add3A_548 = vector.broadcast %mul3A_106 : i32 to vector<128x1xi32>
      %add3A_549 = arith.addi %add3A_548, %broadcast_in_dim3A_533 : vector<128x1xi32>
      %select_n3A_550 = arith.select %lt3A_547, %add3A_549, %broadcast_in_dim3A_544 : vector<128x1xi1>, vector<128x1xi32>
      %broadcast_in_dim3A_551 = vector.broadcast %while3A : f32 to vector<128x1040xf32>
      %select_n3A_552 = arith.select %le3A_527, %broadcast_in_dim3A_551, %select_n3A_522 : vector<128x1040xi1>, vector<128x1040xf32>
      %reduce_min3A_553 = arith.constant dense<0x7F800000> : vector<128xf32>
      %reduce_min3A_554 = vector.multi_reduction <minimumf>, %select_n3A_552, %reduce_min3A_553 [1] : vector<128x1040xf32> to vector<128xf32>
      %broadcast_in_dim3A_555 = vector.shape_cast %reduce_min3A_554 : vector<128xf32> to vector<128x1xf32>
      %le3A_556 = vector.broadcast %broadcast_in_dim3A_555 : vector<128x1xf32> to vector<128x1040xf32>
      %le3A_557 = arith.cmpf ole, %select_n3A_552, %le3A_556 : vector<128x1040xf32>
      %jit3A_558 = arith.constant 1040 : i32
      %broadcast_in_dim3A_559 = vector.broadcast %jit3A_558 : i32 to vector<128x1040xi32>
      %select_n3A_560 = arith.select %le3A_557, %iota3A, %broadcast_in_dim3A_559 : vector<128x1040xi1>, vector<128x1040xi32>
      %reduce_min3A_561 = arith.constant dense<2147483647> : vector<128xi32>
      %reduce_min3A_562 = vector.multi_reduction <minsi>, %select_n3A_560, %reduce_min3A_561 [1] : vector<128x1040xi32> to vector<128xi32>
      %broadcast_in_dim3A_563 = vector.shape_cast %reduce_min3A_562 : vector<128xi32> to vector<128x1xi32>
      %sub3A_564 = arith.constant 1024 : i32
      %sub3A_565 = vector.broadcast %sub3A_564 : i32 to vector<128x1xi32>
      %sub3A_566 = arith.subi %broadcast_in_dim3A_563, %sub3A_565 : vector<128x1xi32>
      %eq3A_567 = vector.broadcast %sub3A_566 : vector<128x1xi32> to vector<128x16xi32>
      %eq3A_568 = arith.cmpi eq, %iota3A_15, %eq3A_567 : vector<128x16xi32>
      %jit3A_569 = arith.constant 0 : i32
      %broadcast_in_dim3A_570 = vector.broadcast %jit3A_569 : i32 to vector<128x16xi32>
      %select_n3A_571 = arith.select %eq3A_568, %while3A_76, %broadcast_in_dim3A_570 : vector<128x16xi1>, vector<128x16xi32>
      %reduce_sum3A_572 = arith.constant dense<0> : vector<128xi32>
      %reduce_sum3A_573 = vector.multi_reduction <add>, %select_n3A_571, %reduce_sum3A_572 [1] : vector<128x16xi32> to vector<128xi32>
      %broadcast_in_dim3A_574 = vector.shape_cast %reduce_sum3A_573 : vector<128xi32> to vector<128x1xi32>
      %lt3A_575 = arith.constant 1024 : i32
      %lt3A_576 = vector.broadcast %lt3A_575 : i32 to vector<128x1xi32>
      %lt3A_577 = arith.cmpi slt, %broadcast_in_dim3A_563, %lt3A_576 : vector<128x1xi32>
      %add3A_578 = vector.broadcast %mul3A_106 : i32 to vector<128x1xi32>
      %add3A_579 = arith.addi %add3A_578, %broadcast_in_dim3A_563 : vector<128x1xi32>
      %select_n3A_580 = arith.select %lt3A_577, %add3A_579, %broadcast_in_dim3A_574 : vector<128x1xi1>, vector<128x1xi32>
      %broadcast_in_dim3A_581 = vector.broadcast %while3A : f32 to vector<128x1040xf32>
      %select_n3A_582 = arith.select %le3A_557, %broadcast_in_dim3A_581, %select_n3A_552 : vector<128x1040xi1>, vector<128x1040xf32>
      %concatenate3A_583 = tpu.concatenate %broadcast_in_dim3A_108, %broadcast_in_dim3A_135, %broadcast_in_dim3A_165, %broadcast_in_dim3A_195, %broadcast_in_dim3A_225, %broadcast_in_dim3A_255, %broadcast_in_dim3A_285, %broadcast_in_dim3A_315, %broadcast_in_dim3A_345, %broadcast_in_dim3A_375, %broadcast_in_dim3A_405, %broadcast_in_dim3A_435, %broadcast_in_dim3A_465, %broadcast_in_dim3A_495, %broadcast_in_dim3A_525, %broadcast_in_dim3A_555 in 1 : vector<128x1xf32>, vector<128x1xf32>, vector<128x1xf32>, vector<128x1xf32>, vector<128x1xf32>, vector<128x1xf32>, vector<128x1xf32>, vector<128x1xf32>, vector<128x1xf32>, vector<128x1xf32>, vector<128x1xf32>, vector<128x1xf32>, vector<128x1xf32>, vector<128x1xf32>, vector<128x1xf32>, vector<128x1xf32> -> vector<128x16xf32>
      %concatenate3A_584 = tpu.concatenate %select_n3A_130, %select_n3A_160, %select_n3A_190, %select_n3A_220, %select_n3A_250, %select_n3A_280, %select_n3A_310, %select_n3A_340, %select_n3A_370, %select_n3A_400, %select_n3A_430, %select_n3A_460, %select_n3A_490, %select_n3A_520, %select_n3A_550, %select_n3A_580 in 1 : vector<128x1xi32>, vector<128x1xi32>, vector<128x1xi32>, vector<128x1xi32>, vector<128x1xi32>, vector<128x1xi32>, vector<128x1xi32>, vector<128x1xi32>, vector<128x1xi32>, vector<128x1xi32>, vector<128x1xi32>, vector<128x1xi32>, vector<128x1xi32>, vector<128x1xi32>, vector<128x1xi32>, vector<128x1xi32> -> vector<128x16xi32>
      scf.yield %concatenate3A_583, %concatenate3A_584 : vector<128x16xf32>, vector<128x16xi32>
    }
    %swap3A = arith.constant 0 : index
    %swap3A_72 = arith.constant 0 : index
    %swap3A_73 = vector.load %arg11[%swap3A, %swap3A_72] : memref<128x16xi32, #tpu.memory_space<vmem>>, vector<128x16xi32>
    tpu.vector_store %arg11[%swap3A, %swap3A_72], %while3A_71#1 {strides = array<i32>} : memref<128x16xi32, #tpu.memory_space<vmem>>, vector<128x16xi32>,
    return
  }
  func.func @transform_0(%arg0: i32, %arg1: memref<16xi32, #tpu.memory_space<smem>>, %arg2: memref<16xi32, #tpu.memory_space<smem>>) -> (i32, i32) {
    %c0_i32 = arith.constant 0 : i32
    %c0_i32_0 = arith.constant 0 : i32
    return %arg0, %c0_i32 : i32, i32
  }
  func.func @transform_1(%arg0: i32, %arg1: memref<16xi32, #tpu.memory_space<smem>>, %arg2: memref<16xi32, #tpu.memory_space<smem>>) -> (i32, i32) {
    %c0_i32 = arith.constant 0 : i32
    %c0_i32_0 = arith.constant 0 : i32
    return %arg0, %c0_i32 : i32, i32
  }
  func.func @transform_2(%arg0: i32, %arg1: memref<16xi32, #tpu.memory_space<smem>>, %arg2: memref<16xi32, #tpu.memory_space<smem>>) -> (i32, i32) {
    %c0_i32 = arith.constant 0 : i32
    %c0_i32_0 = arith.constant 0 : i32
    return %arg0, %c0_i32 : i32, i32
  }
  func.func @transform_3(%arg0: i32, %arg1: memref<16xi32, #tpu.memory_space<smem>>, %arg2: memref<16xi32, #tpu.memory_space<smem>>) -> (i32, i32) {
    %c0_i32 = arith.constant 0 : i32
    %c0_i32_0 = arith.constant 0 : i32
    return %arg0, %c0_i32 : i32, i32
  }
  func.func @transform_4(%arg0: i32, %arg1: memref<16xi32, #tpu.memory_space<smem>>, %arg2: memref<16xi32, #tpu.memory_space<smem>>) -> (i32, i32) {
    %c0_i32 = arith.constant 0 : i32
    %c0_i32_0 = arith.constant 0 : i32
    %c0_i32_1 = arith.constant 0 : i32
    return %c0_i32, %c0_i32_0 : i32, i32
  }
  func.func @transform_5(%arg0: i32, %arg1: memref<16xi32, #tpu.memory_space<smem>>, %arg2: memref<16xi32, #tpu.memory_space<smem>>) -> (i32, i32) {
    %c0_i32 = arith.constant 0 : i32
    %c0_i32_0 = arith.constant 0 : i32
    %c0_i32_1 = arith.constant 0 : i32
    return %c0_i32, %c0_i32_0 : i32, i32
  }
  func.func @transform_6(%arg0: i32, %arg1: memref<16xi32, #tpu.memory_space<smem>>, %arg2: memref<16xi32, #tpu.memory_space<smem>>) -> (i32, i32) {
    %c0_i32 = arith.constant 0 : i32
    %c0_i32_0 = arith.constant 0 : i32
    %c0_i32_1 = arith.constant 0 : i32
    return %c0_i32, %c0_i32_0 : i32, i32
  }
  func.func @transform_7(%arg0: i32, %arg1: memref<16xi32, #tpu.memory_space<smem>>, %arg2: memref<16xi32, #tpu.memory_space<smem>>) -> (i32, i32) {
    %c0_i32 = arith.constant 0 : i32
    %c0_i32_0 = arith.constant 0 : i32
    %c0_i32_1 = arith.constant 0 : i32
    return %c0_i32, %c0_i32_0 : i32, i32
  }
  func.func @transform_8(%arg0: i32, %arg1: memref<16xi32, #tpu.memory_space<smem>>, %arg2: memref<16xi32, #tpu.memory_space<smem>>) -> (i32, i32) {
    %c0_i32 = arith.constant 0 : i32
    %c0_i32_0 = arith.constant 0 : i32
    return %arg0, %c0_i32 : i32, i32
  }
}

module attributes {stable_mosaic.version = 14 : i64} {
  func.func @_attn_body(%arg0: i32, %arg1: memref<128x256xf32, #tpu.memory_space<vmem>>, %arg2: memref<2048x640xf32, #tpu.memory_space<vmem>>, %arg3: memref<128x16xf32, #tpu.memory_space<vmem>>, %arg4: memref<16x16xf32, #tpu.memory_space<vmem>>, %arg5: memref<1x16xf32, #tpu.memory_space<vmem>>, %arg6: memref<16x32xf32, #tpu.memory_space<vmem>>, %arg7: memref<1x32xf32, #tpu.memory_space<vmem>>, %arg8: memref<128x256xf32, #tpu.memory_space<vmem>>) attributes {dimension_semantics = [#tpu.dimension_semantics<arbitrary>], iteration_bounds = array<i64: 16>, scalar_prefetch = 0 : i64, scratch_operands = 0 : i64, tpu.core_type = #tpu.core_type<tc>, window_params = [{transform_indices = @transform_0, window_bounds = array<i64: 128, 256>}, {transform_indices = @transform_1, window_bounds = array<i64: 2048, 640>}, {transform_indices = @transform_2, window_bounds = array<i64: 128, 16>}, {pipeline_mode = #tpu.pipeline_mode<synchronous>, transform_indices = @transform_3, window_bounds = array<i64: 16, 16>}, {pipeline_mode = #tpu.pipeline_mode<synchronous>, transform_indices = @transform_4, window_bounds = array<i64: 1, 16>}, {pipeline_mode = #tpu.pipeline_mode<synchronous>, transform_indices = @transform_5, window_bounds = array<i64: 16, 32>}, {pipeline_mode = #tpu.pipeline_mode<synchronous>, transform_indices = @transform_6, window_bounds = array<i64: 1, 32>}, {transform_indices = @transform_7, window_bounds = array<i64: 128, 256>}]} {
    %get3A = arith.constant 0 : index
    %get3A_0 = arith.constant 0 : index
    %get3A_1 = vector.load %arg1[%get3A, %get3A_0] : memref<128x256xf32, #tpu.memory_space<vmem>>, vector<128x256xf32>
    %get3A_2 = arith.constant 0 : index
    %get3A_3 = arith.constant 0 : index
    %get3A_4 = vector.load %arg2[%get3A_2, %get3A_3] : memref<2048x640xf32, #tpu.memory_space<vmem>>, vector<2048x256xf32>
    %get3A_5 = arith.constant 0 : index
    %get3A_6 = arith.constant 256 : index
    %get3A_7 = vector.load %arg2[%get3A_5, %get3A_6] : memref<2048x640xf32, #tpu.memory_space<vmem>>, vector<2048x256xf32>
    %get3A_8 = arith.constant 0 : index
    %get3A_9 = arith.constant 512 : index
    %get3A_10 = vector.load %arg2[%get3A_8, %get3A_9] : memref<2048x640xf32, #tpu.memory_space<vmem>>, vector<2048x16xf32>
    %get3A_11 = arith.constant 0 : index
    %get3A_12 = arith.constant 0 : index
    %get3A_13 = vector.load %arg3[%get3A_11, %get3A_12] : memref<128x16xf32, #tpu.memory_space<vmem>>, vector<128x16xf32>
    %broadcast_in_dim3A = vector.shape_cast %get3A_1 : vector<128x256xf32> to vector<128x1x256xf32>
    %broadcast_in_dim3A_14 = vector.shape_cast %broadcast_in_dim3A : vector<128x1x256xf32> to vector<128x1x256xf32>
    %broadcast_in_dim3A_15 = vector.broadcast %broadcast_in_dim3A_14 : vector<128x1x256xf32> to vector<128x16x256xf32>
    %reshape3A = vector.shape_cast %broadcast_in_dim3A_15 : vector<128x16x256xf32> to vector<2048x256xf32>
    %broadcast_in_dim3A_16 = vector.shape_cast %get3A_13 : vector<128x16xf32> to vector<128x1x16xf32>
    %broadcast_in_dim3A_17 = vector.shape_cast %broadcast_in_dim3A_16 : vector<128x1x16xf32> to vector<128x1x16xf32>
    %broadcast_in_dim3A_18 = vector.broadcast %broadcast_in_dim3A_17 : vector<128x1x16xf32> to vector<128x16x16xf32>
    %reshape3A_19 = vector.shape_cast %broadcast_in_dim3A_18 : vector<128x16x16xf32> to vector<2048x16xf32>
    %sub3A = arith.subf %reshape3A_19, %get3A_10 : vector<2048x16xf32>
    %get3A_20 = arith.constant 0 : index
    %get3A_21 = arith.constant 0 : index
    %get3A_22 = vector.load %arg4[%get3A_20, %get3A_21] : memref<16x16xf32, #tpu.memory_space<vmem>>, vector<16x16xf32>
    %dot_general3A = arith.constant dense<0.000000e+00> : vector<2048x16xf32>
    %dot_general3A_23 = tpu.matmul %sub3A, %get3A_22, %dot_general3A {dimension_numbers = #tpu.dot_dimension_numbers<[1], [0], [0], [1], [0, 0, 1, 1], [], []>, transpose_lhs_hint = false} : vector<2048x16xf32>, vector<16x16xf32>, vector<2048x16xf32> -> vector<2048x16xf32>
    %get3A_24 = arith.constant 0 : index
    %get3A_25 = arith.constant 0 : index
    %get3A_26 = vector.load %arg5[%get3A_24, %get3A_25] : memref<1x16xf32, #tpu.memory_space<vmem>>, vector<1x16xf32>
    %add3A = vector.broadcast %get3A_26 : vector<1x16xf32> to vector<2048x16xf32>
    %add3A_27 = arith.addf %dot_general3A_23, %add3A : vector<2048x16xf32>
    %max3A = arith.constant 0.000000e+00 : f32
    %max3A_28 = vector.broadcast %max3A : f32 to vector<2048x16xf32>
    %max3A_29 = arith.maximumf %add3A_27, %max3A_28 : vector<2048x16xf32>
    %get3A_30 = arith.constant 0 : index
    %get3A_31 = arith.constant 0 : index
    %get3A_32 = vector.load %arg6[%get3A_30, %get3A_31] : memref<16x32xf32, #tpu.memory_space<vmem>>, vector<16x32xf32>
    %dot_general3A_33 = arith.constant dense<0.000000e+00> : vector<2048x32xf32>
    %dot_general3A_34 = tpu.matmul %max3A_29, %get3A_32, %dot_general3A_33 {dimension_numbers = #tpu.dot_dimension_numbers<[1], [0], [0], [1], [0, 0, 1, 1], [], []>, transpose_lhs_hint = false} : vector<2048x16xf32>, vector<16x32xf32>, vector<2048x32xf32> -> vector<2048x32xf32>
    %get3A_35 = arith.constant 0 : index
    %get3A_36 = arith.constant 0 : index
    %get3A_37 = vector.load %arg7[%get3A_35, %get3A_36] : memref<1x32xf32, #tpu.memory_space<vmem>>, vector<1x32xf32>
    %add3A_38 = vector.broadcast %get3A_37 : vector<1x32xf32> to vector<2048x32xf32>
    %add3A_39 = arith.addf %dot_general3A_34, %add3A_38 : vector<2048x32xf32>
    %reduce_sum3A = arith.constant dense<0.000000e+00> : vector<2048xf32>
    %reduce_sum3A_40 = vector.multi_reduction <add>, %add3A_39, %reduce_sum3A [1] : vector<2048x32xf32> to vector<2048xf32>
    %broadcast_in_dim3A_41 = vector.shape_cast %reduce_sum3A_40 : vector<2048xf32> to vector<2048x1xf32>
    %iota3A = tpu.iota {dimensions = array<i32: 0>} : vector<256x8xi32>
    %jit3A = arith.constant 32 : i32
    %div3A = vector.broadcast %jit3A : i32 to vector<256x8xi32>
    %div3A_42 = arith.divsi %iota3A, %div3A : vector<256x8xi32>
    %sign3A = arith.constant 0 : i32
    %sign3A_43 = vector.broadcast %sign3A : i32 to vector<256x8xi32>
    %sign3A_44 = arith.cmpi sgt, %iota3A, %sign3A_43 : vector<256x8xi32>
    %sign3A_45 = arith.extui %sign3A_44 : vector<256x8xi1> to vector<256x8xi32>
    %sign3A_46 = arith.constant 0 : i32
    %sign3A_47 = vector.broadcast %sign3A_46 : i32 to vector<256x8xi32>
    %sign3A_48 = arith.cmpi slt, %iota3A, %sign3A_47 : vector<256x8xi32>
    %sign3A_49 = arith.extui %sign3A_48 : vector<256x8xi1> to vector<256x8xi32>
    %sign3A_50 = arith.subi %sign3A_45, %sign3A_49 : vector<256x8xi32>
    %sign3A_51 = arith.constant 0 : i32
    %sign3A_52 = arith.cmpi sgt, %jit3A, %sign3A_51 : i32
    %sign3A_53 = arith.extui %sign3A_52 : i1 to i32
    %sign3A_54 = arith.constant 0 : i32
    %sign3A_55 = arith.cmpi slt, %jit3A, %sign3A_54 : i32
    %sign3A_56 = arith.extui %sign3A_55 : i1 to i32
    %sign3A_57 = arith.subi %sign3A_53, %sign3A_56 : i32
    %ne3A = vector.broadcast %sign3A_57 : i32 to vector<256x8xi32>
    %ne3A_58 = arith.cmpi ne, %sign3A_50, %ne3A : vector<256x8xi32>
    %rem3A = vector.broadcast %jit3A : i32 to vector<256x8xi32>
    %rem3A_59 = arith.remsi %iota3A, %rem3A : vector<256x8xi32>
    %ne3A_60 = arith.constant 0 : i32
    %ne3A_61 = vector.broadcast %ne3A_60 : i32 to vector<256x8xi32>
    %ne3A_62 = arith.cmpi ne, %rem3A_59, %ne3A_61 : vector<256x8xi32>
    %and3A = arith.andi %ne3A_58, %ne3A_62 : vector<256x8xi1>
    %sub3A_63 = arith.constant 1 : i32
    %sub3A_64 = vector.broadcast %sub3A_63 : i32 to vector<256x8xi32>
    %sub3A_65 = arith.subi %div3A_42, %sub3A_64 : vector<256x8xi32>
    %select_n3A = arith.select %and3A, %sub3A_65, %div3A_42 : vector<256x8xi1>, vector<256x8xi32>
    %iota3A_66 = tpu.iota {dimensions = array<i32: 1>} : vector<256x8xi32>
    %eq3A = arith.cmpi eq, %select_n3A, %iota3A_66 : vector<256x8xi32>
    %convert_element_type3A = arith.extui %eq3A : vector<256x8xi1> to vector<256x8xi32>
    %convert_element_type3A_67 = arith.sitofp %convert_element_type3A : vector<256x8xi32> to vector<256x8xf32>
    %mul3A = arith.mulf %get3A_4, %reshape3A : vector<2048x256xf32>
    %dot_general3A_68 = arith.constant dense<0.000000e+00> : vector<2048x8xf32>
    %dot_general3A_69 = tpu.matmul %mul3A, %convert_element_type3A_67, %dot_general3A_68 {dimension_numbers = #tpu.dot_dimension_numbers<[1], [0], [0], [1], [0, 0, 1, 1], [], []>, transpose_lhs_hint = false} : vector<2048x256xf32>, vector<256x8xf32>, vector<2048x8xf32> -> vector<2048x8xf32>
    %add3A_70 = vector.broadcast %broadcast_in_dim3A_41 : vector<2048x1xf32> to vector<2048x8xf32>
    %add3A_71 = arith.addf %dot_general3A_69, %add3A_70 : vector<2048x8xf32>
    %mul3A_72 = arith.constant 0.0110485433 : f32
    %mul3A_73 = vector.broadcast %mul3A_72 : f32 to vector<2048x8xf32>
    %mul3A_74 = arith.mulf %add3A_71, %mul3A_73 : vector<2048x8xf32>
    %reshape3A_75 = vector.shape_cast %mul3A_74 : vector<2048x8xf32> to vector<128x16x8xf32>
    %reduce_max3A = arith.constant dense<0xFF800000> : vector<128x8xf32>
    %reduce_max3A_76 = vector.multi_reduction <maximumf>, %reshape3A_75, %reduce_max3A [1] : vector<128x16x8xf32> to vector<128x8xf32>
    %broadcast_in_dim3A_77 = vector.shape_cast %reduce_max3A_76 : vector<128x8xf32> to vector<128x1x8xf32>
    %sub3A_78 = vector.broadcast %broadcast_in_dim3A_77 : vector<128x1x8xf32> to vector<128x16x8xf32>
    %sub3A_79 = arith.subf %reshape3A_75, %sub3A_78 : vector<128x16x8xf32>
    %exp3A = math.exp %sub3A_79 : vector<128x16x8xf32>
    %reduce_sum3A_80 = arith.constant dense<0.000000e+00> : vector<128x8xf32>
    %reduce_sum3A_81 = vector.multi_reduction <add>, %exp3A, %reduce_sum3A_80 [1] : vector<128x16x8xf32> to vector<128x8xf32>
    %broadcast_in_dim3A_82 = vector.shape_cast %reduce_sum3A_81 : vector<128x8xf32> to vector<128x1x8xf32>
    %div3A_83 = vector.broadcast %broadcast_in_dim3A_82 : vector<128x1x8xf32> to vector<128x16x8xf32>
    %div3A_84 = arith.divf %exp3A, %div3A_83 : vector<128x16x8xf32>
    %reshape3A_85 = vector.shape_cast %div3A_84 : vector<128x16x8xf32> to vector<2048x8xf32>
    %iota3A_86 = tpu.iota {dimensions = array<i32: 0>} : vector<8x256xi32>
    %iota3A_87 = tpu.iota {dimensions = array<i32: 1>} : vector<8x256xi32>
    %jit3A_88 = arith.constant 32 : i32
    %div3A_89 = vector.broadcast %jit3A_88 : i32 to vector<8x256xi32>
    %div3A_90 = arith.divsi %iota3A_87, %div3A_89 : vector<8x256xi32>
    %sign3A_91 = arith.constant 0 : i32
    %sign3A_92 = vector.broadcast %sign3A_91 : i32 to vector<8x256xi32>
    %sign3A_93 = arith.cmpi sgt, %iota3A_87, %sign3A_92 : vector<8x256xi32>
    %sign3A_94 = arith.extui %sign3A_93 : vector<8x256xi1> to vector<8x256xi32>
    %sign3A_95 = arith.constant 0 : i32
    %sign3A_96 = vector.broadcast %sign3A_95 : i32 to vector<8x256xi32>
    %sign3A_97 = arith.cmpi slt, %iota3A_87, %sign3A_96 : vector<8x256xi32>
    %sign3A_98 = arith.extui %sign3A_97 : vector<8x256xi1> to vector<8x256xi32>
    %sign3A_99 = arith.subi %sign3A_94, %sign3A_98 : vector<8x256xi32>
    %sign3A_100 = arith.constant 0 : i32
    %sign3A_101 = arith.cmpi sgt, %jit3A_88, %sign3A_100 : i32
    %sign3A_102 = arith.extui %sign3A_101 : i1 to i32
    %sign3A_103 = arith.constant 0 : i32
    %sign3A_104 = arith.cmpi slt, %jit3A_88, %sign3A_103 : i32
    %sign3A_105 = arith.extui %sign3A_104 : i1 to i32
    %sign3A_106 = arith.subi %sign3A_102, %sign3A_105 : i32
    %ne3A_107 = vector.broadcast %sign3A_106 : i32 to vector<8x256xi32>
    %ne3A_108 = arith.cmpi ne, %sign3A_99, %ne3A_107 : vector<8x256xi32>
    %rem3A_109 = vector.broadcast %jit3A_88 : i32 to vector<8x256xi32>
    %rem3A_110 = arith.remsi %iota3A_87, %rem3A_109 : vector<8x256xi32>
    %ne3A_111 = arith.constant 0 : i32
    %ne3A_112 = vector.broadcast %ne3A_111 : i32 to vector<8x256xi32>
    %ne3A_113 = arith.cmpi ne, %rem3A_110, %ne3A_112 : vector<8x256xi32>
    %and3A_114 = arith.andi %ne3A_108, %ne3A_113 : vector<8x256xi1>
    %sub3A_115 = arith.constant 1 : i32
    %sub3A_116 = vector.broadcast %sub3A_115 : i32 to vector<8x256xi32>
    %sub3A_117 = arith.subi %div3A_90, %sub3A_116 : vector<8x256xi32>
    %select_n3A_118 = arith.select %and3A_114, %sub3A_117, %div3A_90 : vector<8x256xi1>, vector<8x256xi32>
    %eq3A_119 = arith.cmpi eq, %iota3A_86, %select_n3A_118 : vector<8x256xi32>
    %convert_element_type3A_120 = arith.extui %eq3A_119 : vector<8x256xi1> to vector<8x256xi32>
    %convert_element_type3A_121 = arith.sitofp %convert_element_type3A_120 : vector<8x256xi32> to vector<8x256xf32>
    %dot_general3A_122 = arith.constant dense<0.000000e+00> : vector<2048x256xf32>
    %dot_general3A_123 = tpu.matmul %reshape3A_85, %convert_element_type3A_121, %dot_general3A_122 {dimension_numbers = #tpu.dot_dimension_numbers<[1], [0], [0], [1], [0, 0, 1, 1], [], []>, transpose_lhs_hint = false} : vector<2048x8xf32>, vector<8x256xf32>, vector<2048x256xf32> -> vector<2048x256xf32>
    %iota3A_124 = tpu.iota {dimensions = array<i32: 0>} : vector<32x256xi32>
    %iota3A_125 = tpu.iota {dimensions = array<i32: 1>} : vector<32x256xi32>
    %jit3A_126 = arith.constant 32 : i32
    %eq3A_127 = arith.constant 0 : i32
    %eq3A_128 = arith.cmpi eq, %jit3A_126, %eq3A_127 : i32
    %jit3A_129 = arith.constant 1 : i32
    %select_n3A_130 = arith.select %eq3A_128, %jit3A_129, %jit3A_126 : i32
    %rem3A_131 = vector.broadcast %select_n3A_130 : i32 to vector<32x256xi32>
    %rem3A_132 = arith.remsi %iota3A_125, %rem3A_131 : vector<32x256xi32>
    %ne3A_133 = arith.constant 0 : i32
    %ne3A_134 = vector.broadcast %ne3A_133 : i32 to vector<32x256xi32>
    %ne3A_135 = arith.cmpi ne, %rem3A_132, %ne3A_134 : vector<32x256xi32>
    %lt3A = arith.constant 0 : i32
    %lt3A_136 = vector.broadcast %lt3A : i32 to vector<32x256xi32>
    %lt3A_137 = arith.cmpi slt, %rem3A_132, %lt3A_136 : vector<32x256xi32>
    %lt3A_138 = arith.constant 0 : i32
    %lt3A_139 = arith.cmpi slt, %select_n3A_130, %lt3A_138 : i32
    %ne3A_140 = vector.broadcast %lt3A_139 : i1 to vector<32x256xi1>
    %ne3A_141 = vector.broadcast %ne3A_140 : vector<32x256xi1> to vector<32x256xi1>
    %ne3A_142 = arith.xori %lt3A_137, %ne3A_141 : vector<32x256xi1>
    %and3A_143 = arith.andi %ne3A_142, %ne3A_135 : vector<32x256xi1>
    %add3A_144 = vector.broadcast %select_n3A_130 : i32 to vector<32x256xi32>
    %add3A_145 = arith.addi %rem3A_132, %add3A_144 : vector<32x256xi32>
    %select_n3A_146 = arith.select %and3A_143, %add3A_145, %rem3A_132 : vector<32x256xi1>, vector<32x256xi32>
    %eq3A_147 = arith.cmpi eq, %iota3A_124, %select_n3A_146 : vector<32x256xi32>
    %convert_element_type3A_148 = arith.extui %eq3A_147 : vector<32x256xi1> to vector<32x256xi32>
    %convert_element_type3A_149 = arith.sitofp %convert_element_type3A_148 : vector<32x256xi32> to vector<32x256xf32>
    %dot_general3A_150 = arith.constant dense<0.000000e+00> : vector<2048x256xf32>
    %dot_general3A_151 = tpu.matmul %add3A_39, %convert_element_type3A_149, %dot_general3A_150 {dimension_numbers = #tpu.dot_dimension_numbers<[1], [0], [0], [1], [0, 0, 1, 1], [], []>, transpose_lhs_hint = false} : vector<2048x32xf32>, vector<32x256xf32>, vector<2048x256xf32> -> vector<2048x256xf32>
    %add3A_152 = arith.addf %get3A_7, %dot_general3A_151 : vector<2048x256xf32>
    %mul3A_153 = arith.mulf %add3A_152, %dot_general3A_123 : vector<2048x256xf32>
    %reshape3A_154 = vector.shape_cast %mul3A_153 : vector<2048x256xf32> to vector<128x16x256xf32>
    %reduce_sum3A_155 = arith.constant dense<0.000000e+00> : vector<128x256xf32>
    %reduce_sum3A_156 = vector.multi_reduction <add>, %reshape3A_154, %reduce_sum3A_155 [1] : vector<128x16x256xf32> to vector<128x256xf32>
    %swap3A = arith.constant 0 : index
    %swap3A_157 = arith.constant 0 : index
    %swap3A_158 = vector.load %arg8[%swap3A, %swap3A_157] : memref<128x256xf32, #tpu.memory_space<vmem>>, vector<128x256xf32>
    tpu.vector_store %arg8[%swap3A, %swap3A_157], %reduce_sum3A_156 {strides = array<i32>} : memref<128x256xf32, #tpu.memory_space<vmem>>, vector<128x256xf32>,
    return
  }
  func.func @transform_0(%arg0: i32) -> (i32, i32) {
    %c0_i32 = arith.constant 0 : i32
    %c0_i32_0 = arith.constant 0 : i32
    return %arg0, %c0_i32 : i32, i32
  }
  func.func @transform_1(%arg0: i32) -> (i32, i32) {
    %c0_i32 = arith.constant 0 : i32
    %c0_i32_0 = arith.constant 0 : i32
    return %arg0, %c0_i32 : i32, i32
  }
  func.func @transform_2(%arg0: i32) -> (i32, i32) {
    %c0_i32 = arith.constant 0 : i32
    %c0_i32_0 = arith.constant 0 : i32
    return %arg0, %c0_i32 : i32, i32
  }
  func.func @transform_3(%arg0: i32) -> (i32, i32) {
    %c0_i32 = arith.constant 0 : i32
    %c0_i32_0 = arith.constant 0 : i32
    %c0_i32_1 = arith.constant 0 : i32
    return %c0_i32, %c0_i32_0 : i32, i32
  }
  func.func @transform_4(%arg0: i32) -> (i32, i32) {
    %c0_i32 = arith.constant 0 : i32
    %c0_i32_0 = arith.constant 0 : i32
    %c0_i32_1 = arith.constant 0 : i32
    return %c0_i32, %c0_i32_0 : i32, i32
  }
  func.func @transform_5(%arg0: i32) -> (i32, i32) {
    %c0_i32 = arith.constant 0 : i32
    %c0_i32_0 = arith.constant 0 : i32
    %c0_i32_1 = arith.constant 0 : i32
    return %c0_i32, %c0_i32_0 : i32, i32
  }
  func.func @transform_6(%arg0: i32) -> (i32, i32) {
    %c0_i32 = arith.constant 0 : i32
    %c0_i32_0 = arith.constant 0 : i32
    %c0_i32_1 = arith.constant 0 : i32
    return %c0_i32, %c0_i32_0 : i32, i32
  }
  func.func @transform_7(%arg0: i32) -> (i32, i32) {
    %c0_i32 = arith.constant 0 : i32
    %c0_i32_0 = arith.constant 0 : i32
    return %arg0, %c0_i32 : i32, i32
  }
}

</mosaic_0001>

<sc_bundles>
// kernel: kernel.14.cloned.1.call-start
scs
__scs_entry_jumppad:
0x0: {  	(pc) =	sbr.rel $0x88, $3  }
0x1: {  	(tag) =	ssettag $0x0;
	lr =	simm.s32 $0x1  }
0x2: {  	[smem:$0x3F94] =	sst lr;
	_ =	strace $0xD0000000  }
0x3: {  	_ = 	snop  }
0x4: {  	_ = 	snop  }
0x5: {  	_ = 	snop  }
0x6: {  	_ = 	snop  }
0x7: {  	_ = 	snop  }
__scs_overlays_trampoline_lowered:
0x8: {  	[smem:$0x3FA3] =	sst s0  }
0x9: {  	[smem:$0x3FA4] =	sst s1  }
0xa: {  	[smem:$0x3FA5] =	sst s2  }
0xb: {  	[smem:$0x3FA6] =	sst s3  }
0xc: {  	[smem:$0x3FA7] =	sst s4  }
0xd: {  	[smem:$0x3FA8] =	sst s5  }
0xe: {  	[smem:$0x3FA9] =	sst s6  }
0xf: {  	[smem:$0x3FAA] =	sst s7  }
0x10: {  	[smem:$0x3FAB] =	sst s8  }
0x11: {  	[smem:$0x3FAC] =	sst s9;
	s0 =	simm.s32 @!p0 $0x0  }
0x12: {  	s1 =	sld [smem:$0x3F92];
	s0 =	simm.s32 @p0 $0x1  }
0x13: {  	[smem:$0x3FAD] =	sst s0;
	s0 =	simm.s32 @!p1 $0x0  }
0x14: {  	s2 =	sld [smem:$0x3F91];
	s0 =	simm.s32 @p1 $0x1  }
0x15: {  	[smem:$0x3FAE] =	sst s0;
	s0 =	simm.s32 @!p2 $0x0  }
0x16: {  	s3 =	sld [smem:$0x3FDB];
	s0 =	simm.s32 @p2 $0x1  }
0x17: {  	s4 =	simm.s32 $0x1BF5;
	[smem:$0x3FB0] =	sst s0  }
0x18: {  	s0 =	sld [smem:$0x3F93];
	_ =	swait.ge [sflag:s4], $0x0  }
0x19: {  	s7 =	sld [smem:$0x3F94]  }
0x1a: {  	s8 =	sadd.s32 $0xFFFFE003, lr  }
0x1b: {  	s9 =	sadd.s32 $0xFFFFFEF7, lr;
	s5 =	simm.s32 $0xFFFFFFFF;
	p2 =	slt.u32 s8, $0xFFFFF086  }
0x1c: {  	p1 =	slt.u32 s9, $0xF7A;
	s5 =	simm.s32 @!p2 $0x0  }
0x1d: {  	s5 =	simm.s32 @p1 $0x1;
	p0 =	seq.s32 s7, s2  }
0x1e: {  	s7 =	smul.u32 @!p0 $0xF7A, s2;
	p2 =	seq.s32 @!p0 s5, $0x0  }
0x1f: {  	s9 =	smul.u32 $0xF7A, s1;
	s8 =	simm.s32 @!p0 $0x1BF5;
	p2 =	por !p2, p0  }
0x20: {  	[sflag:s8] =	ssyncset.s32 @!p0 $0xFFFFF086;
	s6 =	sadd.s32 @!p0 s3, s7;
	s7 =	simm.s32 @!p0 $0x108  }
0x21: {  	s3 =	sadd.s32 s3, s9;
	s6 =	sadd.s32 @!p0 $0x88, s6;
	s7 =	simm.s32 @p2 $0x1082  }
0x22: {  	[simem:s7], [sflag:s8] =	dma.local @!p0 [hbm:s6], $0xF7A  }
0x23: {  	s9 =	sor.u32 $0xD0000000, s2;
	s6 =	simm.s32 $0x108;
	_ =	swait.ge @!p0 [sflag:s8], $0x0  }
0x24: {  	s3 =	sadd.s32 $0x88, s3;
	s6 =	simm.s32 @!p1 $0x1082;
	[sflag:s4] =	ssyncset.s32 $0xFFFFF086  }
0x25: {  	[simem:s6], [sflag:s4] =	dma.local [hbm:s3], $0xF7A  }
0x26: {  	[smem:$0x3F94] =	sst s1;
	(tag) =	ssettag s2;
	_ =	strace s9  }
0x27: {  	s1 =	sld [smem:$0x3FA4]  }
0x28: {  	s2 =	sld [smem:$0x3FA5]  }
0x29: {  	s4 =	sld [smem:$0x3FA7]  }
0x2a: {  	p0 =	seq.s32 s5, $0x0;
	s5 =	sld [smem:$0x3FA8]  }
0x2b: {  	s6 =	sld [smem:$0x3FA9]  }
0x2c: {  	s7 =	sld [smem:$0x3FAA]  }
0x2d: {  	s3 =	simm.s32 $0x108;
	s8 =	sld [smem:$0x3FAB]  }
0x2e: {  	s3 =	simm.s32 @!p0 $0x1082;
	s9 =	sld [smem:$0x3FAC]  }
0x2f: {  	lr =	sadd.s32 s0, s3;
	s0 =	sld [smem:$0x3FA3]  }
0x30: {  	s3 =	sld [smem:$0x3FA6]  }
0x31: {  	[smem:$0x3FAF] =	sst s10  }
0x32: {  	s10 =	sld [smem:$0x3FAD];
	_ =	sdelay $0x3  }
0x33: {  	p0 =	seq.s32 s10, $0x1;
	s10 =	sld [smem:$0x3FAF];
	_ =	sdelay $0x3  }
0x34: {  	[smem:$0x3FAF] =	sst s10  }
0x35: {  	s10 =	sld [smem:$0x3FAE];
	_ =	sdelay $0x3  }
0x36: {  	p1 =	seq.s32 s10, $0x1;
	s10 =	sld [smem:$0x3FAF];
	_ =	sdelay $0x3  }
0x37: {  	[smem:$0x3FAF] =	sst s10  }
0x38: {  	s10 =	sld [smem:$0x3FB0]  }
0x39: {  	_ = 	snop;
	(pc) =	sbr.ind lr, $3  }
0x3a: {  	_ = 	snop  }
0x3b: {  	_ = 	snop  }
0x3c: {  	p2 =	seq.s32 s10, $0x1;
	s10 =	sld [smem:$0x3FAF]  }
0x3d: {  	_ =	shalt  }
0x3e: {  	_ =	shalt  }
0x3f: {  	_ =	shalt  }
0x40: {  	_ =	shalt  }
0x41: {  	_ =	shalt  }
0x42: {  	_ =	shalt  }
0x43: {  	_ =	shalt  }
0x44: {  	_ =	shalt  }
0x45: {  	_ =	shalt  }
0x46: {  	_ =	shalt  }
0x47: {  	_ =	shalt  }
0x48: {  	_ =	shalt  }
0x49: {  	_ =	shalt  }
0x4a: {  	_ =	shalt  }
0x4b: {  	_ =	shalt  }
0x4c: {  	_ =	shalt  }
0x4d: {  	_ =	shalt  }
0x4e: {  	_ =	shalt  }
0x4f: {  	_ =	shalt  }
0x50: {  	_ =	shalt  }
0x51: {  	_ =	shalt  }
0x52: {  	_ =	shalt  }
0x53: {  	_ =	shalt  }
0x54: {  	_ =	shalt  }
0x55: {  	_ =	shalt  }
0x56: {  	_ =	shalt  }
0x57: {  	_ =	shalt  }
0x58: {  	_ =	shalt  }
0x59: {  	_ =	shalt  }
0x5a: {  	_ =	shalt  }
0x5b: {  	_ =	shalt  }
0x5c: {  	_ =	shalt  }
0x5d: {  	_ =	shalt  }
0x5e: {  	_ =	shalt  }
0x5f: {  	_ =	shalt  }
0x60: {  	_ =	shalt  }
0x61: {  	_ =	shalt  }
0x62: {  	_ =	shalt  }
0x63: {  	_ =	shalt  }
0x64: {  	_ =	shalt  }
0x65: {  	_ =	shalt  }
0x66: {  	_ =	shalt  }
0x67: {  	_ =	shalt  }
0x68: {  	_ =	shalt  }
0x69: {  	_ =	shalt  }
0x6a: {  	_ =	shalt  }
0x6b: {  	_ =	shalt  }
0x6c: {  	_ =	shalt  }
0x6d: {  	_ =	shalt  }
0x6e: {  	_ =	shalt  }
0x6f: {  	_ =	shalt  }
0x70: {  	_ =	shalt  }
0x71: {  	_ =	shalt  }
0x72: {  	_ =	shalt  }
0x73: {  	_ =	shalt  }
0x74: {  	_ =	shalt  }
0x75: {  	_ =	shalt  }
0x76: {  	_ =	shalt  }
0x77: {  	_ =	shalt  }
0x78: {  	_ =	shalt  }
0x79: {  	_ =	shalt  }
0x7a: {  	_ =	shalt  }
0x7b: {  	_ =	shalt  }
0x7c: {  	_ =	shalt  }
0x7d: {  	_ =	shalt  }
0x7e: {  	_ =	shalt  }
0x7f: {  	_ =	shalt  }
0x80: {  	_ =	shalt  }
0x81: {  	_ =	shalt  }
0x82: {  	_ =	shalt  }
0x83: {  	_ =	shalt  }
0x84: {  	_ =	shalt  }
0x85: {  	_ =	shalt  }
0x86: {  	_ =	shalt  }
0x87: {  	_ =	shalt  }
.Lfunc_end0:
.L_simem_size_0:
called_computation_lowered:
.L_overlay_start_0:
0x88: {  	s2 =	sld [smem:$0x3FD9]  }
0x89: {  	s3 =	sld [smem:$0x3FFE];
	_ =	sdelay $0x1  }
0x8a: {  	s1 =	srdreg.scid  }
0x8b: {  	s0 =	sand.u32 $0x1, s1  }
0x8c: {  	s17 =	sshll.u32 s0, $0xA;
	s2 =	sadd.s32 s3, s2  }
0x8d: {  	s2 =	sadd.s32 s2, s17  }
0x8e: {  	[smem:$0x3FBB] =	sst s2  }
0x8f: {  	_ = 	snop  }
0x90: {  	(tm) =	ssettm $0x1  }
0x91: {  	s18 =	sld [smem:$0x3FFB];
	_ =	sdelay $0x3  }
0x92: {  	_ =	strace s18  }
0x93: {  	s2 =	sld [smem:$0x3FFC];
	_ =	sdelay $0x3  }
0x94: {  	_ =	strace s2  }
0x95: {  	s2 =	sld [smem:$0x3FFD];
	_ =	sdelay $0x3  }
0x96: {  	_ =	strace s2  }
0x97: {  	_ =	strace $0x8FFFFFFF  }
0x98: {  	s19 =	sld [smem:$0x3FDB];
	_ =	sdelay $0x1  }
0x99: {  	s20 =	simm.s32 $_scs_section_size  }
0x9a: {  	s4 =	simm.s32 $_size__tile_overlayer_lowered;
	s5 =	simm.s32 $_tile_overlayer_lowered  }
0x9b: {  	s6 =	simm.s32 $0x1BFF;
	s21 =	sshll.u32 s5, $0x1;
	s3 =	sadd.s32 s20, s19  }
0x9c: {  	s22 =	simm.s32 $0x0;
	s4 =	sshll.u32 s4, $0x1;
	s5 =	sadd.s32 s21, s3  }
0x9d: {  	[timem:s22], [sflag:s6] =	dma.local [hbm:s5], s4  }
0x9e: {  	_ =	swait.ge [sflag:s6], s4  }
0x9f: {  	s4 =	ssub.s32 $0x0, s4;
	[sflag:s6] =	ssyncset.done $0x0  }
0xa0: {  	[sflag:s6] =	ssyncadd.s32 s4;
	_ =	sdelay $0x1  }
0xa1: {  	s23 =	simm.s32 $0x1B8B  }
0xa2: {  	_ =	swait.ge [sflag:s23], $0x1  }
0xa3: {  	[sflag:s23] =	ssyncset.done $0x0  }
0xa4: {  	[sflag:s23] =	ssyncadd.s32 $0xFFFFFFFF  }
0xa5: {  	s4 =	sld [smem:$0x0]  }
0xa6: {  	s5 =	sand.u32 $0xFFFFFFFE, s1  }
0xa7: {  	p0 =	sne.s32 s1, s5  }
0xa8: {  	s5 =	sshll.u32 @p0 s5, $0xE  }
0xa9: {  	s5 =	sadd.s32 @p0 $0x11B8D, s5;
	s6 =	sshll.u32 @p0 s4, $0x11  }
0xaa: {  	s5 =	sor.u32 @p0 s6, s5  }
0xab: {  	[sflag:s5] =	ssyncadd.remote.s32 @p0 $0x1;
	_ =	sdelay $0x1  }
0xac: {  	s5 =	simm.s32 @p0 $0x1B8D  }
0xad: {  	_ =	swait.eq @p0 [sflag:s5], $0x1  }
0xae: {  	[sflag:s5] =	ssyncadd.s32 @p0 $0xFFFFFFFF  }
0xaf: {  	s6 =	sshll.u32 @!p0 s1, $0xE  }
0xb0: {  	s6 =	sor.u32 @!p0 $0x4000, s6;
	s5 =	simm.s32 @!p0 $0x1B8D  }
0xb1: {  	s4 =	sshll.u32 @!p0 s4, $0x11;
	s6 =	sadd.s32 @!p0 $0x11B8D, s6;
	_ =	swait.eq @!p0 [sflag:s5], $0x1  }
0xb2: {  	s4 =	sor.u32 @!p0 s4, s6;
	[sflag:s5] =	ssyncadd.s32 @!p0 $0xFFFFFFFF  }
0xb3: {  	s25 =	simm.s32 $0x1B8E;
	s24 =	sld [smem:$0x3FFE];
	[sflag:s4] =	ssyncadd.remote.s32 @!p0 $0x1  }
0xb4: {  	s26 =	simm.s32 $execute0_lowered;
	[smem:$0x3FD2] =	sst s25  }
0xb5: {  	s5 =	sshll.u32 s26, $0x1;
	_ =	strace $0x8000004F;
	[dreg:$0x1] =	wrdreg $0xFFFFFFFF  }
0xb6: {  	s28 =	simm.s32 $_size_execute0_lowered;
	s3 =	sadd.s32 s3, s5;
	[dreg:$0x0] =	wrdreg $0x0  }
0xb7: {  	s5 =	sshll.u32 s28, $0x1;
	[dreg:$0x2] =	wrdreg s3  }
0xb8: {  	[dreg:$0x3] =	wrdreg s5  }
0xb9: {  	[dreg:$0x4] =	wrdreg $0xC0  }
0xba: {  	_ =	task [dreg:s22], $0x5FFFF  }
0xbb: {  	[dreg:$0x1] =	wrdreg $0xFFFFFFFF  }
0xbc: {  	[dreg:$0x0] =	wrdreg $0x60  }
0xbd: {  	[dreg:$0x2] =	wrdreg s24  }
0xbe: {  	[dreg:$0x3] =	wrdreg $0x9  }
0xbf: {  	_ =	task.clear_ibuf [dreg:s22], $0x4FFFF;
	_ =	strace $0x9000004F  }
0xc0: {  	s29 =	simm.s32 $0x9;
	_ =	strace $0x80000051  }
0xc1: {  	_ =	swait.ge [sflag:s29], $0x1  }
0xc2: {  	[sflag:s29] =	ssyncadd.s32 $0xFFFFFFFF  }
0xc3: {  	_ =	strace $0x90000051  }
0xc4: {  	_ =	sfence  }
0xc5: {  	s30 =	sld [smem:$0x0];
	_ =	sdelay $0x2  }
0xc6: {  	s31 =	sshll.u32 s1, $0xD;
	s1 =	sshrl.u32 s1, $0x2  }
0xc7: {  	s4 =	sand.u32 $0x4000, s31;
	s1 =	sadd.s32 s1, s30  }
0xc8: {  	s0 =	sor.u32 s4, s0;
	s1 =	sshll.u32 s1, $0x11  }
0xc9: {  	s0 =	sor.u32 s1, s0  }
0xca: {  	s0 =	sadd.s32 $0x8F2B, s0  }
0xcb: {  	[sflag:s0] =	ssyncadd.remote.s32 $0x1  }
0xcc: {  	_ =	sfence.sel $0xFFFF  }
0xcd: {  	[dreg:$0x0] =	wrdreg $0xFFFFFFFF;
	(pc) =	sbr.abs _section_cstart, $3  }
0xce: {  	[dreg:$0x1] =	wrdreg $0xFFFFFFFF  }
0xcf: {  	_ =	task.clear_ibuf [dreg:s22], $0x2FFFF;
	_ =	strace $0x9FFFFFFF  }
0xd0: {  	(tm) =	ssettm $0x7FFFFFFF  }
0xd1: {  	_ =	shalt  }
tec
execute0_lowered:
.L_overlay_start_1:
0x0: {  	(tag) =	ssettag $0x1  }
0x1: {  	s1 =	srdreg.scid  }
0x2: {  	s0 =	stileid.u32;
	s4 =	sand.u32 $0x1, s1  }
0x3: {  	s2 =	sshll.u32 s0, $0xB;
	s3 =	sshll.u32 s4, $0xA  }
0x4: {  	s1 =	rddreg [dreg:$0x0];
	s3 =	sor.u32 s3, s2;
	s2 =	simm.s32 $0x0  }
0x5: {  	s20 =	simm.s32 $0x900;
	[smem:$0x7FF] =	sst s2  }
0x6: {  	s21 =	simm.s32 $0x1100;
	_ =	strace $0x80000050;
	[dreg:$0x3] =	wrdreg s20  }
0x7: {  	s22 =	simm.s32 $0x1500;
	[dreg:$0x4] =	wrdreg s21  }
0x8: {  	s23 =	simm.s32 $0x1D00;
	[dreg:$0x5] =	wrdreg s22  }
0x9: {  	s24 =	simm.s32 $0x2500;
	[dreg:$0x6] =	wrdreg s23  }
0xa: {  	s25 =	simm.s32 $0x2900;
	[dreg:$0x7] =	wrdreg s24  }
0xb: {  	s26 =	simm.s32 $0x3100;
	[dreg:$0x8] =	wrdreg s25  }
0xc: {  	s30 =	simm.s32 $0x3900;
	[dreg:$0x9] =	wrdreg s26  }
0xd: {  	s31 =	simm.s32 $0x3D00;
	[dreg:$0xa] =	wrdreg s30  }
0xe: {  	s0 =	simm.s32 $0x4500;
	[dreg:$0xb] =	wrdreg s31  }
0xf: {  	s6 =	simm.s32 $0x4D00;
	[dreg:$0xc] =	wrdreg s0  }
0x10: {  	s7 =	simm.s32 $0x5100;
	[dreg:$0xd] =	wrdreg s6  }
0x11: {  	s8 =	simm.s32 $0x5900;
	[dreg:$0xe] =	wrdreg s7  }
0x12: {  	s9 =	simm.s32 $0x6100;
	[dreg:$0xf] =	wrdreg s8  }
0x13: {  	s10 =	simm.s32 $0x6500;
	[dreg:$0x10] =	wrdreg s9  }
0x14: {  	s11 =	simm.s32 $0x6D00;
	[dreg:$0x11] =	wrdreg s10  }
0x15: {  	s12 =	simm.s32 $0x7500;
	[dreg:$0x12] =	wrdreg s11  }
0x16: {  	s13 =	simm.s32 $0x7900;
	[dreg:$0x13] =	wrdreg s12  }
0x17: {  	s14 =	simm.s32 $0x8100;
	[dreg:$0x14] =	wrdreg s13  }
0x18: {  	s15 =	simm.s32 $0x8900;
	s16 =	simm.s32 $0x8D00;
	[dreg:$0x15] =	wrdreg s14  }
0x19: {  	s17 =	simm.s32 $0x9500;
	s18 =	simm.s32 $0x9D00;
	[dreg:$0x16] =	wrdreg s15  }
0x1a: {  	s19 =	simm.s32 $0x80;
	s28 =	simm.s32 $0x2;
	[dreg:$0x17] =	wrdreg s16  }
0x1b: {  	s29 =	simm.s32 $0x0;
	s3 =	sshrl.u32 s3, $0x3;
	[dreg:$0x18] =	wrdreg s17  }
0x1c: {  	s4 =	ssub.s32 $0x2, s4;
	s5 =	sadd.s32 s3, s1;
	[dreg:$0x19] =	wrdreg s18  }
0x1d: {  	s6 =	smul.u32 $0x280, s3;
	s3 =	sadd.s32 $0x37200, s1;
	[dreg:$0x1a] =	wrdreg s19  }
0x1e: {  	s20 =	simm.s32 $0xA900;
	s21 =	sshrl.u32 s4, $0x1;
	s22 =	simm.s32 $0xB100  }
0x1f: {  	s23 =	simm.s32 $0xB500;
	s8 =	simm.s32 $0xBD00;
	s24 =	simm.s32 $0xC500  }
0x20: {  	s26 =	simm.s32 $0xC900;
	s30 =	simm.s32 $0xD100;
	[dreg:$0x1b] =	wrdreg s20  }
0x21: {  	s31 =	simm.s32 $0xD900;
	s9 =	simm.s32 $0x100;
	[dreg:$0x1c] =	wrdreg s22  }
0x22: {  	s10 =	simm.s32 $0xA100;
	s11 =	simm.s32 $0xDD00;
	[dreg:$0x1d] =	wrdreg s23  }
0x23: {  	s12 =	simm.s32 $0xE500;
	s13 =	simm.s32 $0xED00;
	[dreg:$0x1e] =	wrdreg s8  }
0x24: {  	s14 =	simm.s32 $0xF100;
	s15 =	simm.s32 $0xF900;
	[dreg:$0x1f] =	wrdreg s24  }
0x25: {  	s16 =	simm.s32 $0x10100;
	s17 =	simm.s32 $0x10500;
	[smem:$0x7FB] =	sst s26  }
0x26: {  	s18 =	simm.s32 $0x10D00;
	s19 =	simm.s32 $0x11500;
	[smem:$0x7FC] =	sst s30  }
0x27: {  	s5 =	sadd.s32 $0x7200, s5;
	s8 =	simm.s32 $0x3;
	[smem:$0x7FD] =	sst s31  }
0x28: {  	s20 =	simm.s32 $0x11900;
	s22 =	simm.s32 $0x12900;
	s23 =	simm.s32 $0x12D00  }
0x29: {  	s24 =	simm.s32 $0x13500;
	s26 =	simm.s32 $0x1;
	[dreg:$0x2] =	wrdreg s5  }
0x2a: {  	v2 =	vlaneseq.u32;
	s7 =	sadd.s32 s6, s1;
	s6 =	ssub.s32 s4, s21;
	s4 =	sadd.s32 $0x37300, s1  }
0x2b: {  	vm0 =	vmmov $0xffff;
	vm1 =	vmmov $0xff;
	v1 =	vshrl.u32 v2, $0x3;
	s5 =	sadd.s32 $0x37400, s1;
	s21 =	simm.s32 $0x12100;
	s25 =	smax.u32 s6, $0x1  }
0x2c: {  	v0 =	vand.u32 $0x7, v2;
	v2 =	vor.u32 $0x8, v2;
	v1 =	vmul.u32 $0x8, v1;
	s7 =	sadd.s32 $0x859600, s7;
	[smem:$0x7FA] =	sst s25;
	s25 =	simm.s32 $0x13D00  }
.LBB2_1:
0x2d: {  	s30 =	smov.u32 s7;
	s31 =	simm.s32 $0x0  }
.LBB2_2:
0x2e: {  	s1 =	rddreg [dreg:$0x2]  }
0x2f: {  	s1 =	sadd.s32 s31, s1  }
0x30: {  	[tilespmem:s2], [sflag:$0x3] =	stream.linear.gather [hbm4b:s1+s2], $0x40, $0x38;
	[tilespmem:$0x14100] =	vst v63  }
0x31: {  	_ =	swait.ge [sflag:s8], $0x40  }
0x32: {  	[sflag:s8] =	ssyncset.done $0x0  }
0x33: {  	[sflag:s8] =	ssyncadd.s32 $0xFFFFFFC0  }
0x34: {  	v3 =	vld [tilespmem:$0x0];
	_ =	sdelay $0x4  }
0x35: {  	v4 =	vshrl.u32 v3, $0x3  }
0x36: {  	v4 =	vmul.u32 $0x28, v4  }
0x37: {  	v3 =	vand.u32 $0x7, v3  }
0x38: {  	v3 =	vor.u32 v3, v4  }
0x39: {  	v4 =	vperm.xlane v3, v0;
	_ =	sdelay $0x1  }
0x3a: {  	v4 =	vadd.s32 v1, v4;
	_ =	sdelay $0x3  }
0x3b: {  	v3 =	vperm.xlane v3, v2  }
0x3c: {  	[tilespmem:s9], [sflag:$0x1] =	stream.indirect_vreg.gather [hbm4b:s3+s2], $0x80, v4, vm0, $0xb8;
	[tilespmem:$0x14100] =	vst v63  }
0x3d: {  	s0 =	rddreg [dreg:$0x3];
	v3 =	vadd.s32 v1, v3  }
0x3e: {  	[tilespmem:s0], [sflag:$0x1] =	stream.indirect_vreg.gather [hbm4b:s4+s2], $0x80, v4, vm0, $0xb8;
	[tilespmem:$0x14100] =	vst v63  }
0x3f: {  	s6 =	rddreg [dreg:$0x4]  }
0x40: {  	[tilespmem:s6], [sflag:$0x1] =	stream.indirect_vreg.gather [hbm4b:s5+s2], $0x80, v4, vm1, $0xb8;
	[tilespmem:$0x14100] =	vst v63  }
0x41: {  	s0 =	rddreg [dreg:$0x5]  }
0x42: {  	[tilespmem:s0], [sflag:$0x1] =	stream.indirect_vreg.gather [hbm4b:s3+s2], $0x80, v3, vm0, $0xb8;
	[tilespmem:$0x14100] =	vst v63  }
0x43: {  	s6 =	rddreg [dreg:$0x6]  }
0x44: {  	[tilespmem:s6], [sflag:$0x1] =	stream.indirect_vreg.gather [hbm4b:s4+s2], $0x80, v3, vm0, $0xb8;
	[tilespmem:$0x14100] =	vst v63  }
0x45: {  	s0 =	rddreg [dreg:$0x7]  }
0x46: {  	[tilespmem:s0], [sflag:$0x1] =	stream.indirect_vreg.gather [hbm4b:s5+s2], $0x80, v3, vm1, $0xb8;
	[tilespmem:$0x14100] =	vst v63  }
0x47: {  	v3 =	vld [tilespmem:$0x10];
	_ =	sdelay $0x4  }
0x48: {  	v57 =	vshrl.u32 v3, $0x3  }
0x49: {  	v4 =	vmul.u32 $0x28, v57  }
0x4a: {  	v3 =	vand.u32 $0x7, v3  }
0x4b: {  	v3 =	vor.u32 v3, v4  }
0x4c: {  	v4 =	vperm.xlane v3, v0;
	_ =	sdelay $0x1  }
0x4d: {  	v4 =	vadd.s32 v1, v4;
	_ =	sdelay $0x3  }
0x4e: {  	s0 =	rddreg [dreg:$0x8];
	v3 =	vperm.xlane v3, v2  }
0x4f: {  	[tilespmem:s0], [sflag:$0x1] =	stream.indirect_vreg.gather [hbm4b:s3+s2], $0x80, v4, vm0, $0xb8;
	[tilespmem:$0x14100] =	vst v63  }
0x50: {  	s6 =	rddreg [dreg:$0x9];
	v3 =	vadd.s32 v1, v3  }
0x51: {  	[tilespmem:s6], [sflag:$0x1] =	stream.indirect_vreg.gather [hbm4b:s4+s2], $0x80, v4, vm0, $0xb8;
	[tilespmem:$0x14100] =	vst v63  }
0x52: {  	s0 =	rddreg [dreg:$0xa]  }
0x53: {  	[tilespmem:s0], [sflag:$0x1] =	stream.indirect_vreg.gather [hbm4b:s5+s2], $0x80, v4, vm1, $0xb8;
	[tilespmem:$0x14100] =	vst v63  }
0x54: {  	s6 =	rddreg [dreg:$0xb]  }
0x55: {  	[tilespmem:s6], [sflag:$0x1] =	stream.indirect_vreg.gather [hbm4b:s3+s2], $0x80, v3, vm0, $0xb8;
	[tilespmem:$0x14100] =	vst v63  }
0x56: {  	s0 =	rddreg [dreg:$0xc]  }
0x57: {  	[tilespmem:s0], [sflag:$0x1] =	stream.indirect_vreg.gather [hbm4b:s4+s2], $0x80, v3, vm0, $0xb8;
	[tilespmem:$0x14100] =	vst v63  }
0x58: {  	s6 =	rddreg [dreg:$0xd]  }
0x59: {  	[tilespmem:s6], [sflag:$0x1] =	stream.indirect_vreg.gather [hbm4b:s5+s2], $0x80, v3, vm1, $0xb8;
	[tilespmem:$0x14100] =	vst v63  }
0x5a: {  	v3 =	vld [tilespmem:$0x20];
	_ =	sdelay $0x4  }
0x5b: {  	v58 =	vshrl.u32 v3, $0x3  }
0x5c: {  	v4 =	vmul.u32 $0x28, v58  }
0x5d: {  	v3 =	vand.u32 $0x7, v3  }
0x5e: {  	v3 =	vor.u32 v3, v4  }
0x5f: {  	v4 =	vperm.xlane v3, v0;
	_ =	sdelay $0x1  }
0x60: {  	v4 =	vadd.s32 v1, v4;
	_ =	sdelay $0x3  }
0x61: {  	s0 =	rddreg [dreg:$0xe];
	v3 =	vperm.xlane v3, v2  }
0x62: {  	[tilespmem:s0], [sflag:$0x1] =	stream.indirect_vreg.gather [hbm4b:s3+s2], $0x80, v4, vm0, $0xb8;
	[tilespmem:$0x14100] =	vst v63  }
0x63: {  	s6 =	rddreg [dreg:$0xf];
	v3 =	vadd.s32 v1, v3  }
0x64: {  	[tilespmem:s6], [sflag:$0x1] =	stream.indirect_vreg.gather [hbm4b:s4+s2], $0x80, v4, vm0, $0xb8;
	[tilespmem:$0x14100] =	vst v63  }
0x65: {  	s0 =	rddreg [dreg:$0x10]  }
0x66: {  	[tilespmem:s0], [sflag:$0x1] =	stream.indirect_vreg.gather [hbm4b:s5+s2], $0x80, v4, vm1, $0xb8;
	[tilespmem:$0x14100] =	vst v63  }
0x67: {  	s6 =	rddreg [dreg:$0x11]  }
0x68: {  	[tilespmem:s6], [sflag:$0x1] =	stream.indirect_vreg.gather [hbm4b:s3+s2], $0x80, v3, vm0, $0xb8;
	[tilespmem:$0x14100] =	vst v63  }
0x69: {  	s0 =	rddreg [dreg:$0x12]  }
0x6a: {  	[tilespmem:s0], [sflag:$0x1] =	stream.indirect_vreg.gather [hbm4b:s4+s2], $0x80, v3, vm0, $0xb8;
	[tilespmem:$0x14100] =	vst v63  }
0x6b: {  	s6 =	rddreg [dreg:$0x13]  }
0x6c: {  	[tilespmem:s6], [sflag:$0x1] =	stream.indirect_vreg.gather [hbm4b:s5+s2], $0x80, v3, vm1, $0xb8;
	[tilespmem:$0x14100] =	vst v63  }
0x6d: {  	v3 =	vld [tilespmem:$0x30];
	_ =	sdelay $0x4  }
0x6e: {  	v59 =	vshrl.u32 v3, $0x3  }
0x6f: {  	v4 =	vmul.u32 $0x28, v59  }
0x70: {  	v3 =	vand.u32 $0x7, v3  }
0x71: {  	v3 =	vor.u32 v3, v4  }
0x72: {  	v4 =	vperm.xlane v3, v0;
	_ =	sdelay $0x1  }
0x73: {  	v4 =	vadd.s32 v1, v4;
	_ =	sdelay $0x3  }
0x74: {  	s0 =	rddreg [dreg:$0x14];
	v3 =	vperm.xlane v3, v2  }
0x75: {  	[tilespmem:s0], [sflag:$0x1] =	stream.indirect_vreg.gather [hbm4b:s3+s2], $0x80, v4, vm0, $0xb8;
	[tilespmem:$0x14100] =	vst v63  }
0x76: {  	s6 =	rddreg [dreg:$0x15];
	v3 =	vadd.s32 v1, v3  }
0x77: {  	[tilespmem:s6], [sflag:$0x1] =	stream.indirect_vreg.gather [hbm4b:s4+s2], $0x80, v4, vm0, $0xb8;
	[tilespmem:$0x14100] =	vst v63  }
0x78: {  	s0 =	rddreg [dreg:$0x16]  }
0x79: {  	[tilespmem:s0], [sflag:$0x1] =	stream.indirect_vreg.gather [hbm4b:s5+s2], $0x80, v4, vm1, $0xb8;
	[tilespmem:$0x14100] =	vst v63  }
0x7a: {  	s6 =	rddreg [dreg:$0x17]  }
0x7b: {  	[tilespmem:s6], [sflag:$0x1] =	stream.indirect_vreg.gather [hbm4b:s3+s2], $0x80, v3, vm0, $0xb8;
	[tilespmem:$0x14100] =	vst v63  }
0x7c: {  	s0 =	rddreg [dreg:$0x18]  }
0x7d: {  	[tilespmem:s0], [sflag:$0x1] =	stream.indirect_vreg.gather [hbm4b:s4+s2], $0x80, v3, vm0, $0xb8;
	[tilespmem:$0x14100] =	vst v63  }
0x7e: {  	s6 =	rddreg [dreg:$0x19]  }
0x7f: {  	[tilespmem:s6], [sflag:$0x1] =	stream.indirect_vreg.gather [hbm4b:s5+s2], $0x80, v3, vm1, $0xb8;
	[tilespmem:$0x14100] =	vst v63  }
0x80: {  	s1 =	sadd.s32 $0x8, s1;
	s0 =	rddreg [dreg:$0x1a]  }
0x81: {  	[tilespmem:s0], [sflag:$0x3] =	stream.linear.gather [hbm4b:s1+s2], $0x40, $0x38;
	[tilespmem:$0x14100] =	vst v63  }
0x82: {  	_ =	swait.ge [sflag:s8], $0x40  }
0x83: {  	[sflag:s8] =	ssyncset.done $0x0  }
0x84: {  	[sflag:s8] =	ssyncadd.s32 $0xFFFFFFC0  }
0x85: {  	v3 =	vld [tilespmem:$0x80];
	_ =	sdelay $0x4  }
0x86: {  	v60 =	vshrl.u32 v3, $0x3  }
0x87: {  	v4 =	vmul.u32 $0x28, v60  }
0x88: {  	v3 =	vand.u32 $0x7, v3  }
0x89: {  	v3 =	vor.u32 v3, v4  }
0x8a: {  	v4 =	vperm.xlane v3, v0;
	_ =	sdelay $0x1  }
0x8b: {  	v4 =	vadd.s32 v1, v4;
	_ =	sdelay $0x3  }
0x8c: {  	v3 =	vperm.xlane v3, v2  }
0x8d: {  	[tilespmem:s10], [sflag:$0x2] =	stream.indirect_vreg.gather [hbm4b:s3+s2], $0x80, v4, vm0, $0xb8;
	[tilespmem:$0x14100] =	vst v63  }
0x8e: {  	s6 =	rddreg [dreg:$0x1b];
	v3 =	vadd.s32 v1, v3  }
0x8f: {  	[tilespmem:s6], [sflag:$0x2] =	stream.indirect_vreg.gather [hbm4b:s4+s2], $0x80, v4, vm0, $0xb8;
	[tilespmem:$0x14100] =	vst v63  }
0x90: {  	s1 =	rddreg [dreg:$0x1c]  }
0x91: {  	[tilespmem:s1], [sflag:$0x2] =	stream.indirect_vreg.gather [hbm4b:s5+s2], $0x80, v4, vm1, $0xb8;
	[tilespmem:$0x14100] =	vst v63  }
0x92: {  	s6 =	rddreg [dreg:$0x1d]  }
0x93: {  	[tilespmem:s6], [sflag:$0x2] =	stream.indirect_vreg.gather [hbm4b:s3+s2], $0x80, v3, vm0, $0xb8;
	[tilespmem:$0x14100] =	vst v63  }
0x94: {  	s1 =	rddreg [dreg:$0x1e]  }
0x95: {  	[tilespmem:s1], [sflag:$0x2] =	stream.indirect_vreg.gather [hbm4b:s4+s2], $0x80, v3, vm0, $0xb8;
	[tilespmem:$0x14100] =	vst v63  }
0x96: {  	s6 =	rddreg [dreg:$0x1f]  }
0x97: {  	[tilespmem:s6], [sflag:$0x2] =	stream.indirect_vreg.gather [hbm4b:s5+s2], $0x80, v3, vm1, $0xb8;
	[tilespmem:$0x14100] =	vst v63  }
0x98: {  	v3 =	vld [tilespmem:$0x90];
	_ =	sdelay $0x4  }
0x99: {  	v61 =	vshrl.u32 v3, $0x3  }
0x9a: {  	v4 =	vmul.u32 $0x28, v61  }
0x9b: {  	v3 =	vand.u32 $0x7, v3  }
0x9c: {  	v3 =	vor.u32 v3, v4  }
0x9d: {  	v4 =	vperm.xlane v3, v0;
	_ =	sdelay $0x1  }
0x9e: {  	v4 =	vadd.s32 v1, v4;
	_ =	sdelay $0x1  }
0x9f: {  	s6 =	sld [smem:$0x7FB];
	_ =	sdelay $0x1  }
0xa0: {  	s1 =	sld [smem:$0x7FC];
	v3 =	vperm.xlane v3, v2  }
0xa1: {  	[tilespmem:s6], [sflag:$0x2] =	stream.indirect_vreg.gather [hbm4b:s3+s2], $0x80, v4, vm0, $0xb8;
	[tilespmem:$0x14100] =	vst v63  }
0xa2: {  	v3 =	vadd.s32 v1, v3;
	s6 =	sld [smem:$0x7FD]  }
0xa3: {  	[tilespmem:s1], [sflag:$0x2] =	stream.indirect_vreg.gather [hbm4b:s4+s2], $0x80, v4, vm0, $0xb8;
	[tilespmem:$0x14100] =	vst v63  }
0xa4: {  	_ = 	snop  }
0xa5: {  	[tilespmem:s6], [sflag:$0x2] =	stream.indirect_vreg.gather [hbm4b:s5+s2], $0x80, v4, vm1, $0xb8;
	[tilespmem:$0x14100] =	vst v63  }
0xa6: {  	_ = 	snop  }
0xa7: {  	[tilespmem:s11], [sflag:$0x2] =	stream.indirect_vreg.gather [hbm4b:s3+s2], $0x80, v3, vm0, $0xb8;
	[tilespmem:$0x14100] =	vst v63  }
0xa8: {  	_ = 	snop  }
0xa9: {  	[tilespmem:s12], [sflag:$0x2] =	stream.indirect_vreg.gather [hbm4b:s4+s2], $0x80, v3, vm0, $0xb8;
	[tilespmem:$0x14100] =	vst v63  }
0xaa: {  	_ = 	snop  }
0xab: {  	[tilespmem:s13], [sflag:$0x2] =	stream.indirect_vreg.gather [hbm4b:s5+s2], $0x80, v3, vm1, $0xb8;
	[tilespmem:$0x14100] =	vst v63  }
0xac: {  	v3 =	vld [tilespmem:$0xA0];
	_ =	sdelay $0x4  }
0xad: {  	v62 =	vshrl.u32 v3, $0x3  }
0xae: {  	v4 =	vmul.u32 $0x28, v62  }
0xaf: {  	v3 =	vand.u32 $0x7, v3  }
0xb0: {  	v3 =	vor.u32 v3, v4  }
0xb1: {  	v4 =	vperm.xlane v3, v0;
	_ =	sdelay $0x1  }
0xb2: {  	v4 =	vadd.s32 v1, v4;
	_ =	sdelay $0x3  }
0xb3: {  	v3 =	vperm.xlane v3, v2  }
0xb4: {  	[tilespmem:s14], [sflag:$0x2] =	stream.indirect_vreg.gather [hbm4b:s3+s2], $0x80, v4, vm0, $0xb8;
	[tilespmem:$0x14100] =	vst v63  }
0xb5: {  	v3 =	vadd.s32 v1, v3  }
0xb6: {  	[tilespmem:s15], [sflag:$0x2] =	stream.indirect_vreg.gather [hbm4b:s4+s2], $0x80, v4, vm0, $0xb8;
	[tilespmem:$0x14100] =	vst v63  }
0xb7: {  	_ = 	snop  }
0xb8: {  	[tilespmem:s16], [sflag:$0x2] =	stream.indirect_vreg.gather [hbm4b:s5+s2], $0x80, v4, vm1, $0xb8;
	[tilespmem:$0x14100] =	vst v63  }
0xb9: {  	_ = 	snop  }
0xba: {  	[tilespmem:s17], [sflag:$0x2] =	stream.indirect_vreg.gather [hbm4b:s3+s2], $0x80, v3, vm0, $0xb8;
	[tilespmem:$0x14100] =	vst v63  }
0xbb: {  	_ = 	snop  }
0xbc: {  	[tilespmem:s18], [sflag:$0x2] =	stream.indirect_vreg.gather [hbm4b:s4+s2], $0x80, v3, vm0, $0xb8;
	[tilespmem:$0x14100] =	vst v63  }
0xbd: {  	_ = 	snop  }
0xbe: {  	[tilespmem:s19], [sflag:$0x2] =	stream.indirect_vreg.gather [hbm4b:s5+s2], $0x80, v3, vm1, $0xb8;
	[tilespmem:$0x14100] =	vst v63  }
0xbf: {  	v3 =	vld [tilespmem:$0xB0];
	_ =	sdelay $0x4  }
0xc0: {  	v63 =	vshrl.u32 v3, $0x3  }
0xc1: {  	v4 =	vmul.u32 $0x28, v63  }
0xc2: {  	v3 =	vand.u32 $0x7, v3  }
0xc3: {  	v3 =	vor.u32 v3, v4  }
0xc4: {  	v4 =	vperm.xlane v3, v0;
	_ =	sdelay $0x1  }
0xc5: {  	v4 =	vadd.s32 v1, v4;
	_ =	sdelay $0x3  }
0xc6: {  	v3 =	vperm.xlane v3, v2  }
0xc7: {  	[tilespmem:s20], [sflag:$0x2] =	stream.indirect_vreg.gather [hbm4b:s3+s2], $0x80, v4, vm0, $0xb8;
	[tilespmem:$0x14100] =	vst v63  }
0xc8: {  	v3 =	vadd.s32 v1, v3  }
0xc9: {  	[tilespmem:s21], [sflag:$0x2] =	stream.indirect_vreg.gather [hbm4b:s4+s2], $0x80, v4, vm0, $0xb8;
	[tilespmem:$0x14100] =	vst v63  }
0xca: {  	_ = 	snop  }
0xcb: {  	[tilespmem:s22], [sflag:$0x2] =	stream.indirect_vreg.gather [hbm4b:s5+s2], $0x80, v4, vm1, $0xb8;
	[tilespmem:$0x14100] =	vst v63  }
0xcc: {  	_ = 	snop  }
0xcd: {  	[tilespmem:s23], [sflag:$0x2] =	stream.indirect_vreg.gather [hbm4b:s3+s2], $0x80, v3, vm0, $0xb8;
	[tilespmem:$0x14100] =	vst v63  }
0xce: {  	_ = 	snop  }
0xcf: {  	[tilespmem:s24], [sflag:$0x2] =	stream.indirect_vreg.gather [hbm4b:s4+s2], $0x80, v3, vm0, $0xb8;
	[tilespmem:$0x14100] =	vst v63  }
0xd0: {  	_ = 	snop  }
0xd1: {  	[tilespmem:s25], [sflag:$0x2] =	stream.indirect_vreg.gather [hbm4b:s5+s2], $0x80, v3, vm1, $0xb8;
	[tilespmem:$0x14100] =	vst v63  }
0xd2: {  	_ =	swait.ge [sflag:s26], $0xA000  }
0xd3: {  	[sflag:s26] =	ssyncset.done $0x0  }
0xd4: {  	s6 =	sadd.s32 $0xFFFFEC00, s30;
	[sflag:s26] =	ssyncadd.s32 $0xFFFF6000  }
0xd5: {  	[hbm4b:s6+s2] =	stream.linear.scatter [tilespmem:s9], [sflag:$0x3], $0xA000, $0x38;
	[tilespmem:$0x14100] =	vst v63  }
0xd6: {  	_ =	swait.ge [sflag:s8], $0xA000  }
0xd7: {  	[sflag:s8] =	ssyncset.done $0x0  }
0xd8: {  	[sflag:s8] =	ssyncadd.s32 $0xFFFF6000  }
0xd9: {  	_ =	swait.ge [sflag:s28], $0xA000  }
0xda: {  	p0 =	sne.s32 s31, $0x70;
	[sflag:s28] =	ssyncset.done $0x0  }
.Ltmp0:
0xdb: {  	[sflag:s28] =	ssyncadd.s32 $0xFFFF6000;
	(pc) =	sbr.rel @p0 .LBB2_2-.Ltmp0, $4  }
0xdc: {  	[hbm4b:s30+s2] =	stream.linear.scatter [tilespmem:s10], [sflag:$0x3], $0xA000, $0x38;
	[tilespmem:$0x14100] =	vst v63  }
0xdd: {  	_ =	swait.ge [sflag:s8], $0xA000  }
0xde: {  	[sflag:s8] =	ssyncset.done $0x0  }
0xdf: {  	s31 =	sadd.s32 $0x10, s31;
	s30 =	sadd.s32 $0x2800, s30;
	[sflag:s8] =	ssyncadd.s32 $0xFFFF6000  }
0xe0: {  	s0 =	sld [smem:$0x7FA];
	_ =	sdelay $0x1  }
0xe1: {  	s29 =	sadd.s32 $0x1, s29  }
0xe2: {  	p0 =	sne.s32 s29, s0  }
.Ltmp1:
0xe3: {  	_ = 	snop;
	(pc) =	sbr.rel @p0 .LBB2_1-.Ltmp1, $1  }
0xe4: {  	_ =	sdelay $0x3  }
0xe5: {  	_ =	sfence.sel $0x180000  }
0xe6: {  	[bflag:$0x0] =	sbarrier.arrive $0xFFFF  }
0xe7: {  	_ =	strace $0x90000050  }
0xe8: {  	s0 =	stileid.u32;
	[bflag:$0x2] =	sbarrier.arrive $0xFFFF  }
0xe9: {  	p0 =	sne.s32 s0, $0x0;
	s0 =	rddreg [dreg:$0x1]  }
0xea: {  	s0 =	sadd.s32 @!p0 $0x100000, s0  }
0xeb: {  	[sflag:s0] =	ssyncadd.tile.s32 @!p0 $0x1;
	_ =	shalt  }
.Lfunc_end2:
_tile_overlayer_lowered:
.L_overlay_start_2:
0xec: {  	(tag) =	ssettag $0x2  }
0xed: {  	s0 =	rddreg [dreg:$0x0];
	s2 =	stileid.u32  }
0xee: {  	s1 =	rddreg [dreg:$0x1];
	p0 =	sne.s32 s2, $0x0  }
0xef: {  	s3 =	rddreg [dreg:$0x2];
	[bflag:$0x3] =	sbarrier.arrive $0xFFFF;
	s2 =	simm.s32 @!p0 $0x1C03  }
0xf0: {  	[timem:s3], [sflag:s2] =	dma.local @!p0 [hbm:s0], s1  }
0xf1: {  	s0 =	simm.s32 @!p0 $0x3  }
0xf2: {  	_ =	swait.ge @!p0 [sflag:s0], s1  }
0xf3: {  	s1 =	ssub.s32 @!p0 $0x0, s1;
	[sflag:s0] =	ssyncset.done @!p0 $0x0  }
0xf4: {  	[sflag:s0] =	ssyncadd.s32 @!p0 s1  }
0xf5: {  	[bflag:$0x3] =	sbarrier.arrive $0xFFFF  }
0xf6: {  	_ =	shalt  }

// kernel: kernel.17.cloned.1.call-start
scs
__scs_entry_jumppad:
0x0: {  	(pc) =	sbr.rel $0x88, $3  }
0x1: {  	(tag) =	ssettag $0x0;
	lr =	simm.s32 $0x1  }
0x2: {  	[smem:$0x3F94] =	sst lr;
	_ =	strace $0xD0000000  }
0x3: {  	_ = 	snop  }
0x4: {  	_ = 	snop  }
0x5: {  	_ = 	snop  }
0x6: {  	_ = 	snop  }
0x7: {  	_ = 	snop  }
__scs_overlays_trampoline_lowered:
0x8: {  	[smem:$0x3FA3] =	sst s0  }
0x9: {  	[smem:$0x3FA4] =	sst s1  }
0xa: {  	[smem:$0x3FA5] =	sst s2  }
0xb: {  	[smem:$0x3FA6] =	sst s3  }
0xc: {  	[smem:$0x3FA7] =	sst s4  }
0xd: {  	[smem:$0x3FA8] =	sst s5  }
0xe: {  	[smem:$0x3FA9] =	sst s6  }
0xf: {  	[smem:$0x3FAA] =	sst s7  }
0x10: {  	[smem:$0x3FAB] =	sst s8  }
0x11: {  	[smem:$0x3FAC] =	sst s9;
	s0 =	simm.s32 @!p0 $0x0  }
0x12: {  	s1 =	sld [smem:$0x3F92];
	s0 =	simm.s32 @p0 $0x1  }
0x13: {  	[smem:$0x3FAD] =	sst s0;
	s0 =	simm.s32 @!p1 $0x0  }
0x14: {  	s2 =	sld [smem:$0x3F91];
	s0 =	simm.s32 @p1 $0x1  }
0x15: {  	[smem:$0x3FAE] =	sst s0;
	s0 =	simm.s32 @!p2 $0x0  }
0x16: {  	s3 =	sld [smem:$0x3FDB];
	s0 =	simm.s32 @p2 $0x1  }
0x17: {  	s4 =	simm.s32 $0x1BF5;
	[smem:$0x3FB0] =	sst s0  }
0x18: {  	s0 =	sld [smem:$0x3F93];
	_ =	swait.ge [sflag:s4], $0x0  }
0x19: {  	s7 =	sld [smem:$0x3F94]  }
0x1a: {  	s8 =	sadd.s32 $0xFFFFE003, lr  }
0x1b: {  	s9 =	sadd.s32 $0xFFFFFEF7, lr;
	s5 =	simm.s32 $0xFFFFFFFF;
	p2 =	slt.u32 s8, $0xFFFFF086  }
0x1c: {  	p1 =	slt.u32 s9, $0xF7A;
	s5 =	simm.s32 @!p2 $0x0  }
0x1d: {  	s5 =	simm.s32 @p1 $0x1;
	p0 =	seq.s32 s7, s2  }
0x1e: {  	s7 =	smul.u32 @!p0 $0xF7A, s2;
	p2 =	seq.s32 @!p0 s5, $0x0  }
0x1f: {  	s9 =	smul.u32 $0xF7A, s1;
	s8 =	simm.s32 @!p0 $0x1BF5;
	p2 =	por !p2, p0  }
0x20: {  	[sflag:s8] =	ssyncset.s32 @!p0 $0xFFFFF086;
	s6 =	sadd.s32 @!p0 s3, s7;
	s7 =	simm.s32 @!p0 $0x108  }
0x21: {  	s3 =	sadd.s32 s3, s9;
	s6 =	sadd.s32 @!p0 $0x88, s6;
	s7 =	simm.s32 @p2 $0x1082  }
0x22: {  	[simem:s7], [sflag:s8] =	dma.local @!p0 [hbm:s6], $0xF7A  }
0x23: {  	s9 =	sor.u32 $0xD0000000, s2;
	s6 =	simm.s32 $0x108;
	_ =	swait.ge @!p0 [sflag:s8], $0x0  }
0x24: {  	s3 =	sadd.s32 $0x88, s3;
	s6 =	simm.s32 @!p1 $0x1082;
	[sflag:s4] =	ssyncset.s32 $0xFFFFF086  }
0x25: {  	[simem:s6], [sflag:s4] =	dma.local [hbm:s3], $0xF7A  }
0x26: {  	[smem:$0x3F94] =	sst s1;
	(tag) =	ssettag s2;
	_ =	strace s9  }
0x27: {  	s1 =	sld [smem:$0x3FA4]  }
0x28: {  	s2 =	sld [smem:$0x3FA5]  }
0x29: {  	s4 =	sld [smem:$0x3FA7]  }
0x2a: {  	p0 =	seq.s32 s5, $0x0;
	s5 =	sld [smem:$0x3FA8]  }
0x2b: {  	s6 =	sld [smem:$0x3FA9]  }
0x2c: {  	s7 =	sld [smem:$0x3FAA]  }
0x2d: {  	s3 =	simm.s32 $0x108;
	s8 =	sld [smem:$0x3FAB]  }
0x2e: {  	s3 =	simm.s32 @!p0 $0x1082;
	s9 =	sld [smem:$0x3FAC]  }
0x2f: {  	lr =	sadd.s32 s0, s3;
	s0 =	sld [smem:$0x3FA3]  }
0x30: {  	s3 =	sld [smem:$0x3FA6]  }
0x31: {  	[smem:$0x3FAF] =	sst s10  }
0x32: {  	s10 =	sld [smem:$0x3FAD];
	_ =	sdelay $0x3  }
0x33: {  	p0 =	seq.s32 s10, $0x1;
	s10 =	sld [smem:$0x3FAF];
	_ =	sdelay $0x3  }
0x34: {  	[smem:$0x3FAF] =	sst s10  }
0x35: {  	s10 =	sld [smem:$0x3FAE];
	_ =	sdelay $0x3  }
0x36: {  	p1 =	seq.s32 s10, $0x1;
	s10 =	sld [smem:$0x3FAF];
	_ =	sdelay $0x3  }
0x37: {  	[smem:$0x3FAF] =	sst s10  }
0x38: {  	s10 =	sld [smem:$0x3FB0]  }
0x39: {  	_ = 	snop;
	(pc) =	sbr.ind lr, $3  }
0x3a: {  	_ = 	snop  }
0x3b: {  	_ = 	snop  }
0x3c: {  	p2 =	seq.s32 s10, $0x1;
	s10 =	sld [smem:$0x3FAF]  }
0x3d: {  	_ =	shalt  }
0x3e: {  	_ =	shalt  }
0x3f: {  	_ =	shalt  }
0x40: {  	_ =	shalt  }
0x41: {  	_ =	shalt  }
0x42: {  	_ =	shalt  }
0x43: {  	_ =	shalt  }
0x44: {  	_ =	shalt  }
0x45: {  	_ =	shalt  }
0x46: {  	_ =	shalt  }
0x47: {  	_ =	shalt  }
0x48: {  	_ =	shalt  }
0x49: {  	_ =	shalt  }
0x4a: {  	_ =	shalt  }
0x4b: {  	_ =	shalt  }
0x4c: {  	_ =	shalt  }
0x4d: {  	_ =	shalt  }
0x4e: {  	_ =	shalt  }
0x4f: {  	_ =	shalt  }
0x50: {  	_ =	shalt  }
0x51: {  	_ =	shalt  }
0x52: {  	_ =	shalt  }
0x53: {  	_ =	shalt  }
0x54: {  	_ =	shalt  }
0x55: {  	_ =	shalt  }
0x56: {  	_ =	shalt  }
0x57: {  	_ =	shalt  }
0x58: {  	_ =	shalt  }
0x59: {  	_ =	shalt  }
0x5a: {  	_ =	shalt  }
0x5b: {  	_ =	shalt  }
0x5c: {  	_ =	shalt  }
0x5d: {  	_ =	shalt  }
0x5e: {  	_ =	shalt  }
0x5f: {  	_ =	shalt  }
0x60: {  	_ =	shalt  }
0x61: {  	_ =	shalt  }
0x62: {  	_ =	shalt  }
0x63: {  	_ =	shalt  }
0x64: {  	_ =	shalt  }
0x65: {  	_ =	shalt  }
0x66: {  	_ =	shalt  }
0x67: {  	_ =	shalt  }
0x68: {  	_ =	shalt  }
0x69: {  	_ =	shalt  }
0x6a: {  	_ =	shalt  }
0x6b: {  	_ =	shalt  }
0x6c: {  	_ =	shalt  }
0x6d: {  	_ =	shalt  }
0x6e: {  	_ =	shalt  }
0x6f: {  	_ =	shalt  }
0x70: {  	_ =	shalt  }
0x71: {  	_ =	shalt  }
0x72: {  	_ =	shalt  }
0x73: {  	_ =	shalt  }
0x74: {  	_ =	shalt  }
0x75: {  	_ =	shalt  }
0x76: {  	_ =	shalt  }
0x77: {  	_ =	shalt  }
0x78: {  	_ =	shalt  }
0x79: {  	_ =	shalt  }
0x7a: {  	_ =	shalt  }
0x7b: {  	_ =	shalt  }
0x7c: {  	_ =	shalt  }
0x7d: {  	_ =	shalt  }
0x7e: {  	_ =	shalt  }
0x7f: {  	_ =	shalt  }
0x80: {  	_ =	shalt  }
0x81: {  	_ =	shalt  }
0x82: {  	_ =	shalt  }
0x83: {  	_ =	shalt  }
0x84: {  	_ =	shalt  }
0x85: {  	_ =	shalt  }
0x86: {  	_ =	shalt  }
0x87: {  	_ =	shalt  }
.Lfunc_end0:
.L_simem_size_0:
called_computation.1_lowered:
.L_overlay_start_0:
0x88: {  	s2 =	sld [smem:$0x3FD9]  }
0x89: {  	s3 =	sld [smem:$0x3FFE];
	_ =	sdelay $0x1  }
0x8a: {  	s1 =	srdreg.scid  }
0x8b: {  	s0 =	sand.u32 $0x1, s1  }
0x8c: {  	s17 =	sshll.u32 s0, $0xA;
	s2 =	sadd.s32 s3, s2  }
0x8d: {  	s2 =	sadd.s32 s2, s17  }
0x8e: {  	[smem:$0x3FBB] =	sst s2  }
0x8f: {  	_ = 	snop  }
0x90: {  	(tm) =	ssettm $0x1  }
0x91: {  	s18 =	sld [smem:$0x3FFB];
	_ =	sdelay $0x3  }
0x92: {  	_ =	strace s18  }
0x93: {  	s2 =	sld [smem:$0x3FFC];
	_ =	sdelay $0x3  }
0x94: {  	_ =	strace s2  }
0x95: {  	s2 =	sld [smem:$0x3FFD];
	_ =	sdelay $0x3  }
0x96: {  	_ =	strace s2  }
0x97: {  	_ =	strace $0x8FFFFFFF  }
0x98: {  	s19 =	sld [smem:$0x3FDB];
	_ =	sdelay $0x1  }
0x99: {  	s20 =	simm.s32 $_scs_section_size  }
0x9a: {  	s4 =	simm.s32 $_size__tile_overlayer_lowered;
	s5 =	simm.s32 $_tile_overlayer_lowered  }
0x9b: {  	s6 =	simm.s32 $0x1BFF;
	s21 =	sshll.u32 s5, $0x1;
	s3 =	sadd.s32 s20, s19  }
0x9c: {  	s22 =	simm.s32 $0x0;
	s4 =	sshll.u32 s4, $0x1;
	s5 =	sadd.s32 s21, s3  }
0x9d: {  	[timem:s22], [sflag:s6] =	dma.local [hbm:s5], s4  }
0x9e: {  	_ =	swait.ge [sflag:s6], s4  }
0x9f: {  	s4 =	ssub.s32 $0x0, s4;
	[sflag:s6] =	ssyncset.done $0x0  }
0xa0: {  	[sflag:s6] =	ssyncadd.s32 s4;
	_ =	sdelay $0x1  }
0xa1: {  	s23 =	simm.s32 $0x1B8B  }
0xa2: {  	_ =	swait.ge [sflag:s23], $0x1  }
0xa3: {  	[sflag:s23] =	ssyncset.done $0x0  }
0xa4: {  	[sflag:s23] =	ssyncadd.s32 $0xFFFFFFFF  }
0xa5: {  	s4 =	sld [smem:$0x0]  }
0xa6: {  	s5 =	sand.u32 $0xFFFFFFFE, s1  }
0xa7: {  	p0 =	sne.s32 s1, s5  }
0xa8: {  	s5 =	sshll.u32 @p0 s5, $0xE  }
0xa9: {  	s5 =	sadd.s32 @p0 $0x11B8D, s5;
	s6 =	sshll.u32 @p0 s4, $0x11  }
0xaa: {  	s5 =	sor.u32 @p0 s6, s5  }
0xab: {  	[sflag:s5] =	ssyncadd.remote.s32 @p0 $0x1;
	_ =	sdelay $0x1  }
0xac: {  	s5 =	simm.s32 @p0 $0x1B8D  }
0xad: {  	_ =	swait.eq @p0 [sflag:s5], $0x1  }
0xae: {  	[sflag:s5] =	ssyncadd.s32 @p0 $0xFFFFFFFF  }
0xaf: {  	s6 =	sshll.u32 @!p0 s1, $0xE  }
0xb0: {  	s6 =	sor.u32 @!p0 $0x4000, s6;
	s5 =	simm.s32 @!p0 $0x1B8D  }
0xb1: {  	s4 =	sshll.u32 @!p0 s4, $0x11;
	s6 =	sadd.s32 @!p0 $0x11B8D, s6;
	_ =	swait.eq @!p0 [sflag:s5], $0x1  }
0xb2: {  	s4 =	sor.u32 @!p0 s4, s6;
	[sflag:s5] =	ssyncadd.s32 @!p0 $0xFFFFFFFF  }
0xb3: {  	s25 =	simm.s32 $0x1B8E;
	s24 =	sld [smem:$0x3FFE];
	[sflag:s4] =	ssyncadd.remote.s32 @!p0 $0x1  }
0xb4: {  	s26 =	simm.s32 $execute0_lowered;
	[smem:$0x3FD2] =	sst s25  }
0xb5: {  	s5 =	sshll.u32 s26, $0x1;
	_ =	strace $0x8000004C;
	[dreg:$0x1] =	wrdreg $0xFFFFFFFF  }
0xb6: {  	s28 =	simm.s32 $_size_execute0_lowered;
	s3 =	sadd.s32 s3, s5;
	[dreg:$0x0] =	wrdreg $0x0  }
0xb7: {  	s5 =	sshll.u32 s28, $0x1;
	[dreg:$0x2] =	wrdreg s3  }
0xb8: {  	[dreg:$0x3] =	wrdreg s5  }
0xb9: {  	[dreg:$0x4] =	wrdreg $0xC0  }
0xba: {  	_ =	task [dreg:s22], $0x5FFFF  }
0xbb: {  	[dreg:$0x1] =	wrdreg $0xFFFFFFFF  }
0xbc: {  	[dreg:$0x0] =	wrdreg $0x60  }
0xbd: {  	[dreg:$0x2] =	wrdreg s24  }
0xbe: {  	[dreg:$0x3] =	wrdreg $0xA  }
0xbf: {  	_ =	task.clear_ibuf [dreg:s22], $0x4FFFF;
	_ =	strace $0x9000004C  }
0xc0: {  	s29 =	simm.s32 $0xA;
	_ =	strace $0x8000004E  }
0xc1: {  	_ =	swait.ge [sflag:s29], $0x1  }
0xc2: {  	[sflag:s29] =	ssyncadd.s32 $0xFFFFFFFF  }
0xc3: {  	_ =	strace $0x9000004E  }
0xc4: {  	_ =	sfence  }
0xc5: {  	s30 =	sld [smem:$0x0];
	_ =	sdelay $0x2  }
0xc6: {  	s31 =	sshll.u32 s1, $0xD;
	s1 =	sshrl.u32 s1, $0x2  }
0xc7: {  	s4 =	sand.u32 $0x4000, s31;
	s1 =	sadd.s32 s1, s30  }
0xc8: {  	s0 =	sor.u32 s4, s0;
	s1 =	sshll.u32 s1, $0x11  }
0xc9: {  	s0 =	sor.u32 s1, s0  }
0xca: {  	s0 =	sadd.s32 $0x8F2B, s0  }
0xcb: {  	[sflag:s0] =	ssyncadd.remote.s32 $0x1  }
0xcc: {  	_ =	sfence.sel $0xFFFF  }
0xcd: {  	[dreg:$0x0] =	wrdreg $0xFFFFFFFF;
	(pc) =	sbr.abs _section_cstart, $3  }
0xce: {  	[dreg:$0x1] =	wrdreg $0xFFFFFFFF  }
0xcf: {  	_ =	task.clear_ibuf [dreg:s22], $0x2FFFF;
	_ =	strace $0x9FFFFFFF  }
0xd0: {  	(tm) =	ssettm $0x7FFFFFFF  }
0xd1: {  	_ =	shalt  }
tec
execute0_lowered:
.L_overlay_start_1:
0x0: {  	(tag) =	ssettag $0x1  }
0x1: {  	s1 =	srdreg.scid  }
0x2: {  	s0 =	stileid.u32;
	s4 =	sand.u32 $0x1, s1  }
0x3: {  	s2 =	sshll.u32 s0, $0xB;
	s3 =	sshll.u32 s4, $0xA  }
0x4: {  	s1 =	rddreg [dreg:$0x0];
	s3 =	sor.u32 s3, s2;
	s2 =	simm.s32 $0x0  }
0x5: {  	s20 =	simm.s32 $0x900;
	[smem:$0x7FF] =	sst s2  }
0x6: {  	s21 =	simm.s32 $0x1100;
	_ =	strace $0x8000004D;
	[dreg:$0x3] =	wrdreg s20  }
0x7: {  	s22 =	simm.s32 $0x1500;
	[dreg:$0x4] =	wrdreg s21  }
0x8: {  	s23 =	simm.s32 $0x1D00;
	[dreg:$0x5] =	wrdreg s22  }
0x9: {  	s24 =	simm.s32 $0x2500;
	[dreg:$0x6] =	wrdreg s23  }
0xa: {  	s25 =	simm.s32 $0x2900;
	[dreg:$0x7] =	wrdreg s24  }
0xb: {  	s26 =	simm.s32 $0x3100;
	[dreg:$0x8] =	wrdreg s25  }
0xc: {  	s30 =	simm.s32 $0x3900;
	[dreg:$0x9] =	wrdreg s26  }
0xd: {  	s31 =	simm.s32 $0x3D00;
	[dreg:$0xa] =	wrdreg s30  }
0xe: {  	s0 =	simm.s32 $0x4500;
	[dreg:$0xb] =	wrdreg s31  }
0xf: {  	s6 =	simm.s32 $0x4D00;
	[dreg:$0xc] =	wrdreg s0  }
0x10: {  	s7 =	simm.s32 $0x5100;
	[dreg:$0xd] =	wrdreg s6  }
0x11: {  	s8 =	simm.s32 $0x5900;
	[dreg:$0xe] =	wrdreg s7  }
0x12: {  	s9 =	simm.s32 $0x6100;
	[dreg:$0xf] =	wrdreg s8  }
0x13: {  	s10 =	simm.s32 $0x6500;
	[dreg:$0x10] =	wrdreg s9  }
0x14: {  	s11 =	simm.s32 $0x6D00;
	[dreg:$0x11] =	wrdreg s10  }
0x15: {  	s12 =	simm.s32 $0x7500;
	[dreg:$0x12] =	wrdreg s11  }
0x16: {  	s13 =	simm.s32 $0x7900;
	[dreg:$0x13] =	wrdreg s12  }
0x17: {  	s14 =	simm.s32 $0x8100;
	[dreg:$0x14] =	wrdreg s13  }
0x18: {  	s15 =	simm.s32 $0x8900;
	s16 =	simm.s32 $0x8D00;
	[dreg:$0x15] =	wrdreg s14  }
0x19: {  	s17 =	simm.s32 $0x9500;
	s18 =	simm.s32 $0x9D00;
	[dreg:$0x16] =	wrdreg s15  }
0x1a: {  	s19 =	simm.s32 $0x80;
	s28 =	simm.s32 $0x2;
	[dreg:$0x17] =	wrdreg s16  }
0x1b: {  	s29 =	simm.s32 $0x0;
	s3 =	sshrl.u32 s3, $0x3;
	[dreg:$0x18] =	wrdreg s17  }
0x1c: {  	s4 =	ssub.s32 $0x2, s4;
	s5 =	sadd.s32 s3, s1;
	[dreg:$0x19] =	wrdreg s18  }
0x1d: {  	s6 =	smul.u32 $0x280, s3;
	s3 =	sadd.s32 $0x37200, s1;
	[dreg:$0x1a] =	wrdreg s19  }
0x1e: {  	s20 =	simm.s32 $0xA900;
	s21 =	sshrl.u32 s4, $0x1;
	s22 =	simm.s32 $0xB100  }
0x1f: {  	s23 =	simm.s32 $0xB500;
	s8 =	simm.s32 $0xBD00;
	s24 =	simm.s32 $0xC500  }
0x20: {  	s26 =	simm.s32 $0xC900;
	s30 =	simm.s32 $0xD100;
	[dreg:$0x1b] =	wrdreg s20  }
0x21: {  	s31 =	simm.s32 $0xD900;
	s9 =	simm.s32 $0x100;
	[dreg:$0x1c] =	wrdreg s22  }
0x22: {  	s10 =	simm.s32 $0xA100;
	s11 =	simm.s32 $0xDD00;
	[dreg:$0x1d] =	wrdreg s23  }
0x23: {  	s12 =	simm.s32 $0xE500;
	s13 =	simm.s32 $0xED00;
	[dreg:$0x1e] =	wrdreg s8  }
0x24: {  	s14 =	simm.s32 $0xF100;
	s15 =	simm.s32 $0xF900;
	[dreg:$0x1f] =	wrdreg s24  }
0x25: {  	s16 =	simm.s32 $0x10100;
	s17 =	simm.s32 $0x10500;
	[smem:$0x7FB] =	sst s26  }
0x26: {  	s18 =	simm.s32 $0x10D00;
	s19 =	simm.s32 $0x11500;
	[smem:$0x7FC] =	sst s30  }
0x27: {  	s5 =	sadd.s32 $0x6200, s5;
	s8 =	simm.s32 $0x3;
	[smem:$0x7FD] =	sst s31  }
0x28: {  	s20 =	simm.s32 $0x11900;
	s22 =	simm.s32 $0x12900;
	s23 =	simm.s32 $0x12D00  }
0x29: {  	s24 =	simm.s32 $0x13500;
	s26 =	simm.s32 $0x1;
	[dreg:$0x2] =	wrdreg s5  }
0x2a: {  	v2 =	vlaneseq.u32;
	s7 =	sadd.s32 s6, s1;
	s6 =	ssub.s32 s4, s21;
	s4 =	sadd.s32 $0x37300, s1  }
0x2b: {  	vm0 =	vmmov $0xffff;
	vm1 =	vmmov $0xff;
	v1 =	vshrl.u32 v2, $0x3;
	s5 =	sadd.s32 $0x37400, s1;
	s21 =	simm.s32 $0x12100;
	s25 =	smax.u32 s6, $0x1  }
0x2c: {  	v0 =	vand.u32 $0x7, v2;
	v2 =	vor.u32 $0x8, v2;
	v1 =	vmul.u32 $0x8, v1;
	s7 =	sadd.s32 $0x5D9600, s7;
	[smem:$0x7FA] =	sst s25;
	s25 =	simm.s32 $0x13D00  }
.LBB2_1:
0x2d: {  	s30 =	smov.u32 s7;
	s31 =	simm.s32 $0x0  }
.LBB2_2:
0x2e: {  	s1 =	rddreg [dreg:$0x2]  }
0x2f: {  	s1 =	sadd.s32 s31, s1  }
0x30: {  	[tilespmem:s2], [sflag:$0x3] =	stream.linear.gather [hbm4b:s1+s2], $0x40, $0x38;
	[tilespmem:$0x14100] =	vst v63  }
0x31: {  	_ =	swait.ge [sflag:s8], $0x40  }
0x32: {  	[sflag:s8] =	ssyncset.done $0x0  }
0x33: {  	[sflag:s8] =	ssyncadd.s32 $0xFFFFFFC0  }
0x34: {  	v3 =	vld [tilespmem:$0x0];
	_ =	sdelay $0x4  }
0x35: {  	v4 =	vshrl.u32 v3, $0x3  }
0x36: {  	v4 =	vmul.u32 $0x28, v4  }
0x37: {  	v3 =	vand.u32 $0x7, v3  }
0x38: {  	v3 =	vor.u32 v3, v4  }
0x39: {  	v4 =	vperm.xlane v3, v0;
	_ =	sdelay $0x1  }
0x3a: {  	v4 =	vadd.s32 v1, v4;
	_ =	sdelay $0x3  }
0x3b: {  	v3 =	vperm.xlane v3, v2  }
0x3c: {  	[tilespmem:s9], [sflag:$0x1] =	stream.indirect_vreg.gather [hbm4b:s3+s2], $0x80, v4, vm0, $0xb8;
	[tilespmem:$0x14100] =	vst v63  }
0x3d: {  	s0 =	rddreg [dreg:$0x3];
	v3 =	vadd.s32 v1, v3  }
0x3e: {  	[tilespmem:s0], [sflag:$0x1] =	stream.indirect_vreg.gather [hbm4b:s4+s2], $0x80, v4, vm0, $0xb8;
	[tilespmem:$0x14100] =	vst v63  }
0x3f: {  	s6 =	rddreg [dreg:$0x4]  }
0x40: {  	[tilespmem:s6], [sflag:$0x1] =	stream.indirect_vreg.gather [hbm4b:s5+s2], $0x80, v4, vm1, $0xb8;
	[tilespmem:$0x14100] =	vst v63  }
0x41: {  	s0 =	rddreg [dreg:$0x5]  }
0x42: {  	[tilespmem:s0], [sflag:$0x1] =	stream.indirect_vreg.gather [hbm4b:s3+s2], $0x80, v3, vm0, $0xb8;
	[tilespmem:$0x14100] =	vst v63  }
0x43: {  	s6 =	rddreg [dreg:$0x6]  }
0x44: {  	[tilespmem:s6], [sflag:$0x1] =	stream.indirect_vreg.gather [hbm4b:s4+s2], $0x80, v3, vm0, $0xb8;
	[tilespmem:$0x14100] =	vst v63  }
0x45: {  	s0 =	rddreg [dreg:$0x7]  }
0x46: {  	[tilespmem:s0], [sflag:$0x1] =	stream.indirect_vreg.gather [hbm4b:s5+s2], $0x80, v3, vm1, $0xb8;
	[tilespmem:$0x14100] =	vst v63  }
0x47: {  	v3 =	vld [tilespmem:$0x10];
	_ =	sdelay $0x4  }
0x48: {  	v57 =	vshrl.u32 v3, $0x3  }
0x49: {  	v4 =	vmul.u32 $0x28, v57  }
0x4a: {  	v3 =	vand.u32 $0x7, v3  }
0x4b: {  	v3 =	vor.u32 v3, v4  }
0x4c: {  	v4 =	vperm.xlane v3, v0;
	_ =	sdelay $0x1  }
0x4d: {  	v4 =	vadd.s32 v1, v4;
	_ =	sdelay $0x3  }
0x4e: {  	s0 =	rddreg [dreg:$0x8];
	v3 =	vperm.xlane v3, v2  }
0x4f: {  	[tilespmem:s0], [sflag:$0x1] =	stream.indirect_vreg.gather [hbm4b:s3+s2], $0x80, v4, vm0, $0xb8;
	[tilespmem:$0x14100] =	vst v63  }
0x50: {  	s6 =	rddreg [dreg:$0x9];
	v3 =	vadd.s32 v1, v3  }
0x51: {  	[tilespmem:s6], [sflag:$0x1] =	stream.indirect_vreg.gather [hbm4b:s4+s2], $0x80, v4, vm0, $0xb8;
	[tilespmem:$0x14100] =	vst v63  }
0x52: {  	s0 =	rddreg [dreg:$0xa]  }
0x53: {  	[tilespmem:s0], [sflag:$0x1] =	stream.indirect_vreg.gather [hbm4b:s5+s2], $0x80, v4, vm1, $0xb8;
	[tilespmem:$0x14100] =	vst v63  }
0x54: {  	s6 =	rddreg [dreg:$0xb]  }
0x55: {  	[tilespmem:s6], [sflag:$0x1] =	stream.indirect_vreg.gather [hbm4b:s3+s2], $0x80, v3, vm0, $0xb8;
	[tilespmem:$0x14100] =	vst v63  }
0x56: {  	s0 =	rddreg [dreg:$0xc]  }
0x57: {  	[tilespmem:s0], [sflag:$0x1] =	stream.indirect_vreg.gather [hbm4b:s4+s2], $0x80, v3, vm0, $0xb8;
	[tilespmem:$0x14100] =	vst v63  }
0x58: {  	s6 =	rddreg [dreg:$0xd]  }
0x59: {  	[tilespmem:s6], [sflag:$0x1] =	stream.indirect_vreg.gather [hbm4b:s5+s2], $0x80, v3, vm1, $0xb8;
	[tilespmem:$0x14100] =	vst v63  }
0x5a: {  	v3 =	vld [tilespmem:$0x20];
	_ =	sdelay $0x4  }
0x5b: {  	v58 =	vshrl.u32 v3, $0x3  }
0x5c: {  	v4 =	vmul.u32 $0x28, v58  }
0x5d: {  	v3 =	vand.u32 $0x7, v3  }
0x5e: {  	v3 =	vor.u32 v3, v4  }
0x5f: {  	v4 =	vperm.xlane v3, v0;
	_ =	sdelay $0x1  }
0x60: {  	v4 =	vadd.s32 v1, v4;
	_ =	sdelay $0x3  }
0x61: {  	s0 =	rddreg [dreg:$0xe];
	v3 =	vperm.xlane v3, v2  }
0x62: {  	[tilespmem:s0], [sflag:$0x1] =	stream.indirect_vreg.gather [hbm4b:s3+s2], $0x80, v4, vm0, $0xb8;
	[tilespmem:$0x14100] =	vst v63  }
0x63: {  	s6 =	rddreg [dreg:$0xf];
	v3 =	vadd.s32 v1, v3  }
0x64: {  	[tilespmem:s6], [sflag:$0x1] =	stream.indirect_vreg.gather [hbm4b:s4+s2], $0x80, v4, vm0, $0xb8;
	[tilespmem:$0x14100] =	vst v63  }
0x65: {  	s0 =	rddreg [dreg:$0x10]  }
0x66: {  	[tilespmem:s0], [sflag:$0x1] =	stream.indirect_vreg.gather [hbm4b:s5+s2], $0x80, v4, vm1, $0xb8;
	[tilespmem:$0x14100] =	vst v63  }
0x67: {  	s6 =	rddreg [dreg:$0x11]  }
0x68: {  	[tilespmem:s6], [sflag:$0x1] =	stream.indirect_vreg.gather [hbm4b:s3+s2], $0x80, v3, vm0, $0xb8;
	[tilespmem:$0x14100] =	vst v63  }
0x69: {  	s0 =	rddreg [dreg:$0x12]  }
0x6a: {  	[tilespmem:s0], [sflag:$0x1] =	stream.indirect_vreg.gather [hbm4b:s4+s2], $0x80, v3, vm0, $0xb8;
	[tilespmem:$0x14100] =	vst v63  }
0x6b: {  	s6 =	rddreg [dreg:$0x13]  }
0x6c: {  	[tilespmem:s6], [sflag:$0x1] =	stream.indirect_vreg.gather [hbm4b:s5+s2], $0x80, v3, vm1, $0xb8;
	[tilespmem:$0x14100] =	vst v63  }
0x6d: {  	v3 =	vld [tilespmem:$0x30];
	_ =	sdelay $0x4  }
0x6e: {  	v59 =	vshrl.u32 v3, $0x3  }
0x6f: {  	v4 =	vmul.u32 $0x28, v59  }
0x70: {  	v3 =	vand.u32 $0x7, v3  }
0x71: {  	v3 =	vor.u32 v3, v4  }
0x72: {  	v4 =	vperm.xlane v3, v0;
	_ =	sdelay $0x1  }
0x73: {  	v4 =	vadd.s32 v1, v4;
	_ =	sdelay $0x3  }
0x74: {  	s0 =	rddreg [dreg:$0x14];
	v3 =	vperm.xlane v3, v2  }
0x75: {  	[tilespmem:s0], [sflag:$0x1] =	stream.indirect_vreg.gather [hbm4b:s3+s2], $0x80, v4, vm0, $0xb8;
	[tilespmem:$0x14100] =	vst v63  }
0x76: {  	s6 =	rddreg [dreg:$0x15];
	v3 =	vadd.s32 v1, v3  }
0x77: {  	[tilespmem:s6], [sflag:$0x1] =	stream.indirect_vreg.gather [hbm4b:s4+s2], $0x80, v4, vm0, $0xb8;
	[tilespmem:$0x14100] =	vst v63  }
0x78: {  	s0 =	rddreg [dreg:$0x16]  }
0x79: {  	[tilespmem:s0], [sflag:$0x1] =	stream.indirect_vreg.gather [hbm4b:s5+s2], $0x80, v4, vm1, $0xb8;
	[tilespmem:$0x14100] =	vst v63  }
0x7a: {  	s6 =	rddreg [dreg:$0x17]  }
0x7b: {  	[tilespmem:s6], [sflag:$0x1] =	stream.indirect_vreg.gather [hbm4b:s3+s2], $0x80, v3, vm0, $0xb8;
	[tilespmem:$0x14100] =	vst v63  }
0x7c: {  	s0 =	rddreg [dreg:$0x18]  }
0x7d: {  	[tilespmem:s0], [sflag:$0x1] =	stream.indirect_vreg.gather [hbm4b:s4+s2], $0x80, v3, vm0, $0xb8;
	[tilespmem:$0x14100] =	vst v63  }
0x7e: {  	s6 =	rddreg [dreg:$0x19]  }
0x7f: {  	[tilespmem:s6], [sflag:$0x1] =	stream.indirect_vreg.gather [hbm4b:s5+s2], $0x80, v3, vm1, $0xb8;
	[tilespmem:$0x14100] =	vst v63  }
0x80: {  	s1 =	sadd.s32 $0x8, s1;
	s0 =	rddreg [dreg:$0x1a]  }
0x81: {  	[tilespmem:s0], [sflag:$0x3] =	stream.linear.gather [hbm4b:s1+s2], $0x40, $0x38;
	[tilespmem:$0x14100] =	vst v63  }
0x82: {  	_ =	swait.ge [sflag:s8], $0x40  }
0x83: {  	[sflag:s8] =	ssyncset.done $0x0  }
0x84: {  	[sflag:s8] =	ssyncadd.s32 $0xFFFFFFC0  }
0x85: {  	v3 =	vld [tilespmem:$0x80];
	_ =	sdelay $0x4  }
0x86: {  	v60 =	vshrl.u32 v3, $0x3  }
0x87: {  	v4 =	vmul.u32 $0x28, v60  }
0x88: {  	v3 =	vand.u32 $0x7, v3  }
0x89: {  	v3 =	vor.u32 v3, v4  }
0x8a: {  	v4 =	vperm.xlane v3, v0;
	_ =	sdelay $0x1  }
0x8b: {  	v4 =	vadd.s32 v1, v4;
	_ =	sdelay $0x3  }
0x8c: {  	v3 =	vperm.xlane v3, v2  }
0x8d: {  	[tilespmem:s10], [sflag:$0x2] =	stream.indirect_vreg.gather [hbm4b:s3+s2], $0x80, v4, vm0, $0xb8;
	[tilespmem:$0x14100] =	vst v63  }
0x8e: {  	s6 =	rddreg [dreg:$0x1b];
	v3 =	vadd.s32 v1, v3  }
0x8f: {  	[tilespmem:s6], [sflag:$0x2] =	stream.indirect_vreg.gather [hbm4b:s4+s2], $0x80, v4, vm0, $0xb8;
	[tilespmem:$0x14100] =	vst v63  }
0x90: {  	s1 =	rddreg [dreg:$0x1c]  }
0x91: {  	[tilespmem:s1], [sflag:$0x2] =	stream.indirect_vreg.gather [hbm4b:s5+s2], $0x80, v4, vm1, $0xb8;
	[tilespmem:$0x14100] =	vst v63  }
0x92: {  	s6 =	rddreg [dreg:$0x1d]  }
0x93: {  	[tilespmem:s6], [sflag:$0x2] =	stream.indirect_vreg.gather [hbm4b:s3+s2], $0x80, v3, vm0, $0xb8;
	[tilespmem:$0x14100] =	vst v63  }
0x94: {  	s1 =	rddreg [dreg:$0x1e]  }
0x95: {  	[tilespmem:s1], [sflag:$0x2] =	stream.indirect_vreg.gather [hbm4b:s4+s2], $0x80, v3, vm0, $0xb8;
	[tilespmem:$0x14100] =	vst v63  }
0x96: {  	s6 =	rddreg [dreg:$0x1f]  }
0x97: {  	[tilespmem:s6], [sflag:$0x2] =	stream.indirect_vreg.gather [hbm4b:s5+s2], $0x80, v3, vm1, $0xb8;
	[tilespmem:$0x14100] =	vst v63  }
0x98: {  	v3 =	vld [tilespmem:$0x90];
	_ =	sdelay $0x4  }
0x99: {  	v61 =	vshrl.u32 v3, $0x3  }
0x9a: {  	v4 =	vmul.u32 $0x28, v61  }
0x9b: {  	v3 =	vand.u32 $0x7, v3  }
0x9c: {  	v3 =	vor.u32 v3, v4  }
0x9d: {  	v4 =	vperm.xlane v3, v0;
	_ =	sdelay $0x1  }
0x9e: {  	v4 =	vadd.s32 v1, v4;
	_ =	sdelay $0x1  }
0x9f: {  	s6 =	sld [smem:$0x7FB];
	_ =	sdelay $0x1  }
0xa0: {  	s1 =	sld [smem:$0x7FC];
	v3 =	vperm.xlane v3, v2  }
0xa1: {  	[tilespmem:s6], [sflag:$0x2] =	stream.indirect_vreg.gather [hbm4b:s3+s2], $0x80, v4, vm0, $0xb8;
	[tilespmem:$0x14100] =	vst v63  }
0xa2: {  	v3 =	vadd.s32 v1, v3;
	s6 =	sld [smem:$0x7FD]  }
0xa3: {  	[tilespmem:s1], [sflag:$0x2] =	stream.indirect_vreg.gather [hbm4b:s4+s2], $0x80, v4, vm0, $0xb8;
	[tilespmem:$0x14100] =	vst v63  }
0xa4: {  	_ = 	snop  }
0xa5: {  	[tilespmem:s6], [sflag:$0x2] =	stream.indirect_vreg.gather [hbm4b:s5+s2], $0x80, v4, vm1, $0xb8;
	[tilespmem:$0x14100] =	vst v63  }
0xa6: {  	_ = 	snop  }
0xa7: {  	[tilespmem:s11], [sflag:$0x2] =	stream.indirect_vreg.gather [hbm4b:s3+s2], $0x80, v3, vm0, $0xb8;
	[tilespmem:$0x14100] =	vst v63  }
0xa8: {  	_ = 	snop  }
0xa9: {  	[tilespmem:s12], [sflag:$0x2] =	stream.indirect_vreg.gather [hbm4b:s4+s2], $0x80, v3, vm0, $0xb8;
	[tilespmem:$0x14100] =	vst v63  }
0xaa: {  	_ = 	snop  }
0xab: {  	[tilespmem:s13], [sflag:$0x2] =	stream.indirect_vreg.gather [hbm4b:s5+s2], $0x80, v3, vm1, $0xb8;
	[tilespmem:$0x14100] =	vst v63  }
0xac: {  	v3 =	vld [tilespmem:$0xA0];
	_ =	sdelay $0x4  }
0xad: {  	v62 =	vshrl.u32 v3, $0x3  }
0xae: {  	v4 =	vmul.u32 $0x28, v62  }
0xaf: {  	v3 =	vand.u32 $0x7, v3  }
0xb0: {  	v3 =	vor.u32 v3, v4  }
0xb1: {  	v4 =	vperm.xlane v3, v0;
	_ =	sdelay $0x1  }
0xb2: {  	v4 =	vadd.s32 v1, v4;
	_ =	sdelay $0x3  }
0xb3: {  	v3 =	vperm.xlane v3, v2  }
0xb4: {  	[tilespmem:s14], [sflag:$0x2] =	stream.indirect_vreg.gather [hbm4b:s3+s2], $0x80, v4, vm0, $0xb8;
	[tilespmem:$0x14100] =	vst v63  }
0xb5: {  	v3 =	vadd.s32 v1, v3  }
0xb6: {  	[tilespmem:s15], [sflag:$0x2] =	stream.indirect_vreg.gather [hbm4b:s4+s2], $0x80, v4, vm0, $0xb8;
	[tilespmem:$0x14100] =	vst v63  }
0xb7: {  	_ = 	snop  }
0xb8: {  	[tilespmem:s16], [sflag:$0x2] =	stream.indirect_vreg.gather [hbm4b:s5+s2], $0x80, v4, vm1, $0xb8;
	[tilespmem:$0x14100] =	vst v63  }
0xb9: {  	_ = 	snop  }
0xba: {  	[tilespmem:s17], [sflag:$0x2] =	stream.indirect_vreg.gather [hbm4b:s3+s2], $0x80, v3, vm0, $0xb8;
	[tilespmem:$0x14100] =	vst v63  }
0xbb: {  	_ = 	snop  }
0xbc: {  	[tilespmem:s18], [sflag:$0x2] =	stream.indirect_vreg.gather [hbm4b:s4+s2], $0x80, v3, vm0, $0xb8;
	[tilespmem:$0x14100] =	vst v63  }
0xbd: {  	_ = 	snop  }
0xbe: {  	[tilespmem:s19], [sflag:$0x2] =	stream.indirect_vreg.gather [hbm4b:s5+s2], $0x80, v3, vm1, $0xb8;
	[tilespmem:$0x14100] =	vst v63  }
0xbf: {  	v3 =	vld [tilespmem:$0xB0];
	_ =	sdelay $0x4  }
0xc0: {  	v63 =	vshrl.u32 v3, $0x3  }
0xc1: {  	v4 =	vmul.u32 $0x28, v63  }
0xc2: {  	v3 =	vand.u32 $0x7, v3  }
0xc3: {  	v3 =	vor.u32 v3, v4  }
0xc4: {  	v4 =	vperm.xlane v3, v0;
	_ =	sdelay $0x1  }
0xc5: {  	v4 =	vadd.s32 v1, v4;
	_ =	sdelay $0x3  }
0xc6: {  	v3 =	vperm.xlane v3, v2  }
0xc7: {  	[tilespmem:s20], [sflag:$0x2] =	stream.indirect_vreg.gather [hbm4b:s3+s2], $0x80, v4, vm0, $0xb8;
	[tilespmem:$0x14100] =	vst v63  }
0xc8: {  	v3 =	vadd.s32 v1, v3  }
0xc9: {  	[tilespmem:s21], [sflag:$0x2] =	stream.indirect_vreg.gather [hbm4b:s4+s2], $0x80, v4, vm0, $0xb8;
	[tilespmem:$0x14100] =	vst v63  }
0xca: {  	_ = 	snop  }
0xcb: {  	[tilespmem:s22], [sflag:$0x2] =	stream.indirect_vreg.gather [hbm4b:s5+s2], $0x80, v4, vm1, $0xb8;
	[tilespmem:$0x14100] =	vst v63  }
0xcc: {  	_ = 	snop  }
0xcd: {  	[tilespmem:s23], [sflag:$0x2] =	stream.indirect_vreg.gather [hbm4b:s3+s2], $0x80, v3, vm0, $0xb8;
	[tilespmem:$0x14100] =	vst v63  }
0xce: {  	_ = 	snop  }
0xcf: {  	[tilespmem:s24], [sflag:$0x2] =	stream.indirect_vreg.gather [hbm4b:s4+s2], $0x80, v3, vm0, $0xb8;
	[tilespmem:$0x14100] =	vst v63  }
0xd0: {  	_ = 	snop  }
0xd1: {  	[tilespmem:s25], [sflag:$0x2] =	stream.indirect_vreg.gather [hbm4b:s5+s2], $0x80, v3, vm1, $0xb8;
	[tilespmem:$0x14100] =	vst v63  }
0xd2: {  	_ =	swait.ge [sflag:s26], $0xA000  }
0xd3: {  	[sflag:s26] =	ssyncset.done $0x0  }
0xd4: {  	s6 =	sadd.s32 $0xFFFFEC00, s30;
	[sflag:s26] =	ssyncadd.s32 $0xFFFF6000  }
0xd5: {  	[hbm4b:s6+s2] =	stream.linear.scatter [tilespmem:s9], [sflag:$0x3], $0xA000, $0x38;
	[tilespmem:$0x14100] =	vst v63  }
0xd6: {  	_ =	swait.ge [sflag:s8], $0xA000  }
0xd7: {  	[sflag:s8] =	ssyncset.done $0x0  }
0xd8: {  	[sflag:s8] =	ssyncadd.s32 $0xFFFF6000  }
0xd9: {  	_ =	swait.ge [sflag:s28], $0xA000  }
0xda: {  	p0 =	sne.s32 s31, $0x70;
	[sflag:s28] =	ssyncset.done $0x0  }
.Ltmp0:
0xdb: {  	[sflag:s28] =	ssyncadd.s32 $0xFFFF6000;
	(pc) =	sbr.rel @p0 .LBB2_2-.Ltmp0, $4  }
0xdc: {  	[hbm4b:s30+s2] =	stream.linear.scatter [tilespmem:s10], [sflag:$0x3], $0xA000, $0x38;
	[tilespmem:$0x14100] =	vst v63  }
0xdd: {  	_ =	swait.ge [sflag:s8], $0xA000  }
0xde: {  	[sflag:s8] =	ssyncset.done $0x0  }
0xdf: {  	s31 =	sadd.s32 $0x10, s31;
	s30 =	sadd.s32 $0x2800, s30;
	[sflag:s8] =	ssyncadd.s32 $0xFFFF6000  }
0xe0: {  	s0 =	sld [smem:$0x7FA];
	_ =	sdelay $0x1  }
0xe1: {  	s29 =	sadd.s32 $0x1, s29  }
0xe2: {  	p0 =	sne.s32 s29, s0  }
.Ltmp1:
0xe3: {  	_ = 	snop;
	(pc) =	sbr.rel @p0 .LBB2_1-.Ltmp1, $1  }
0xe4: {  	_ =	sdelay $0x3  }
0xe5: {  	_ =	sfence.sel $0x180000  }
0xe6: {  	[bflag:$0x0] =	sbarrier.arrive $0xFFFF  }
0xe7: {  	_ =	strace $0x9000004D  }
0xe8: {  	s0 =	stileid.u32;
	[bflag:$0x2] =	sbarrier.arrive $0xFFFF  }
0xe9: {  	p0 =	sne.s32 s0, $0x0;
	s0 =	rddreg [dreg:$0x1]  }
0xea: {  	s0 =	sadd.s32 @!p0 $0x100000, s0  }
0xeb: {  	[sflag:s0] =	ssyncadd.tile.s32 @!p0 $0x1;
	_ =	shalt  }
.Lfunc_end2:
_tile_overlayer_lowered:
.L_overlay_start_2:
0xec: {  	(tag) =	ssettag $0x2  }
0xed: {  	s0 =	rddreg [dreg:$0x0];
	s2 =	stileid.u32  }
0xee: {  	s1 =	rddreg [dreg:$0x1];
	p0 =	sne.s32 s2, $0x0  }
0xef: {  	s3 =	rddreg [dreg:$0x2];
	[bflag:$0x3] =	sbarrier.arrive $0xFFFF;
	s2 =	simm.s32 @!p0 $0x1C03  }
0xf0: {  	[timem:s3], [sflag:s2] =	dma.local @!p0 [hbm:s0], s1  }
0xf1: {  	s0 =	simm.s32 @!p0 $0x3  }
0xf2: {  	_ =	swait.ge @!p0 [sflag:s0], s1  }
0xf3: {  	s1 =	ssub.s32 @!p0 $0x0, s1;
	[sflag:s0] =	ssyncset.done @!p0 $0x0  }
0xf4: {  	[sflag:s0] =	ssyncadd.s32 @!p0 s1  }
0xf5: {  	[bflag:$0x3] =	sbarrier.arrive $0xFFFF  }
0xf6: {  	_ =	shalt  }

// kernel: kernel.20.cloned.1.call-start
scs
__scs_entry_jumppad:
0x0: {  	(pc) =	sbr.rel $0x88, $3  }
0x1: {  	(tag) =	ssettag $0x0;
	lr =	simm.s32 $0x1  }
0x2: {  	[smem:$0x3F94] =	sst lr;
	_ =	strace $0xD0000000  }
0x3: {  	_ = 	snop  }
0x4: {  	_ = 	snop  }
0x5: {  	_ = 	snop  }
0x6: {  	_ = 	snop  }
0x7: {  	_ = 	snop  }
__scs_overlays_trampoline_lowered:
0x8: {  	[smem:$0x3FA3] =	sst s0  }
0x9: {  	[smem:$0x3FA4] =	sst s1  }
0xa: {  	[smem:$0x3FA5] =	sst s2  }
0xb: {  	[smem:$0x3FA6] =	sst s3  }
0xc: {  	[smem:$0x3FA7] =	sst s4  }
0xd: {  	[smem:$0x3FA8] =	sst s5  }
0xe: {  	[smem:$0x3FA9] =	sst s6  }
0xf: {  	[smem:$0x3FAA] =	sst s7  }
0x10: {  	[smem:$0x3FAB] =	sst s8  }
0x11: {  	[smem:$0x3FAC] =	sst s9;
	s0 =	simm.s32 @!p0 $0x0  }
0x12: {  	s1 =	sld [smem:$0x3F92];
	s0 =	simm.s32 @p0 $0x1  }
0x13: {  	[smem:$0x3FAD] =	sst s0;
	s0 =	simm.s32 @!p1 $0x0  }
0x14: {  	s2 =	sld [smem:$0x3F91];
	s0 =	simm.s32 @p1 $0x1  }
0x15: {  	[smem:$0x3FAE] =	sst s0;
	s0 =	simm.s32 @!p2 $0x0  }
0x16: {  	s3 =	sld [smem:$0x3FDB];
	s0 =	simm.s32 @p2 $0x1  }
0x17: {  	s4 =	simm.s32 $0x1BF5;
	[smem:$0x3FB0] =	sst s0  }
0x18: {  	s0 =	sld [smem:$0x3F93];
	_ =	swait.ge [sflag:s4], $0x0  }
0x19: {  	s7 =	sld [smem:$0x3F94]  }
0x1a: {  	s8 =	sadd.s32 $0xFFFFE003, lr  }
0x1b: {  	s9 =	sadd.s32 $0xFFFFFEF7, lr;
	s5 =	simm.s32 $0xFFFFFFFF;
	p2 =	slt.u32 s8, $0xFFFFF086  }
0x1c: {  	p1 =	slt.u32 s9, $0xF7A;
	s5 =	simm.s32 @!p2 $0x0  }
0x1d: {  	s5 =	simm.s32 @p1 $0x1;
	p0 =	seq.s32 s7, s2  }
0x1e: {  	s7 =	smul.u32 @!p0 $0xF7A, s2;
	p2 =	seq.s32 @!p0 s5, $0x0  }
0x1f: {  	s9 =	smul.u32 $0xF7A, s1;
	s8 =	simm.s32 @!p0 $0x1BF5;
	p2 =	por !p2, p0  }
0x20: {  	[sflag:s8] =	ssyncset.s32 @!p0 $0xFFFFF086;
	s6 =	sadd.s32 @!p0 s3, s7;
	s7 =	simm.s32 @!p0 $0x108  }
0x21: {  	s3 =	sadd.s32 s3, s9;
	s6 =	sadd.s32 @!p0 $0x88, s6;
	s7 =	simm.s32 @p2 $0x1082  }
0x22: {  	[simem:s7], [sflag:s8] =	dma.local @!p0 [hbm:s6], $0xF7A  }
0x23: {  	s9 =	sor.u32 $0xD0000000, s2;
	s6 =	simm.s32 $0x108;
	_ =	swait.ge @!p0 [sflag:s8], $0x0  }
0x24: {  	s3 =	sadd.s32 $0x88, s3;
	s6 =	simm.s32 @!p1 $0x1082;
	[sflag:s4] =	ssyncset.s32 $0xFFFFF086  }
0x25: {  	[simem:s6], [sflag:s4] =	dma.local [hbm:s3], $0xF7A  }
0x26: {  	[smem:$0x3F94] =	sst s1;
	(tag) =	ssettag s2;
	_ =	strace s9  }
0x27: {  	s1 =	sld [smem:$0x3FA4]  }
0x28: {  	s2 =	sld [smem:$0x3FA5]  }
0x29: {  	s4 =	sld [smem:$0x3FA7]  }
0x2a: {  	p0 =	seq.s32 s5, $0x0;
	s5 =	sld [smem:$0x3FA8]  }
0x2b: {  	s6 =	sld [smem:$0x3FA9]  }
0x2c: {  	s7 =	sld [smem:$0x3FAA]  }
0x2d: {  	s3 =	simm.s32 $0x108;
	s8 =	sld [smem:$0x3FAB]  }
0x2e: {  	s3 =	simm.s32 @!p0 $0x1082;
	s9 =	sld [smem:$0x3FAC]  }
0x2f: {  	lr =	sadd.s32 s0, s3;
	s0 =	sld [smem:$0x3FA3]  }
0x30: {  	s3 =	sld [smem:$0x3FA6]  }
0x31: {  	[smem:$0x3FAF] =	sst s10  }
0x32: {  	s10 =	sld [smem:$0x3FAD];
	_ =	sdelay $0x3  }
0x33: {  	p0 =	seq.s32 s10, $0x1;
	s10 =	sld [smem:$0x3FAF];
	_ =	sdelay $0x3  }
0x34: {  	[smem:$0x3FAF] =	sst s10  }
0x35: {  	s10 =	sld [smem:$0x3FAE];
	_ =	sdelay $0x3  }
0x36: {  	p1 =	seq.s32 s10, $0x1;
	s10 =	sld [smem:$0x3FAF];
	_ =	sdelay $0x3  }
0x37: {  	[smem:$0x3FAF] =	sst s10  }
0x38: {  	s10 =	sld [smem:$0x3FB0]  }
0x39: {  	_ = 	snop;
	(pc) =	sbr.ind lr, $3  }
0x3a: {  	_ = 	snop  }
0x3b: {  	_ = 	snop  }
0x3c: {  	p2 =	seq.s32 s10, $0x1;
	s10 =	sld [smem:$0x3FAF]  }
0x3d: {  	_ =	shalt  }
0x3e: {  	_ =	shalt  }
0x3f: {  	_ =	shalt  }
0x40: {  	_ =	shalt  }
0x41: {  	_ =	shalt  }
0x42: {  	_ =	shalt  }
0x43: {  	_ =	shalt  }
0x44: {  	_ =	shalt  }
0x45: {  	_ =	shalt  }
0x46: {  	_ =	shalt  }
0x47: {  	_ =	shalt  }
0x48: {  	_ =	shalt  }
0x49: {  	_ =	shalt  }
0x4a: {  	_ =	shalt  }
0x4b: {  	_ =	shalt  }
0x4c: {  	_ =	shalt  }
0x4d: {  	_ =	shalt  }
0x4e: {  	_ =	shalt  }
0x4f: {  	_ =	shalt  }
0x50: {  	_ =	shalt  }
0x51: {  	_ =	shalt  }
0x52: {  	_ =	shalt  }
0x53: {  	_ =	shalt  }
0x54: {  	_ =	shalt  }
0x55: {  	_ =	shalt  }
0x56: {  	_ =	shalt  }
0x57: {  	_ =	shalt  }
0x58: {  	_ =	shalt  }
0x59: {  	_ =	shalt  }
0x5a: {  	_ =	shalt  }
0x5b: {  	_ =	shalt  }
0x5c: {  	_ =	shalt  }
0x5d: {  	_ =	shalt  }
0x5e: {  	_ =	shalt  }
0x5f: {  	_ =	shalt  }
0x60: {  	_ =	shalt  }
0x61: {  	_ =	shalt  }
0x62: {  	_ =	shalt  }
0x63: {  	_ =	shalt  }
0x64: {  	_ =	shalt  }
0x65: {  	_ =	shalt  }
0x66: {  	_ =	shalt  }
0x67: {  	_ =	shalt  }
0x68: {  	_ =	shalt  }
0x69: {  	_ =	shalt  }
0x6a: {  	_ =	shalt  }
0x6b: {  	_ =	shalt  }
0x6c: {  	_ =	shalt  }
0x6d: {  	_ =	shalt  }
0x6e: {  	_ =	shalt  }
0x6f: {  	_ =	shalt  }
0x70: {  	_ =	shalt  }
0x71: {  	_ =	shalt  }
0x72: {  	_ =	shalt  }
0x73: {  	_ =	shalt  }
0x74: {  	_ =	shalt  }
0x75: {  	_ =	shalt  }
0x76: {  	_ =	shalt  }
0x77: {  	_ =	shalt  }
0x78: {  	_ =	shalt  }
0x79: {  	_ =	shalt  }
0x7a: {  	_ =	shalt  }
0x7b: {  	_ =	shalt  }
0x7c: {  	_ =	shalt  }
0x7d: {  	_ =	shalt  }
0x7e: {  	_ =	shalt  }
0x7f: {  	_ =	shalt  }
0x80: {  	_ =	shalt  }
0x81: {  	_ =	shalt  }
0x82: {  	_ =	shalt  }
0x83: {  	_ =	shalt  }
0x84: {  	_ =	shalt  }
0x85: {  	_ =	shalt  }
0x86: {  	_ =	shalt  }
0x87: {  	_ =	shalt  }
.Lfunc_end0:
.L_simem_size_0:
called_computation.2_lowered:
.L_overlay_start_0:
0x88: {  	s2 =	sld [smem:$0x3FD9]  }
0x89: {  	s3 =	sld [smem:$0x3FFE];
	_ =	sdelay $0x1  }
0x8a: {  	s1 =	srdreg.scid  }
0x8b: {  	s0 =	sand.u32 $0x1, s1  }
0x8c: {  	s17 =	sshll.u32 s0, $0xA;
	s2 =	sadd.s32 s3, s2  }
0x8d: {  	s2 =	sadd.s32 s2, s17  }
0x8e: {  	[smem:$0x3FBB] =	sst s2  }
0x8f: {  	_ = 	snop  }
0x90: {  	(tm) =	ssettm $0x1  }
0x91: {  	s18 =	sld [smem:$0x3FFB];
	_ =	sdelay $0x3  }
0x92: {  	_ =	strace s18  }
0x93: {  	s2 =	sld [smem:$0x3FFC];
	_ =	sdelay $0x3  }
0x94: {  	_ =	strace s2  }
0x95: {  	s2 =	sld [smem:$0x3FFD];
	_ =	sdelay $0x3  }
0x96: {  	_ =	strace s2  }
0x97: {  	_ =	strace $0x8FFFFFFF  }
0x98: {  	s19 =	sld [smem:$0x3FDB];
	_ =	sdelay $0x1  }
0x99: {  	s20 =	simm.s32 $_scs_section_size  }
0x9a: {  	s4 =	simm.s32 $_size__tile_overlayer_lowered;
	s5 =	simm.s32 $_tile_overlayer_lowered  }
0x9b: {  	s6 =	simm.s32 $0x1BFF;
	s21 =	sshll.u32 s5, $0x1;
	s3 =	sadd.s32 s20, s19  }
0x9c: {  	s22 =	simm.s32 $0x0;
	s4 =	sshll.u32 s4, $0x1;
	s5 =	sadd.s32 s21, s3  }
0x9d: {  	[timem:s22], [sflag:s6] =	dma.local [hbm:s5], s4  }
0x9e: {  	_ =	swait.ge [sflag:s6], s4  }
0x9f: {  	s4 =	ssub.s32 $0x0, s4;
	[sflag:s6] =	ssyncset.done $0x0  }
0xa0: {  	[sflag:s6] =	ssyncadd.s32 s4;
	_ =	sdelay $0x1  }
0xa1: {  	s23 =	simm.s32 $0x1B8B  }
0xa2: {  	_ =	swait.ge [sflag:s23], $0x1  }
0xa3: {  	[sflag:s23] =	ssyncset.done $0x0  }
0xa4: {  	[sflag:s23] =	ssyncadd.s32 $0xFFFFFFFF  }
0xa5: {  	s4 =	sld [smem:$0x0]  }
0xa6: {  	s5 =	sand.u32 $0xFFFFFFFE, s1  }
0xa7: {  	p0 =	sne.s32 s1, s5  }
0xa8: {  	s5 =	sshll.u32 @p0 s5, $0xE  }
0xa9: {  	s5 =	sadd.s32 @p0 $0x11B8D, s5;
	s6 =	sshll.u32 @p0 s4, $0x11  }
0xaa: {  	s5 =	sor.u32 @p0 s6, s5  }
0xab: {  	[sflag:s5] =	ssyncadd.remote.s32 @p0 $0x1;
	_ =	sdelay $0x1  }
0xac: {  	s5 =	simm.s32 @p0 $0x1B8D  }
0xad: {  	_ =	swait.eq @p0 [sflag:s5], $0x1  }
0xae: {  	[sflag:s5] =	ssyncadd.s32 @p0 $0xFFFFFFFF  }
0xaf: {  	s6 =	sshll.u32 @!p0 s1, $0xE  }
0xb0: {  	s6 =	sor.u32 @!p0 $0x4000, s6;
	s5 =	simm.s32 @!p0 $0x1B8D  }
0xb1: {  	s4 =	sshll.u32 @!p0 s4, $0x11;
	s6 =	sadd.s32 @!p0 $0x11B8D, s6;
	_ =	swait.eq @!p0 [sflag:s5], $0x1  }
0xb2: {  	s4 =	sor.u32 @!p0 s4, s6;
	[sflag:s5] =	ssyncadd.s32 @!p0 $0xFFFFFFFF  }
0xb3: {  	s25 =	simm.s32 $0x1B8E;
	s24 =	sld [smem:$0x3FFE];
	[sflag:s4] =	ssyncadd.remote.s32 @!p0 $0x1  }
0xb4: {  	s26 =	simm.s32 $execute0_lowered;
	[smem:$0x3FD2] =	sst s25  }
0xb5: {  	s5 =	sshll.u32 s26, $0x1;
	_ =	strace $0x80000049;
	[dreg:$0x1] =	wrdreg $0xFFFFFFFF  }
0xb6: {  	s28 =	simm.s32 $_size_execute0_lowered;
	s3 =	sadd.s32 s3, s5;
	[dreg:$0x0] =	wrdreg $0x0  }
0xb7: {  	s5 =	sshll.u32 s28, $0x1;
	[dreg:$0x2] =	wrdreg s3  }
0xb8: {  	[dreg:$0x3] =	wrdreg s5  }
0xb9: {  	[dreg:$0x4] =	wrdreg $0xC0  }
0xba: {  	_ =	task [dreg:s22], $0x5FFFF  }
0xbb: {  	[dreg:$0x1] =	wrdreg $0xFFFFFFFF  }
0xbc: {  	[dreg:$0x0] =	wrdreg $0x60  }
0xbd: {  	[dreg:$0x2] =	wrdreg s24  }
0xbe: {  	[dreg:$0x3] =	wrdreg $0xB  }
0xbf: {  	_ =	task.clear_ibuf [dreg:s22], $0x4FFFF;
	_ =	strace $0x90000049  }
0xc0: {  	s29 =	simm.s32 $0xB;
	_ =	strace $0x8000004B  }
0xc1: {  	_ =	swait.ge [sflag:s29], $0x1  }
0xc2: {  	[sflag:s29] =	ssyncadd.s32 $0xFFFFFFFF  }
0xc3: {  	_ =	strace $0x9000004B  }
0xc4: {  	_ =	sfence  }
0xc5: {  	s30 =	sld [smem:$0x0];
	_ =	sdelay $0x2  }
0xc6: {  	s31 =	sshll.u32 s1, $0xD;
	s1 =	sshrl.u32 s1, $0x2  }
0xc7: {  	s4 =	sand.u32 $0x4000, s31;
	s1 =	sadd.s32 s1, s30  }
0xc8: {  	s0 =	sor.u32 s4, s0;
	s1 =	sshll.u32 s1, $0x11  }
0xc9: {  	s0 =	sor.u32 s1, s0  }
0xca: {  	s0 =	sadd.s32 $0x8F2B, s0  }
0xcb: {  	[sflag:s0] =	ssyncadd.remote.s32 $0x1  }
0xcc: {  	_ =	sfence.sel $0xFFFF  }
0xcd: {  	[dreg:$0x0] =	wrdreg $0xFFFFFFFF;
	(pc) =	sbr.abs _section_cstart, $3  }
0xce: {  	[dreg:$0x1] =	wrdreg $0xFFFFFFFF  }
0xcf: {  	_ =	task.clear_ibuf [dreg:s22], $0x2FFFF;
	_ =	strace $0x9FFFFFFF  }
0xd0: {  	(tm) =	ssettm $0x7FFFFFFF  }
0xd1: {  	_ =	shalt  }
tec
execute0_lowered:
.L_overlay_start_1:
0x0: {  	(tag) =	ssettag $0x1  }
0x1: {  	s1 =	srdreg.scid  }
0x2: {  	s0 =	stileid.u32;
	s4 =	sand.u32 $0x1, s1  }
0x3: {  	s2 =	sshll.u32 s0, $0xB;
	s3 =	sshll.u32 s4, $0xA  }
0x4: {  	s1 =	rddreg [dreg:$0x0];
	s3 =	sor.u32 s3, s2;
	s2 =	simm.s32 $0x0  }
0x5: {  	s20 =	simm.s32 $0x900;
	[smem:$0x7FF] =	sst s2  }
0x6: {  	s21 =	simm.s32 $0x1100;
	_ =	strace $0x8000004A;
	[dreg:$0x3] =	wrdreg s20  }
0x7: {  	s22 =	simm.s32 $0x1500;
	[dreg:$0x4] =	wrdreg s21  }
0x8: {  	s23 =	simm.s32 $0x1D00;
	[dreg:$0x5] =	wrdreg s22  }
0x9: {  	s24 =	simm.s32 $0x2500;
	[dreg:$0x6] =	wrdreg s23  }
0xa: {  	s25 =	simm.s32 $0x2900;
	[dreg:$0x7] =	wrdreg s24  }
0xb: {  	s26 =	simm.s32 $0x3100;
	[dreg:$0x8] =	wrdreg s25  }
0xc: {  	s30 =	simm.s32 $0x3900;
	[dreg:$0x9] =	wrdreg s26  }
0xd: {  	s31 =	simm.s32 $0x3D00;
	[dreg:$0xa] =	wrdreg s30  }
0xe: {  	s0 =	simm.s32 $0x4500;
	[dreg:$0xb] =	wrdreg s31  }
0xf: {  	s6 =	simm.s32 $0x4D00;
	[dreg:$0xc] =	wrdreg s0  }
0x10: {  	s7 =	simm.s32 $0x5100;
	[dreg:$0xd] =	wrdreg s6  }
0x11: {  	s8 =	simm.s32 $0x5900;
	[dreg:$0xe] =	wrdreg s7  }
0x12: {  	s9 =	simm.s32 $0x6100;
	[dreg:$0xf] =	wrdreg s8  }
0x13: {  	s10 =	simm.s32 $0x6500;
	[dreg:$0x10] =	wrdreg s9  }
0x14: {  	s11 =	simm.s32 $0x6D00;
	[dreg:$0x11] =	wrdreg s10  }
0x15: {  	s12 =	simm.s32 $0x7500;
	[dreg:$0x12] =	wrdreg s11  }
0x16: {  	s13 =	simm.s32 $0x7900;
	[dreg:$0x13] =	wrdreg s12  }
0x17: {  	s14 =	simm.s32 $0x8100;
	[dreg:$0x14] =	wrdreg s13  }
0x18: {  	s15 =	simm.s32 $0x8900;
	s16 =	simm.s32 $0x8D00;
	[dreg:$0x15] =	wrdreg s14  }
0x19: {  	s17 =	simm.s32 $0x9500;
	s18 =	simm.s32 $0x9D00;
	[dreg:$0x16] =	wrdreg s15  }
0x1a: {  	s19 =	simm.s32 $0x80;
	s28 =	simm.s32 $0x2;
	[dreg:$0x17] =	wrdreg s16  }
0x1b: {  	s29 =	simm.s32 $0x0;
	s3 =	sshrl.u32 s3, $0x3;
	[dreg:$0x18] =	wrdreg s17  }
0x1c: {  	s4 =	ssub.s32 $0x2, s4;
	s5 =	sadd.s32 s3, s1;
	[dreg:$0x19] =	wrdreg s18  }
0x1d: {  	s6 =	smul.u32 $0x280, s3;
	s3 =	sadd.s32 $0x37200, s1;
	[dreg:$0x1a] =	wrdreg s19  }
0x1e: {  	s20 =	simm.s32 $0xA900;
	s21 =	sshrl.u32 s4, $0x1;
	s22 =	simm.s32 $0xB100  }
0x1f: {  	s23 =	simm.s32 $0xB500;
	s8 =	simm.s32 $0xBD00;
	s24 =	simm.s32 $0xC500  }
0x20: {  	s26 =	simm.s32 $0xC900;
	s30 =	simm.s32 $0xD100;
	[dreg:$0x1b] =	wrdreg s20  }
0x21: {  	s31 =	simm.s32 $0xD900;
	s9 =	simm.s32 $0x100;
	[dreg:$0x1c] =	wrdreg s22  }
0x22: {  	s10 =	simm.s32 $0xA100;
	s11 =	simm.s32 $0xDD00;
	[dreg:$0x1d] =	wrdreg s23  }
0x23: {  	s12 =	simm.s32 $0xE500;
	s13 =	simm.s32 $0xED00;
	[dreg:$0x1e] =	wrdreg s8  }
0x24: {  	s14 =	simm.s32 $0xF100;
	s15 =	simm.s32 $0xF900;
	[dreg:$0x1f] =	wrdreg s24  }
0x25: {  	s16 =	simm.s32 $0x10100;
	s17 =	simm.s32 $0x10500;
	[smem:$0x7FB] =	sst s26  }
0x26: {  	s18 =	simm.s32 $0x10D00;
	s19 =	simm.s32 $0x11500;
	[smem:$0x7FC] =	sst s30  }
0x27: {  	s5 =	sadd.s32 $0x357200, s5;
	s8 =	simm.s32 $0x3;
	[smem:$0x7FD] =	sst s31  }
0x28: {  	s20 =	simm.s32 $0x11900;
	s22 =	simm.s32 $0x12900;
	s23 =	simm.s32 $0x12D00  }
0x29: {  	s24 =	simm.s32 $0x13500;
	s26 =	simm.s32 $0x1;
	[dreg:$0x2] =	wrdreg s5  }
0x2a: {  	v2 =	vlaneseq.u32;
	s7 =	sadd.s32 s6, s1;
	s6 =	ssub.s32 s4, s21;
	s4 =	sadd.s32 $0x37300, s1  }
0x2b: {  	vm0 =	vmmov $0xffff;
	vm1 =	vmmov $0xff;
	v1 =	vshrl.u32 v2, $0x3;
	s5 =	sadd.s32 $0x37400, s1;
	s21 =	simm.s32 $0x12100;
	s25 =	smax.u32 s6, $0x1  }
0x2c: {  	v0 =	vand.u32 $0x7, v2;
	v2 =	vor.u32 $0x8, v2;
	v1 =	vmul.u32 $0x8, v1;
	s7 =	sadd.s32 $0x359600, s7;
	[smem:$0x7FA] =	sst s25;
	s25 =	simm.s32 $0x13D00  }
.LBB2_1:
0x2d: {  	s30 =	smov.u32 s7;
	s31 =	simm.s32 $0x0  }
.LBB2_2:
0x2e: {  	s1 =	rddreg [dreg:$0x2]  }
0x2f: {  	s1 =	sadd.s32 s31, s1  }
0x30: {  	[tilespmem:s2], [sflag:$0x3] =	stream.linear.gather [hbm4b:s1+s2], $0x40, $0x38;
	[tilespmem:$0x14100] =	vst v63  }
0x31: {  	_ =	swait.ge [sflag:s8], $0x40  }
0x32: {  	[sflag:s8] =	ssyncset.done $0x0  }
0x33: {  	[sflag:s8] =	ssyncadd.s32 $0xFFFFFFC0  }
0x34: {  	v3 =	vld [tilespmem:$0x0];
	_ =	sdelay $0x4  }
0x35: {  	v4 =	vshrl.u32 v3, $0x3  }
0x36: {  	v4 =	vmul.u32 $0x28, v4  }
0x37: {  	v3 =	vand.u32 $0x7, v3  }
0x38: {  	v3 =	vor.u32 v3, v4  }
0x39: {  	v4 =	vperm.xlane v3, v0;
	_ =	sdelay $0x1  }
0x3a: {  	v4 =	vadd.s32 v1, v4;
	_ =	sdelay $0x3  }
0x3b: {  	v3 =	vperm.xlane v3, v2  }
0x3c: {  	[tilespmem:s9], [sflag:$0x1] =	stream.indirect_vreg.gather [hbm4b:s3+s2], $0x80, v4, vm0, $0xb8;
	[tilespmem:$0x14100] =	vst v63  }
0x3d: {  	s0 =	rddreg [dreg:$0x3];
	v3 =	vadd.s32 v1, v3  }
0x3e: {  	[tilespmem:s0], [sflag:$0x1] =	stream.indirect_vreg.gather [hbm4b:s4+s2], $0x80, v4, vm0, $0xb8;
	[tilespmem:$0x14100] =	vst v63  }
0x3f: {  	s6 =	rddreg [dreg:$0x4]  }
0x40: {  	[tilespmem:s6], [sflag:$0x1] =	stream.indirect_vreg.gather [hbm4b:s5+s2], $0x80, v4, vm1, $0xb8;
	[tilespmem:$0x14100] =	vst v63  }
0x41: {  	s0 =	rddreg [dreg:$0x5]  }
0x42: {  	[tilespmem:s0], [sflag:$0x1] =	stream.indirect_vreg.gather [hbm4b:s3+s2], $0x80, v3, vm0, $0xb8;
	[tilespmem:$0x14100] =	vst v63  }
0x43: {  	s6 =	rddreg [dreg:$0x6]  }
0x44: {  	[tilespmem:s6], [sflag:$0x1] =	stream.indirect_vreg.gather [hbm4b:s4+s2], $0x80, v3, vm0, $0xb8;
	[tilespmem:$0x14100] =	vst v63  }
0x45: {  	s0 =	rddreg [dreg:$0x7]  }
0x46: {  	[tilespmem:s0], [sflag:$0x1] =	stream.indirect_vreg.gather [hbm4b:s5+s2], $0x80, v3, vm1, $0xb8;
	[tilespmem:$0x14100] =	vst v63  }
0x47: {  	v3 =	vld [tilespmem:$0x10];
	_ =	sdelay $0x4  }
0x48: {  	v57 =	vshrl.u32 v3, $0x3  }
0x49: {  	v4 =	vmul.u32 $0x28, v57  }
0x4a: {  	v3 =	vand.u32 $0x7, v3  }
0x4b: {  	v3 =	vor.u32 v3, v4  }
0x4c: {  	v4 =	vperm.xlane v3, v0;
	_ =	sdelay $0x1  }
0x4d: {  	v4 =	vadd.s32 v1, v4;
	_ =	sdelay $0x3  }
0x4e: {  	s0 =	rddreg [dreg:$0x8];
	v3 =	vperm.xlane v3, v2  }
0x4f: {  	[tilespmem:s0], [sflag:$0x1] =	stream.indirect_vreg.gather [hbm4b:s3+s2], $0x80, v4, vm0, $0xb8;
	[tilespmem:$0x14100] =	vst v63  }
0x50: {  	s6 =	rddreg [dreg:$0x9];
	v3 =	vadd.s32 v1, v3  }
0x51: {  	[tilespmem:s6], [sflag:$0x1] =	stream.indirect_vreg.gather [hbm4b:s4+s2], $0x80, v4, vm0, $0xb8;
	[tilespmem:$0x14100] =	vst v63  }
0x52: {  	s0 =	rddreg [dreg:$0xa]  }
0x53: {  	[tilespmem:s0], [sflag:$0x1] =	stream.indirect_vreg.gather [hbm4b:s5+s2], $0x80, v4, vm1, $0xb8;
	[tilespmem:$0x14100] =	vst v63  }
0x54: {  	s6 =	rddreg [dreg:$0xb]  }
0x55: {  	[tilespmem:s6], [sflag:$0x1] =	stream.indirect_vreg.gather [hbm4b:s3+s2], $0x80, v3, vm0, $0xb8;
	[tilespmem:$0x14100] =	vst v63  }
0x56: {  	s0 =	rddreg [dreg:$0xc]  }
0x57: {  	[tilespmem:s0], [sflag:$0x1] =	stream.indirect_vreg.gather [hbm4b:s4+s2], $0x80, v3, vm0, $0xb8;
	[tilespmem:$0x14100] =	vst v63  }
0x58: {  	s6 =	rddreg [dreg:$0xd]  }
0x59: {  	[tilespmem:s6], [sflag:$0x1] =	stream.indirect_vreg.gather [hbm4b:s5+s2], $0x80, v3, vm1, $0xb8;
	[tilespmem:$0x14100] =	vst v63  }
0x5a: {  	v3 =	vld [tilespmem:$0x20];
	_ =	sdelay $0x4  }
0x5b: {  	v58 =	vshrl.u32 v3, $0x3  }
0x5c: {  	v4 =	vmul.u32 $0x28, v58  }
0x5d: {  	v3 =	vand.u32 $0x7, v3  }
0x5e: {  	v3 =	vor.u32 v3, v4  }
0x5f: {  	v4 =	vperm.xlane v3, v0;
	_ =	sdelay $0x1  }
0x60: {  	v4 =	vadd.s32 v1, v4;
	_ =	sdelay $0x3  }
0x61: {  	s0 =	rddreg [dreg:$0xe];
	v3 =	vperm.xlane v3, v2  }
0x62: {  	[tilespmem:s0], [sflag:$0x1] =	stream.indirect_vreg.gather [hbm4b:s3+s2], $0x80, v4, vm0, $0xb8;
	[tilespmem:$0x14100] =	vst v63  }
0x63: {  	s6 =	rddreg [dreg:$0xf];
	v3 =	vadd.s32 v1, v3  }
0x64: {  	[tilespmem:s6], [sflag:$0x1] =	stream.indirect_vreg.gather [hbm4b:s4+s2], $0x80, v4, vm0, $0xb8;
	[tilespmem:$0x14100] =	vst v63  }
0x65: {  	s0 =	rddreg [dreg:$0x10]  }
0x66: {  	[tilespmem:s0], [sflag:$0x1] =	stream.indirect_vreg.gather [hbm4b:s5+s2], $0x80, v4, vm1, $0xb8;
	[tilespmem:$0x14100] =	vst v63  }
0x67: {  	s6 =	rddreg [dreg:$0x11]  }
0x68: {  	[tilespmem:s6], [sflag:$0x1] =	stream.indirect_vreg.gather [hbm4b:s3+s2], $0x80, v3, vm0, $0xb8;
	[tilespmem:$0x14100] =	vst v63  }
0x69: {  	s0 =	rddreg [dreg:$0x12]  }
0x6a: {  	[tilespmem:s0], [sflag:$0x1] =	stream.indirect_vreg.gather [hbm4b:s4+s2], $0x80, v3, vm0, $0xb8;
	[tilespmem:$0x14100] =	vst v63  }
0x6b: {  	s6 =	rddreg [dreg:$0x13]  }
0x6c: {  	[tilespmem:s6], [sflag:$0x1] =	stream.indirect_vreg.gather [hbm4b:s5+s2], $0x80, v3, vm1, $0xb8;
	[tilespmem:$0x14100] =	vst v63  }
0x6d: {  	v3 =	vld [tilespmem:$0x30];
	_ =	sdelay $0x4  }
0x6e: {  	v59 =	vshrl.u32 v3, $0x3  }
0x6f: {  	v4 =	vmul.u32 $0x28, v59  }
0x70: {  	v3 =	vand.u32 $0x7, v3  }
0x71: {  	v3 =	vor.u32 v3, v4  }
0x72: {  	v4 =	vperm.xlane v3, v0;
	_ =	sdelay $0x1  }
0x73: {  	v4 =	vadd.s32 v1, v4;
	_ =	sdelay $0x3  }
0x74: {  	s0 =	rddreg [dreg:$0x14];
	v3 =	vperm.xlane v3, v2  }
0x75: {  	[tilespmem:s0], [sflag:$0x1] =	stream.indirect_vreg.gather [hbm4b:s3+s2], $0x80, v4, vm0, $0xb8;
	[tilespmem:$0x14100] =	vst v63  }
0x76: {  	s6 =	rddreg [dreg:$0x15];
	v3 =	vadd.s32 v1, v3  }
0x77: {  	[tilespmem:s6], [sflag:$0x1] =	stream.indirect_vreg.gather [hbm4b:s4+s2], $0x80, v4, vm0, $0xb8;
	[tilespmem:$0x14100] =	vst v63  }
0x78: {  	s0 =	rddreg [dreg:$0x16]  }
0x79: {  	[tilespmem:s0], [sflag:$0x1] =	stream.indirect_vreg.gather [hbm4b:s5+s2], $0x80, v4, vm1, $0xb8;
	[tilespmem:$0x14100] =	vst v63  }
0x7a: {  	s6 =	rddreg [dreg:$0x17]  }
0x7b: {  	[tilespmem:s6], [sflag:$0x1] =	stream.indirect_vreg.gather [hbm4b:s3+s2], $0x80, v3, vm0, $0xb8;
	[tilespmem:$0x14100] =	vst v63  }
0x7c: {  	s0 =	rddreg [dreg:$0x18]  }
0x7d: {  	[tilespmem:s0], [sflag:$0x1] =	stream.indirect_vreg.gather [hbm4b:s4+s2], $0x80, v3, vm0, $0xb8;
	[tilespmem:$0x14100] =	vst v63  }
0x7e: {  	s6 =	rddreg [dreg:$0x19]  }
0x7f: {  	[tilespmem:s6], [sflag:$0x1] =	stream.indirect_vreg.gather [hbm4b:s5+s2], $0x80, v3, vm1, $0xb8;
	[tilespmem:$0x14100] =	vst v63  }
0x80: {  	s1 =	sadd.s32 $0x8, s1;
	s0 =	rddreg [dreg:$0x1a]  }
0x81: {  	[tilespmem:s0], [sflag:$0x3] =	stream.linear.gather [hbm4b:s1+s2], $0x40, $0x38;
	[tilespmem:$0x14100] =	vst v63  }
0x82: {  	_ =	swait.ge [sflag:s8], $0x40  }
0x83: {  	[sflag:s8] =	ssyncset.done $0x0  }
0x84: {  	[sflag:s8] =	ssyncadd.s32 $0xFFFFFFC0  }
0x85: {  	v3 =	vld [tilespmem:$0x80];
	_ =	sdelay $0x4  }
0x86: {  	v60 =	vshrl.u32 v3, $0x3  }
0x87: {  	v4 =	vmul.u32 $0x28, v60  }
0x88: {  	v3 =	vand.u32 $0x7, v3  }
0x89: {  	v3 =	vor.u32 v3, v4  }
0x8a: {  	v4 =	vperm.xlane v3, v0;
	_ =	sdelay $0x1  }
0x8b: {  	v4 =	vadd.s32 v1, v4;
	_ =	sdelay $0x3  }
0x8c: {  	v3 =	vperm.xlane v3, v2  }
0x8d: {  	[tilespmem:s10], [sflag:$0x2] =	stream.indirect_vreg.gather [hbm4b:s3+s2], $0x80, v4, vm0, $0xb8;
	[tilespmem:$0x14100] =	vst v63  }
0x8e: {  	s6 =	rddreg [dreg:$0x1b];
	v3 =	vadd.s32 v1, v3  }
0x8f: {  	[tilespmem:s6], [sflag:$0x2] =	stream.indirect_vreg.gather [hbm4b:s4+s2], $0x80, v4, vm0, $0xb8;
	[tilespmem:$0x14100] =	vst v63  }
0x90: {  	s1 =	rddreg [dreg:$0x1c]  }
0x91: {  	[tilespmem:s1], [sflag:$0x2] =	stream.indirect_vreg.gather [hbm4b:s5+s2], $0x80, v4, vm1, $0xb8;
	[tilespmem:$0x14100] =	vst v63  }
0x92: {  	s6 =	rddreg [dreg:$0x1d]  }
0x93: {  	[tilespmem:s6], [sflag:$0x2] =	stream.indirect_vreg.gather [hbm4b:s3+s2], $0x80, v3, vm0, $0xb8;
	[tilespmem:$0x14100] =	vst v63  }
0x94: {  	s1 =	rddreg [dreg:$0x1e]  }
0x95: {  	[tilespmem:s1], [sflag:$0x2] =	stream.indirect_vreg.gather [hbm4b:s4+s2], $0x80, v3, vm0, $0xb8;
	[tilespmem:$0x14100] =	vst v63  }
0x96: {  	s6 =	rddreg [dreg:$0x1f]  }
0x97: {  	[tilespmem:s6], [sflag:$0x2] =	stream.indirect_vreg.gather [hbm4b:s5+s2], $0x80, v3, vm1, $0xb8;
	[tilespmem:$0x14100] =	vst v63  }
0x98: {  	v3 =	vld [tilespmem:$0x90];
	_ =	sdelay $0x4  }
0x99: {  	v61 =	vshrl.u32 v3, $0x3  }
0x9a: {  	v4 =	vmul.u32 $0x28, v61  }
0x9b: {  	v3 =	vand.u32 $0x7, v3  }
0x9c: {  	v3 =	vor.u32 v3, v4  }
0x9d: {  	v4 =	vperm.xlane v3, v0;
	_ =	sdelay $0x1  }
0x9e: {  	v4 =	vadd.s32 v1, v4;
	_ =	sdelay $0x1  }
0x9f: {  	s6 =	sld [smem:$0x7FB];
	_ =	sdelay $0x1  }
0xa0: {  	s1 =	sld [smem:$0x7FC];
	v3 =	vperm.xlane v3, v2  }
0xa1: {  	[tilespmem:s6], [sflag:$0x2] =	stream.indirect_vreg.gather [hbm4b:s3+s2], $0x80, v4, vm0, $0xb8;
	[tilespmem:$0x14100] =	vst v63  }
0xa2: {  	v3 =	vadd.s32 v1, v3;
	s6 =	sld [smem:$0x7FD]  }
0xa3: {  	[tilespmem:s1], [sflag:$0x2] =	stream.indirect_vreg.gather [hbm4b:s4+s2], $0x80, v4, vm0, $0xb8;
	[tilespmem:$0x14100] =	vst v63  }
0xa4: {  	_ = 	snop  }
0xa5: {  	[tilespmem:s6], [sflag:$0x2] =	stream.indirect_vreg.gather [hbm4b:s5+s2], $0x80, v4, vm1, $0xb8;
	[tilespmem:$0x14100] =	vst v63  }
0xa6: {  	_ = 	snop  }
0xa7: {  	[tilespmem:s11], [sflag:$0x2] =	stream.indirect_vreg.gather [hbm4b:s3+s2], $0x80, v3, vm0, $0xb8;
	[tilespmem:$0x14100] =	vst v63  }
0xa8: {  	_ = 	snop  }
0xa9: {  	[tilespmem:s12], [sflag:$0x2] =	stream.indirect_vreg.gather [hbm4b:s4+s2], $0x80, v3, vm0, $0xb8;
	[tilespmem:$0x14100] =	vst v63  }
0xaa: {  	_ = 	snop  }
0xab: {  	[tilespmem:s13], [sflag:$0x2] =	stream.indirect_vreg.gather [hbm4b:s5+s2], $0x80, v3, vm1, $0xb8;
	[tilespmem:$0x14100] =	vst v63  }
0xac: {  	v3 =	vld [tilespmem:$0xA0];
	_ =	sdelay $0x4  }
0xad: {  	v62 =	vshrl.u32 v3, $0x3  }
0xae: {  	v4 =	vmul.u32 $0x28, v62  }
0xaf: {  	v3 =	vand.u32 $0x7, v3  }
0xb0: {  	v3 =	vor.u32 v3, v4  }
0xb1: {  	v4 =	vperm.xlane v3, v0;
	_ =	sdelay $0x1  }
0xb2: {  	v4 =	vadd.s32 v1, v4;
	_ =	sdelay $0x3  }
0xb3: {  	v3 =	vperm.xlane v3, v2  }
0xb4: {  	[tilespmem:s14], [sflag:$0x2] =	stream.indirect_vreg.gather [hbm4b:s3+s2], $0x80, v4, vm0, $0xb8;
	[tilespmem:$0x14100] =	vst v63  }
0xb5: {  	v3 =	vadd.s32 v1, v3  }
0xb6: {  	[tilespmem:s15], [sflag:$0x2] =	stream.indirect_vreg.gather [hbm4b:s4+s2], $0x80, v4, vm0, $0xb8;
	[tilespmem:$0x14100] =	vst v63  }
0xb7: {  	_ = 	snop  }
0xb8: {  	[tilespmem:s16], [sflag:$0x2] =	stream.indirect_vreg.gather [hbm4b:s5+s2], $0x80, v4, vm1, $0xb8;
	[tilespmem:$0x14100] =	vst v63  }
0xb9: {  	_ = 	snop  }
0xba: {  	[tilespmem:s17], [sflag:$0x2] =	stream.indirect_vreg.gather [hbm4b:s3+s2], $0x80, v3, vm0, $0xb8;
	[tilespmem:$0x14100] =	vst v63  }
0xbb: {  	_ = 	snop  }
0xbc: {  	[tilespmem:s18], [sflag:$0x2] =	stream.indirect_vreg.gather [hbm4b:s4+s2], $0x80, v3, vm0, $0xb8;
	[tilespmem:$0x14100] =	vst v63  }
0xbd: {  	_ = 	snop  }
0xbe: {  	[tilespmem:s19], [sflag:$0x2] =	stream.indirect_vreg.gather [hbm4b:s5+s2], $0x80, v3, vm1, $0xb8;
	[tilespmem:$0x14100] =	vst v63  }
0xbf: {  	v3 =	vld [tilespmem:$0xB0];
	_ =	sdelay $0x4  }
0xc0: {  	v63 =	vshrl.u32 v3, $0x3  }
0xc1: {  	v4 =	vmul.u32 $0x28, v63  }
0xc2: {  	v3 =	vand.u32 $0x7, v3  }
0xc3: {  	v3 =	vor.u32 v3, v4  }
0xc4: {  	v4 =	vperm.xlane v3, v0;
	_ =	sdelay $0x1  }
0xc5: {  	v4 =	vadd.s32 v1, v4;
	_ =	sdelay $0x3  }
0xc6: {  	v3 =	vperm.xlane v3, v2  }
0xc7: {  	[tilespmem:s20], [sflag:$0x2] =	stream.indirect_vreg.gather [hbm4b:s3+s2], $0x80, v4, vm0, $0xb8;
	[tilespmem:$0x14100] =	vst v63  }
0xc8: {  	v3 =	vadd.s32 v1, v3  }
0xc9: {  	[tilespmem:s21], [sflag:$0x2] =	stream.indirect_vreg.gather [hbm4b:s4+s2], $0x80, v4, vm0, $0xb8;
	[tilespmem:$0x14100] =	vst v63  }
0xca: {  	_ = 	snop  }
0xcb: {  	[tilespmem:s22], [sflag:$0x2] =	stream.indirect_vreg.gather [hbm4b:s5+s2], $0x80, v4, vm1, $0xb8;
	[tilespmem:$0x14100] =	vst v63  }
0xcc: {  	_ = 	snop  }
0xcd: {  	[tilespmem:s23], [sflag:$0x2] =	stream.indirect_vreg.gather [hbm4b:s3+s2], $0x80, v3, vm0, $0xb8;
	[tilespmem:$0x14100] =	vst v63  }
0xce: {  	_ = 	snop  }
0xcf: {  	[tilespmem:s24], [sflag:$0x2] =	stream.indirect_vreg.gather [hbm4b:s4+s2], $0x80, v3, vm0, $0xb8;
	[tilespmem:$0x14100] =	vst v63  }
0xd0: {  	_ = 	snop  }
0xd1: {  	[tilespmem:s25], [sflag:$0x2] =	stream.indirect_vreg.gather [hbm4b:s5+s2], $0x80, v3, vm1, $0xb8;
	[tilespmem:$0x14100] =	vst v63  }
0xd2: {  	_ =	swait.ge [sflag:s26], $0xA000  }
0xd3: {  	[sflag:s26] =	ssyncset.done $0x0  }
0xd4: {  	s6 =	sadd.s32 $0xFFFFEC00, s30;
	[sflag:s26] =	ssyncadd.s32 $0xFFFF6000  }
0xd5: {  	[hbm4b:s6+s2] =	stream.linear.scatter [tilespmem:s9], [sflag:$0x3], $0xA000, $0x38;
	[tilespmem:$0x14100] =	vst v63  }
0xd6: {  	_ =	swait.ge [sflag:s8], $0xA000  }
0xd7: {  	[sflag:s8] =	ssyncset.done $0x0  }
0xd8: {  	[sflag:s8] =	ssyncadd.s32 $0xFFFF6000  }
0xd9: {  	_ =	swait.ge [sflag:s28], $0xA000  }
0xda: {  	p0 =	sne.s32 s31, $0x70;
	[sflag:s28] =	ssyncset.done $0x0  }
.Ltmp0:
0xdb: {  	[sflag:s28] =	ssyncadd.s32 $0xFFFF6000;
	(pc) =	sbr.rel @p0 .LBB2_2-.Ltmp0, $4  }
0xdc: {  	[hbm4b:s30+s2] =	stream.linear.scatter [tilespmem:s10], [sflag:$0x3], $0xA000, $0x38;
	[tilespmem:$0x14100] =	vst v63  }
0xdd: {  	_ =	swait.ge [sflag:s8], $0xA000  }
0xde: {  	[sflag:s8] =	ssyncset.done $0x0  }
0xdf: {  	s31 =	sadd.s32 $0x10, s31;
	s30 =	sadd.s32 $0x2800, s30;
	[sflag:s8] =	ssyncadd.s32 $0xFFFF6000  }
0xe0: {  	s0 =	sld [smem:$0x7FA];
	_ =	sdelay $0x1  }
0xe1: {  	s29 =	sadd.s32 $0x1, s29  }
0xe2: {  	p0 =	sne.s32 s29, s0  }
.Ltmp1:
0xe3: {  	_ = 	snop;
	(pc) =	sbr.rel @p0 .LBB2_1-.Ltmp1, $1  }
0xe4: {  	_ =	sdelay $0x3  }
0xe5: {  	_ =	sfence.sel $0x180000  }
0xe6: {  	[bflag:$0x0] =	sbarrier.arrive $0xFFFF  }
0xe7: {  	_ =	strace $0x9000004A  }
0xe8: {  	s0 =	stileid.u32;
	[bflag:$0x2] =	sbarrier.arrive $0xFFFF  }
0xe9: {  	p0 =	sne.s32 s0, $0x0;
	s0 =	rddreg [dreg:$0x1]  }
0xea: {  	s0 =	sadd.s32 @!p0 $0x100000, s0  }
0xeb: {  	[sflag:s0] =	ssyncadd.tile.s32 @!p0 $0x1;
	_ =	shalt  }
.Lfunc_end2:
_tile_overlayer_lowered:
.L_overlay_start_2:
0xec: {  	(tag) =	ssettag $0x2  }
0xed: {  	s0 =	rddreg [dreg:$0x0];
	s2 =	stileid.u32  }
0xee: {  	s1 =	rddreg [dreg:$0x1];
	p0 =	sne.s32 s2, $0x0  }
0xef: {  	s3 =	rddreg [dreg:$0x2];
	[bflag:$0x3] =	sbarrier.arrive $0xFFFF;
	s2 =	simm.s32 @!p0 $0x1C03  }
0xf0: {  	[timem:s3], [sflag:s2] =	dma.local @!p0 [hbm:s0], s1  }
0xf1: {  	s0 =	simm.s32 @!p0 $0x3  }
0xf2: {  	_ =	swait.ge @!p0 [sflag:s0], s1  }
0xf3: {  	s1 =	ssub.s32 @!p0 $0x0, s1;
	[sflag:s0] =	ssyncset.done @!p0 $0x0  }
0xf4: {  	[sflag:s0] =	ssyncadd.s32 @!p0 s1  }
0xf5: {  	[bflag:$0x3] =	sbarrier.arrive $0xFFFF  }
0xf6: {  	_ =	shalt  }

// kernel: kernel.23.cloned.1.call-start
scs
__scs_entry_jumppad:
0x0: {  	(pc) =	sbr.rel $0x88, $3  }
0x1: {  	(tag) =	ssettag $0x0;
	lr =	simm.s32 $0x1  }
0x2: {  	[smem:$0x3F94] =	sst lr;
	_ =	strace $0xD0000000  }
0x3: {  	_ = 	snop  }
0x4: {  	_ = 	snop  }
0x5: {  	_ = 	snop  }
0x6: {  	_ = 	snop  }
0x7: {  	_ = 	snop  }
__scs_overlays_trampoline_lowered:
0x8: {  	[smem:$0x3FA3] =	sst s0  }
0x9: {  	[smem:$0x3FA4] =	sst s1  }
0xa: {  	[smem:$0x3FA5] =	sst s2  }
0xb: {  	[smem:$0x3FA6] =	sst s3  }
0xc: {  	[smem:$0x3FA7] =	sst s4  }
0xd: {  	[smem:$0x3FA8] =	sst s5  }
0xe: {  	[smem:$0x3FA9] =	sst s6  }
0xf: {  	[smem:$0x3FAA] =	sst s7  }
0x10: {  	[smem:$0x3FAB] =	sst s8  }
0x11: {  	[smem:$0x3FAC] =	sst s9;
	s0 =	simm.s32 @!p0 $0x0  }
0x12: {  	s1 =	sld [smem:$0x3F92];
	s0 =	simm.s32 @p0 $0x1  }
0x13: {  	[smem:$0x3FAD] =	sst s0;
	s0 =	simm.s32 @!p1 $0x0  }
0x14: {  	s2 =	sld [smem:$0x3F91];
	s0 =	simm.s32 @p1 $0x1  }
0x15: {  	[smem:$0x3FAE] =	sst s0;
	s0 =	simm.s32 @!p2 $0x0  }
0x16: {  	s3 =	sld [smem:$0x3FDB];
	s0 =	simm.s32 @p2 $0x1  }
0x17: {  	s4 =	simm.s32 $0x1BF5;
	[smem:$0x3FB0] =	sst s0  }
0x18: {  	s0 =	sld [smem:$0x3F93];
	_ =	swait.ge [sflag:s4], $0x0  }
0x19: {  	s7 =	sld [smem:$0x3F94]  }
0x1a: {  	s8 =	sadd.s32 $0xFFFFE003, lr  }
0x1b: {  	s9 =	sadd.s32 $0xFFFFFEF7, lr;
	s5 =	simm.s32 $0xFFFFFFFF;
	p2 =	slt.u32 s8, $0xFFFFF086  }
0x1c: {  	p1 =	slt.u32 s9, $0xF7A;
	s5 =	simm.s32 @!p2 $0x0  }
0x1d: {  	s5 =	simm.s32 @p1 $0x1;
	p0 =	seq.s32 s7, s2  }
0x1e: {  	s7 =	smul.u32 @!p0 $0xF7A, s2;
	p2 =	seq.s32 @!p0 s5, $0x0  }
0x1f: {  	s9 =	smul.u32 $0xF7A, s1;
	s8 =	simm.s32 @!p0 $0x1BF5;
	p2 =	por !p2, p0  }
0x20: {  	[sflag:s8] =	ssyncset.s32 @!p0 $0xFFFFF086;
	s6 =	sadd.s32 @!p0 s3, s7;
	s7 =	simm.s32 @!p0 $0x108  }
0x21: {  	s3 =	sadd.s32 s3, s9;
	s6 =	sadd.s32 @!p0 $0x88, s6;
	s7 =	simm.s32 @p2 $0x1082  }
0x22: {  	[simem:s7], [sflag:s8] =	dma.local @!p0 [hbm:s6], $0xF7A  }
0x23: {  	s9 =	sor.u32 $0xD0000000, s2;
	s6 =	simm.s32 $0x108;
	_ =	swait.ge @!p0 [sflag:s8], $0x0  }
0x24: {  	s3 =	sadd.s32 $0x88, s3;
	s6 =	simm.s32 @!p1 $0x1082;
	[sflag:s4] =	ssyncset.s32 $0xFFFFF086  }
0x25: {  	[simem:s6], [sflag:s4] =	dma.local [hbm:s3], $0xF7A  }
0x26: {  	[smem:$0x3F94] =	sst s1;
	(tag) =	ssettag s2;
	_ =	strace s9  }
0x27: {  	s1 =	sld [smem:$0x3FA4]  }
0x28: {  	s2 =	sld [smem:$0x3FA5]  }
0x29: {  	s4 =	sld [smem:$0x3FA7]  }
0x2a: {  	p0 =	seq.s32 s5, $0x0;
	s5 =	sld [smem:$0x3FA8]  }
0x2b: {  	s6 =	sld [smem:$0x3FA9]  }
0x2c: {  	s7 =	sld [smem:$0x3FAA]  }
0x2d: {  	s3 =	simm.s32 $0x108;
	s8 =	sld [smem:$0x3FAB]  }
0x2e: {  	s3 =	simm.s32 @!p0 $0x1082;
	s9 =	sld [smem:$0x3FAC]  }
0x2f: {  	lr =	sadd.s32 s0, s3;
	s0 =	sld [smem:$0x3FA3]  }
0x30: {  	s3 =	sld [smem:$0x3FA6]  }
0x31: {  	[smem:$0x3FAF] =	sst s10  }
0x32: {  	s10 =	sld [smem:$0x3FAD];
	_ =	sdelay $0x3  }
0x33: {  	p0 =	seq.s32 s10, $0x1;
	s10 =	sld [smem:$0x3FAF];
	_ =	sdelay $0x3  }
0x34: {  	[smem:$0x3FAF] =	sst s10  }
0x35: {  	s10 =	sld [smem:$0x3FAE];
	_ =	sdelay $0x3  }
0x36: {  	p1 =	seq.s32 s10, $0x1;
	s10 =	sld [smem:$0x3FAF];
	_ =	sdelay $0x3  }
0x37: {  	[smem:$0x3FAF] =	sst s10  }
0x38: {  	s10 =	sld [smem:$0x3FB0]  }
0x39: {  	_ = 	snop;
	(pc) =	sbr.ind lr, $3  }
0x3a: {  	_ = 	snop  }
0x3b: {  	_ = 	snop  }
0x3c: {  	p2 =	seq.s32 s10, $0x1;
	s10 =	sld [smem:$0x3FAF]  }
0x3d: {  	_ =	shalt  }
0x3e: {  	_ =	shalt  }
0x3f: {  	_ =	shalt  }
0x40: {  	_ =	shalt  }
0x41: {  	_ =	shalt  }
0x42: {  	_ =	shalt  }
0x43: {  	_ =	shalt  }
0x44: {  	_ =	shalt  }
0x45: {  	_ =	shalt  }
0x46: {  	_ =	shalt  }
0x47: {  	_ =	shalt  }
0x48: {  	_ =	shalt  }
0x49: {  	_ =	shalt  }
0x4a: {  	_ =	shalt  }
0x4b: {  	_ =	shalt  }
0x4c: {  	_ =	shalt  }
0x4d: {  	_ =	shalt  }
0x4e: {  	_ =	shalt  }
0x4f: {  	_ =	shalt  }
0x50: {  	_ =	shalt  }
0x51: {  	_ =	shalt  }
0x52: {  	_ =	shalt  }
0x53: {  	_ =	shalt  }
0x54: {  	_ =	shalt  }
0x55: {  	_ =	shalt  }
0x56: {  	_ =	shalt  }
0x57: {  	_ =	shalt  }
0x58: {  	_ =	shalt  }
0x59: {  	_ =	shalt  }
0x5a: {  	_ =	shalt  }
0x5b: {  	_ =	shalt  }
0x5c: {  	_ =	shalt  }
0x5d: {  	_ =	shalt  }
0x5e: {  	_ =	shalt  }
0x5f: {  	_ =	shalt  }
0x60: {  	_ =	shalt  }
0x61: {  	_ =	shalt  }
0x62: {  	_ =	shalt  }
0x63: {  	_ =	shalt  }
0x64: {  	_ =	shalt  }
0x65: {  	_ =	shalt  }
0x66: {  	_ =	shalt  }
0x67: {  	_ =	shalt  }
0x68: {  	_ =	shalt  }
0x69: {  	_ =	shalt  }
0x6a: {  	_ =	shalt  }
0x6b: {  	_ =	shalt  }
0x6c: {  	_ =	shalt  }
0x6d: {  	_ =	shalt  }
0x6e: {  	_ =	shalt  }
0x6f: {  	_ =	shalt  }
0x70: {  	_ =	shalt  }
0x71: {  	_ =	shalt  }
0x72: {  	_ =	shalt  }
0x73: {  	_ =	shalt  }
0x74: {  	_ =	shalt  }
0x75: {  	_ =	shalt  }
0x76: {  	_ =	shalt  }
0x77: {  	_ =	shalt  }
0x78: {  	_ =	shalt  }
0x79: {  	_ =	shalt  }
0x7a: {  	_ =	shalt  }
0x7b: {  	_ =	shalt  }
0x7c: {  	_ =	shalt  }
0x7d: {  	_ =	shalt  }
0x7e: {  	_ =	shalt  }
0x7f: {  	_ =	shalt  }
0x80: {  	_ =	shalt  }
0x81: {  	_ =	shalt  }
0x82: {  	_ =	shalt  }
0x83: {  	_ =	shalt  }
0x84: {  	_ =	shalt  }
0x85: {  	_ =	shalt  }
0x86: {  	_ =	shalt  }
0x87: {  	_ =	shalt  }
.Lfunc_end0:
.L_simem_size_0:
called_computation.3_lowered:
.L_overlay_start_0:
0x88: {  	s2 =	sld [smem:$0x3FD9]  }
0x89: {  	s3 =	sld [smem:$0x3FFE];
	_ =	sdelay $0x1  }
0x8a: {  	s1 =	srdreg.scid  }
0x8b: {  	s0 =	sand.u32 $0x1, s1  }
0x8c: {  	s16 =	sshll.u32 s0, $0xA;
	s2 =	sadd.s32 s3, s2  }
0x8d: {  	s2 =	sadd.s32 s2, s16  }
0x8e: {  	[smem:$0x3FBB] =	sst s2  }
0x8f: {  	_ = 	snop  }
0x90: {  	(tm) =	ssettm $0x1  }
0x91: {  	s17 =	sld [smem:$0x3FFB];
	_ =	sdelay $0x3  }
0x92: {  	_ =	strace s17  }
0x93: {  	s2 =	sld [smem:$0x3FFC];
	_ =	sdelay $0x3  }
0x94: {  	_ =	strace s2  }
0x95: {  	s2 =	sld [smem:$0x3FFD];
	_ =	sdelay $0x3  }
0x96: {  	_ =	strace s2  }
0x97: {  	_ =	strace $0x8FFFFFFF  }
0x98: {  	s18 =	sld [smem:$0x3FDB];
	_ =	sdelay $0x1  }
0x99: {  	s19 =	simm.s32 $_scs_section_size  }
0x9a: {  	s4 =	simm.s32 $_size__tile_overlayer_lowered;
	s5 =	simm.s32 $_tile_overlayer_lowered  }
0x9b: {  	s22 =	simm.s32 $0x1BFF;
	s21 =	sshll.u32 s5, $0x1;
	s2 =	sadd.s32 s19, s18  }
0x9c: {  	s6 =	simm.s32 $0x0;
	s20 =	sshll.u32 s4, $0x1;
	s4 =	sadd.s32 s21, s2  }
0x9d: {  	[timem:s6], [sflag:s22] =	dma.local [hbm:s4], s20  }
0x9e: {  	_ =	swait.ge [sflag:s22], s20  }
0x9f: {  	s3 =	ssub.s32 $0x0, s20;
	[sflag:s22] =	ssyncset.done $0x0  }
0xa0: {  	[sflag:s22] =	ssyncadd.s32 s3;
	_ =	sdelay $0x1  }
0xa1: {  	s23 =	simm.s32 $0x1B8B  }
0xa2: {  	_ =	swait.ge [sflag:s23], $0x1  }
0xa3: {  	[sflag:s23] =	ssyncset.done $0x0  }
0xa4: {  	s25 =	simm.s32 $0x1B8E;
	s24 =	sld [smem:$0x3FFE];
	[sflag:s23] =	ssyncadd.s32 $0xFFFFFFFF  }
0xa5: {  	s26 =	simm.s32 $execute0_lowered;
	[smem:$0x3FD2] =	sst s25  }
0xa6: {  	s4 =	sshll.u32 s26, $0x1;
	_ =	strace $0x80000046;
	[dreg:$0x1] =	wrdreg $0xFFFFFFFF  }
0xa7: {  	s28 =	simm.s32 $_size_execute0_lowered;
	s2 =	sadd.s32 s2, s4;
	[dreg:$0x0] =	wrdreg $0x0  }
0xa8: {  	s4 =	sshll.u32 s28, $0x1;
	[dreg:$0x2] =	wrdreg s2  }
0xa9: {  	[dreg:$0x3] =	wrdreg s4  }
0xaa: {  	[dreg:$0x4] =	wrdreg $0xC0  }
0xab: {  	_ =	task [dreg:s6], $0x5FFFF  }
0xac: {  	[dreg:$0x1] =	wrdreg $0xFFFFFFFF  }
0xad: {  	[dreg:$0x0] =	wrdreg $0x60  }
0xae: {  	[dreg:$0x2] =	wrdreg s24  }
0xaf: {  	[dreg:$0x3] =	wrdreg $0xC  }
0xb0: {  	_ =	task.clear_ibuf [dreg:s6], $0x4FFFF;
	_ =	strace $0x90000046  }
0xb1: {  	s29 =	simm.s32 $0xC;
	_ =	strace $0x80000048  }
0xb2: {  	_ =	swait.ge [sflag:s29], $0x1  }
0xb3: {  	[sflag:s29] =	ssyncadd.s32 $0xFFFFFFFF  }
0xb4: {  	_ =	strace $0x90000048  }
0xb5: {  	_ =	sfence  }
0xb6: {  	s30 =	sld [smem:$0x0];
	_ =	sdelay $0x2  }
0xb7: {  	s31 =	sshll.u32 s1, $0xD;
	s1 =	sshrl.u32 s1, $0x2  }
0xb8: {  	s3 =	sand.u32 $0x4000, s31;
	s1 =	sadd.s32 s1, s30  }
0xb9: {  	s0 =	sor.u32 s3, s0;
	s1 =	sshll.u32 s1, $0x11  }
0xba: {  	s0 =	sor.u32 s1, s0  }
0xbb: {  	s0 =	sadd.s32 $0x8F2B, s0  }
0xbc: {  	[sflag:s0] =	ssyncadd.remote.s32 $0x1  }
0xbd: {  	_ =	sfence.sel $0xFFFF  }
0xbe: {  	[dreg:$0x0] =	wrdreg $0xFFFFFFFF;
	(pc) =	sbr.abs _section_cstart, $3  }
0xbf: {  	[dreg:$0x1] =	wrdreg $0xFFFFFFFF  }
0xc0: {  	_ =	task.clear_ibuf [dreg:s6], $0x2FFFF;
	_ =	strace $0x9FFFFFFF  }
0xc1: {  	(tm) =	ssettm $0x7FFFFFFF  }
tec
execute0_lowered:
.L_overlay_start_1:
0x0: {  	(tag) =	ssettag $0x1  }
0x1: {  	s1 =	srdreg.scid  }
0x2: {  	s0 =	stileid.u32;
	s4 =	sand.u32 $0x1, s1  }
0x3: {  	s2 =	sshll.u32 s0, $0xB;
	s3 =	sshll.u32 s4, $0xA  }
0x4: {  	s1 =	rddreg [dreg:$0x0];
	s3 =	sor.u32 s3, s2;
	s2 =	simm.s32 $0x0  }
0x5: {  	s20 =	simm.s32 $0x900;
	[smem:$0x7FF] =	sst s2  }
0x6: {  	s21 =	simm.s32 $0x1100;
	_ =	strace $0x80000047;
	[dreg:$0x3] =	wrdreg s20  }
0x7: {  	s22 =	simm.s32 $0x1500;
	[dreg:$0x4] =	wrdreg s21  }
0x8: {  	s23 =	simm.s32 $0x1D00;
	[dreg:$0x5] =	wrdreg s22  }
0x9: {  	s24 =	simm.s32 $0x2500;
	[dreg:$0x6] =	wrdreg s23  }
0xa: {  	s25 =	simm.s32 $0x2900;
	[dreg:$0x7] =	wrdreg s24  }
0xb: {  	s26 =	simm.s32 $0x3100;
	[dreg:$0x8] =	wrdreg s25  }
0xc: {  	s30 =	simm.s32 $0x3900;
	[dreg:$0x9] =	wrdreg s26  }
0xd: {  	s31 =	simm.s32 $0x3D00;
	[dreg:$0xa] =	wrdreg s30  }
0xe: {  	s0 =	simm.s32 $0x4500;
	[dreg:$0xb] =	wrdreg s31  }
0xf: {  	s6 =	simm.s32 $0x4D00;
	[dreg:$0xc] =	wrdreg s0  }
0x10: {  	s7 =	simm.s32 $0x5100;
	[dreg:$0xd] =	wrdreg s6  }
0x11: {  	s8 =	simm.s32 $0x5900;
	[dreg:$0xe] =	wrdreg s7  }
0x12: {  	s9 =	simm.s32 $0x6100;
	[dreg:$0xf] =	wrdreg s8  }
0x13: {  	s10 =	simm.s32 $0x6500;
	[dreg:$0x10] =	wrdreg s9  }
0x14: {  	s11 =	simm.s32 $0x6D00;
	[dreg:$0x11] =	wrdreg s10  }
0x15: {  	s12 =	simm.s32 $0x7500;
	[dreg:$0x12] =	wrdreg s11  }
0x16: {  	s13 =	simm.s32 $0x7900;
	[dreg:$0x13] =	wrdreg s12  }
0x17: {  	s14 =	simm.s32 $0x8100;
	[dreg:$0x14] =	wrdreg s13  }
0x18: {  	s15 =	simm.s32 $0x8900;
	s16 =	simm.s32 $0x8D00;
	[dreg:$0x15] =	wrdreg s14  }
0x19: {  	s17 =	simm.s32 $0x9500;
	s18 =	simm.s32 $0x9D00;
	[dreg:$0x16] =	wrdreg s15  }
0x1a: {  	s19 =	simm.s32 $0x80;
	s28 =	simm.s32 $0x2;
	[dreg:$0x17] =	wrdreg s16  }
0x1b: {  	s29 =	simm.s32 $0x0;
	s3 =	sshrl.u32 s3, $0x3;
	[dreg:$0x18] =	wrdreg s17  }
0x1c: {  	s4 =	ssub.s32 $0x2, s4;
	s5 =	sadd.s32 s3, s1;
	[dreg:$0x19] =	wrdreg s18  }
0x1d: {  	s6 =	smul.u32 $0x280, s3;
	s3 =	sadd.s32 $0x37200, s1;
	[dreg:$0x1a] =	wrdreg s19  }
0x1e: {  	s20 =	simm.s32 $0xA900;
	s21 =	sshrl.u32 s4, $0x1;
	s22 =	simm.s32 $0xB100  }
0x1f: {  	s23 =	simm.s32 $0xB500;
	s8 =	simm.s32 $0xBD00;
	s24 =	simm.s32 $0xC500  }
0x20: {  	s26 =	simm.s32 $0xC900;
	s30 =	simm.s32 $0xD100;
	[dreg:$0x1b] =	wrdreg s20  }
0x21: {  	s31 =	simm.s32 $0xD900;
	s9 =	simm.s32 $0x100;
	[dreg:$0x1c] =	wrdreg s22  }
0x22: {  	s10 =	simm.s32 $0xA100;
	s11 =	simm.s32 $0xDD00;
	[dreg:$0x1d] =	wrdreg s23  }
0x23: {  	s12 =	simm.s32 $0xE500;
	s13 =	simm.s32 $0xED00;
	[dreg:$0x1e] =	wrdreg s8  }
0x24: {  	s14 =	simm.s32 $0xF100;
	s15 =	simm.s32 $0xF900;
	[dreg:$0x1f] =	wrdreg s24  }
0x25: {  	s16 =	simm.s32 $0x10100;
	s17 =	simm.s32 $0x10500;
	[smem:$0x7FB] =	sst s26  }
0x26: {  	s18 =	simm.s32 $0x10D00;
	s19 =	simm.s32 $0x11500;
	[smem:$0x7FC] =	sst s30  }
0x27: {  	s5 =	sadd.s32 $0x36200, s5;
	s8 =	simm.s32 $0x3;
	[smem:$0x7FD] =	sst s31  }
0x28: {  	s20 =	simm.s32 $0x11900;
	s22 =	simm.s32 $0x12900;
	s23 =	simm.s32 $0x12D00  }
0x29: {  	s24 =	simm.s32 $0x13500;
	s26 =	simm.s32 $0x1;
	[dreg:$0x2] =	wrdreg s5  }
0x2a: {  	v2 =	vlaneseq.u32;
	s7 =	sadd.s32 s6, s1;
	s6 =	ssub.s32 s4, s21;
	s4 =	sadd.s32 $0x37300, s1  }
0x2b: {  	vm0 =	vmmov $0xffff;
	vm1 =	vmmov $0xff;
	v1 =	vshrl.u32 v2, $0x3;
	s5 =	sadd.s32 $0x37400, s1;
	s21 =	simm.s32 $0x12100;
	s25 =	smax.u32 s6, $0x1  }
0x2c: {  	v0 =	vand.u32 $0x7, v2;
	v2 =	vor.u32 $0x8, v2;
	v1 =	vmul.u32 $0x8, v1;
	s7 =	sadd.s32 $0xD8600, s7;
	[smem:$0x7FA] =	sst s25;
	s25 =	simm.s32 $0x13D00  }
.LBB2_1:
0x2d: {  	s30 =	smov.u32 s7;
	s31 =	simm.s32 $0x0  }
.LBB2_2:
0x2e: {  	s1 =	rddreg [dreg:$0x2]  }
0x2f: {  	s1 =	sadd.s32 s31, s1  }
0x30: {  	[tilespmem:s2], [sflag:$0x3] =	stream.linear.gather [hbm4b:s1+s2], $0x40, $0x38;
	[tilespmem:$0x14100] =	vst v63  }
0x31: {  	_ =	swait.ge [sflag:s8], $0x40  }
0x32: {  	[sflag:s8] =	ssyncset.done $0x0  }
0x33: {  	[sflag:s8] =	ssyncadd.s32 $0xFFFFFFC0  }
0x34: {  	v3 =	vld [tilespmem:$0x0];
	_ =	sdelay $0x4  }
0x35: {  	v4 =	vshrl.u32 v3, $0x3  }
0x36: {  	v4 =	vmul.u32 $0x28, v4  }
0x37: {  	v3 =	vand.u32 $0x7, v3  }
0x38: {  	v3 =	vor.u32 v3, v4  }
0x39: {  	v4 =	vperm.xlane v3, v0;
	_ =	sdelay $0x1  }
0x3a: {  	v4 =	vadd.s32 v1, v4;
	_ =	sdelay $0x3  }
0x3b: {  	v3 =	vperm.xlane v3, v2  }
0x3c: {  	[tilespmem:s9], [sflag:$0x1] =	stream.indirect_vreg.gather [hbm4b:s3+s2], $0x80, v4, vm0, $0xb8;
	[tilespmem:$0x14100] =	vst v63  }
0x3d: {  	s0 =	rddreg [dreg:$0x3];
	v3 =	vadd.s32 v1, v3  }
0x3e: {  	[tilespmem:s0], [sflag:$0x1] =	stream.indirect_vreg.gather [hbm4b:s4+s2], $0x80, v4, vm0, $0xb8;
	[tilespmem:$0x14100] =	vst v63  }
0x3f: {  	s6 =	rddreg [dreg:$0x4]  }
0x40: {  	[tilespmem:s6], [sflag:$0x1] =	stream.indirect_vreg.gather [hbm4b:s5+s2], $0x80, v4, vm1, $0xb8;
	[tilespmem:$0x14100] =	vst v63  }
0x41: {  	s0 =	rddreg [dreg:$0x5]  }
0x42: {  	[tilespmem:s0], [sflag:$0x1] =	stream.indirect_vreg.gather [hbm4b:s3+s2], $0x80, v3, vm0, $0xb8;
	[tilespmem:$0x14100] =	vst v63  }
0x43: {  	s6 =	rddreg [dreg:$0x6]  }
0x44: {  	[tilespmem:s6], [sflag:$0x1] =	stream.indirect_vreg.gather [hbm4b:s4+s2], $0x80, v3, vm0, $0xb8;
	[tilespmem:$0x14100] =	vst v63  }
0x45: {  	s0 =	rddreg [dreg:$0x7]  }
0x46: {  	[tilespmem:s0], [sflag:$0x1] =	stream.indirect_vreg.gather [hbm4b:s5+s2], $0x80, v3, vm1, $0xb8;
	[tilespmem:$0x14100] =	vst v63  }
0x47: {  	v3 =	vld [tilespmem:$0x10];
	_ =	sdelay $0x4  }
0x48: {  	v57 =	vshrl.u32 v3, $0x3  }
0x49: {  	v4 =	vmul.u32 $0x28, v57  }
0x4a: {  	v3 =	vand.u32 $0x7, v3  }
0x4b: {  	v3 =	vor.u32 v3, v4  }
0x4c: {  	v4 =	vperm.xlane v3, v0;
	_ =	sdelay $0x1  }
0x4d: {  	v4 =	vadd.s32 v1, v4;
	_ =	sdelay $0x3  }
0x4e: {  	s0 =	rddreg [dreg:$0x8];
	v3 =	vperm.xlane v3, v2  }
0x4f: {  	[tilespmem:s0], [sflag:$0x1] =	stream.indirect_vreg.gather [hbm4b:s3+s2], $0x80, v4, vm0, $0xb8;
	[tilespmem:$0x14100] =	vst v63  }
0x50: {  	s6 =	rddreg [dreg:$0x9];
	v3 =	vadd.s32 v1, v3  }
0x51: {  	[tilespmem:s6], [sflag:$0x1] =	stream.indirect_vreg.gather [hbm4b:s4+s2], $0x80, v4, vm0, $0xb8;
	[tilespmem:$0x14100] =	vst v63  }
0x52: {  	s0 =	rddreg [dreg:$0xa]  }
0x53: {  	[tilespmem:s0], [sflag:$0x1] =	stream.indirect_vreg.gather [hbm4b:s5+s2], $0x80, v4, vm1, $0xb8;
	[tilespmem:$0x14100] =	vst v63  }
0x54: {  	s6 =	rddreg [dreg:$0xb]  }
0x55: {  	[tilespmem:s6], [sflag:$0x1] =	stream.indirect_vreg.gather [hbm4b:s3+s2], $0x80, v3, vm0, $0xb8;
	[tilespmem:$0x14100] =	vst v63  }
0x56: {  	s0 =	rddreg [dreg:$0xc]  }
0x57: {  	[tilespmem:s0], [sflag:$0x1] =	stream.indirect_vreg.gather [hbm4b:s4+s2], $0x80, v3, vm0, $0xb8;
	[tilespmem:$0x14100] =	vst v63  }
0x58: {  	s6 =	rddreg [dreg:$0xd]  }
0x59: {  	[tilespmem:s6], [sflag:$0x1] =	stream.indirect_vreg.gather [hbm4b:s5+s2], $0x80, v3, vm1, $0xb8;
	[tilespmem:$0x14100] =	vst v63  }
0x5a: {  	v3 =	vld [tilespmem:$0x20];
	_ =	sdelay $0x4  }
0x5b: {  	v58 =	vshrl.u32 v3, $0x3  }
0x5c: {  	v4 =	vmul.u32 $0x28, v58  }
0x5d: {  	v3 =	vand.u32 $0x7, v3  }
0x5e: {  	v3 =	vor.u32 v3, v4  }
0x5f: {  	v4 =	vperm.xlane v3, v0;
	_ =	sdelay $0x1  }
0x60: {  	v4 =	vadd.s32 v1, v4;
	_ =	sdelay $0x3  }
0x61: {  	s0 =	rddreg [dreg:$0xe];
	v3 =	vperm.xlane v3, v2  }
0x62: {  	[tilespmem:s0], [sflag:$0x1] =	stream.indirect_vreg.gather [hbm4b:s3+s2], $0x80, v4, vm0, $0xb8;
	[tilespmem:$0x14100] =	vst v63  }
0x63: {  	s6 =	rddreg [dreg:$0xf];
	v3 =	vadd.s32 v1, v3  }
0x64: {  	[tilespmem:s6], [sflag:$0x1] =	stream.indirect_vreg.gather [hbm4b:s4+s2], $0x80, v4, vm0, $0xb8;
	[tilespmem:$0x14100] =	vst v63  }
0x65: {  	s0 =	rddreg [dreg:$0x10]  }
0x66: {  	[tilespmem:s0], [sflag:$0x1] =	stream.indirect_vreg.gather [hbm4b:s5+s2], $0x80, v4, vm1, $0xb8;
	[tilespmem:$0x14100] =	vst v63  }
0x67: {  	s6 =	rddreg [dreg:$0x11]  }
0x68: {  	[tilespmem:s6], [sflag:$0x1] =	stream.indirect_vreg.gather [hbm4b:s3+s2], $0x80, v3, vm0, $0xb8;
	[tilespmem:$0x14100] =	vst v63  }
0x69: {  	s0 =	rddreg [dreg:$0x12]  }
0x6a: {  	[tilespmem:s0], [sflag:$0x1] =	stream.indirect_vreg.gather [hbm4b:s4+s2], $0x80, v3, vm0, $0xb8;
	[tilespmem:$0x14100] =	vst v63  }
0x6b: {  	s6 =	rddreg [dreg:$0x13]  }
0x6c: {  	[tilespmem:s6], [sflag:$0x1] =	stream.indirect_vreg.gather [hbm4b:s5+s2], $0x80, v3, vm1, $0xb8;
	[tilespmem:$0x14100] =	vst v63  }
0x6d: {  	v3 =	vld [tilespmem:$0x30];
	_ =	sdelay $0x4  }
0x6e: {  	v59 =	vshrl.u32 v3, $0x3  }
0x6f: {  	v4 =	vmul.u32 $0x28, v59  }
0x70: {  	v3 =	vand.u32 $0x7, v3  }
0x71: {  	v3 =	vor.u32 v3, v4  }
0x72: {  	v4 =	vperm.xlane v3, v0;
	_ =	sdelay $0x1  }
0x73: {  	v4 =	vadd.s32 v1, v4;
	_ =	sdelay $0x3  }
0x74: {  	s0 =	rddreg [dreg:$0x14];
	v3 =	vperm.xlane v3, v2  }
0x75: {  	[tilespmem:s0], [sflag:$0x1] =	stream.indirect_vreg.gather [hbm4b:s3+s2], $0x80, v4, vm0, $0xb8;
	[tilespmem:$0x14100] =	vst v63  }
0x76: {  	s6 =	rddreg [dreg:$0x15];
	v3 =	vadd.s32 v1, v3  }
0x77: {  	[tilespmem:s6], [sflag:$0x1] =	stream.indirect_vreg.gather [hbm4b:s4+s2], $0x80, v4, vm0, $0xb8;
	[tilespmem:$0x14100] =	vst v63  }
0x78: {  	s0 =	rddreg [dreg:$0x16]  }
0x79: {  	[tilespmem:s0], [sflag:$0x1] =	stream.indirect_vreg.gather [hbm4b:s5+s2], $0x80, v4, vm1, $0xb8;
	[tilespmem:$0x14100] =	vst v63  }
0x7a: {  	s6 =	rddreg [dreg:$0x17]  }
0x7b: {  	[tilespmem:s6], [sflag:$0x1] =	stream.indirect_vreg.gather [hbm4b:s3+s2], $0x80, v3, vm0, $0xb8;
	[tilespmem:$0x14100] =	vst v63  }
0x7c: {  	s0 =	rddreg [dreg:$0x18]  }
0x7d: {  	[tilespmem:s0], [sflag:$0x1] =	stream.indirect_vreg.gather [hbm4b:s4+s2], $0x80, v3, vm0, $0xb8;
	[tilespmem:$0x14100] =	vst v63  }
0x7e: {  	s6 =	rddreg [dreg:$0x19]  }
0x7f: {  	[tilespmem:s6], [sflag:$0x1] =	stream.indirect_vreg.gather [hbm4b:s5+s2], $0x80, v3, vm1, $0xb8;
	[tilespmem:$0x14100] =	vst v63  }
0x80: {  	s1 =	sadd.s32 $0x8, s1;
	s0 =	rddreg [dreg:$0x1a]  }
0x81: {  	[tilespmem:s0], [sflag:$0x3] =	stream.linear.gather [hbm4b:s1+s2], $0x40, $0x38;
	[tilespmem:$0x14100] =	vst v63  }
0x82: {  	_ =	swait.ge [sflag:s8], $0x40  }
0x83: {  	[sflag:s8] =	ssyncset.done $0x0  }
0x84: {  	[sflag:s8] =	ssyncadd.s32 $0xFFFFFFC0  }
0x85: {  	v3 =	vld [tilespmem:$0x80];
	_ =	sdelay $0x4  }
0x86: {  	v60 =	vshrl.u32 v3, $0x3  }
0x87: {  	v4 =	vmul.u32 $0x28, v60  }
0x88: {  	v3 =	vand.u32 $0x7, v3  }
0x89: {  	v3 =	vor.u32 v3, v4  }
0x8a: {  	v4 =	vperm.xlane v3, v0;
	_ =	sdelay $0x1  }
0x8b: {  	v4 =	vadd.s32 v1, v4;
	_ =	sdelay $0x3  }
0x8c: {  	v3 =	vperm.xlane v3, v2  }
0x8d: {  	[tilespmem:s10], [sflag:$0x2] =	stream.indirect_vreg.gather [hbm4b:s3+s2], $0x80, v4, vm0, $0xb8;
	[tilespmem:$0x14100] =	vst v63  }
0x8e: {  	s6 =	rddreg [dreg:$0x1b];
	v3 =	vadd.s32 v1, v3  }
0x8f: {  	[tilespmem:s6], [sflag:$0x2] =	stream.indirect_vreg.gather [hbm4b:s4+s2], $0x80, v4, vm0, $0xb8;
	[tilespmem:$0x14100] =	vst v63  }
0x90: {  	s1 =	rddreg [dreg:$0x1c]  }
0x91: {  	[tilespmem:s1], [sflag:$0x2] =	stream.indirect_vreg.gather [hbm4b:s5+s2], $0x80, v4, vm1, $0xb8;
	[tilespmem:$0x14100] =	vst v63  }
0x92: {  	s6 =	rddreg [dreg:$0x1d]  }
0x93: {  	[tilespmem:s6], [sflag:$0x2] =	stream.indirect_vreg.gather [hbm4b:s3+s2], $0x80, v3, vm0, $0xb8;
	[tilespmem:$0x14100] =	vst v63  }
0x94: {  	s1 =	rddreg [dreg:$0x1e]  }
0x95: {  	[tilespmem:s1], [sflag:$0x2] =	stream.indirect_vreg.gather [hbm4b:s4+s2], $0x80, v3, vm0, $0xb8;
	[tilespmem:$0x14100] =	vst v63  }
0x96: {  	s6 =	rddreg [dreg:$0x1f]  }
0x97: {  	[tilespmem:s6], [sflag:$0x2] =	stream.indirect_vreg.gather [hbm4b:s5+s2], $0x80, v3, vm1, $0xb8;
	[tilespmem:$0x14100] =	vst v63  }
0x98: {  	v3 =	vld [tilespmem:$0x90];
	_ =	sdelay $0x4  }
0x99: {  	v61 =	vshrl.u32 v3, $0x3  }
0x9a: {  	v4 =	vmul.u32 $0x28, v61  }
0x9b: {  	v3 =	vand.u32 $0x7, v3  }
0x9c: {  	v3 =	vor.u32 v3, v4  }
0x9d: {  	v4 =	vperm.xlane v3, v0;
	_ =	sdelay $0x1  }
0x9e: {  	v4 =	vadd.s32 v1, v4;
	_ =	sdelay $0x1  }
0x9f: {  	s6 =	sld [smem:$0x7FB];
	_ =	sdelay $0x1  }
0xa0: {  	s1 =	sld [smem:$0x7FC];
	v3 =	vperm.xlane v3, v2  }
0xa1: {  	[tilespmem:s6], [sflag:$0x2] =	stream.indirect_vreg.gather [hbm4b:s3+s2], $0x80, v4, vm0, $0xb8;
	[tilespmem:$0x14100] =	vst v63  }
0xa2: {  	v3 =	vadd.s32 v1, v3;
	s6 =	sld [smem:$0x7FD]  }
0xa3: {  	[tilespmem:s1], [sflag:$0x2] =	stream.indirect_vreg.gather [hbm4b:s4+s2], $0x80, v4, vm0, $0xb8;
	[tilespmem:$0x14100] =	vst v63  }
0xa4: {  	_ = 	snop  }
0xa5: {  	[tilespmem:s6], [sflag:$0x2] =	stream.indirect_vreg.gather [hbm4b:s5+s2], $0x80, v4, vm1, $0xb8;
	[tilespmem:$0x14100] =	vst v63  }
0xa6: {  	_ = 	snop  }
0xa7: {  	[tilespmem:s11], [sflag:$0x2] =	stream.indirect_vreg.gather [hbm4b:s3+s2], $0x80, v3, vm0, $0xb8;
	[tilespmem:$0x14100] =	vst v63  }
0xa8: {  	_ = 	snop  }
0xa9: {  	[tilespmem:s12], [sflag:$0x2] =	stream.indirect_vreg.gather [hbm4b:s4+s2], $0x80, v3, vm0, $0xb8;
	[tilespmem:$0x14100] =	vst v63  }
0xaa: {  	_ = 	snop  }
0xab: {  	[tilespmem:s13], [sflag:$0x2] =	stream.indirect_vreg.gather [hbm4b:s5+s2], $0x80, v3, vm1, $0xb8;
	[tilespmem:$0x14100] =	vst v63  }
0xac: {  	v3 =	vld [tilespmem:$0xA0];
	_ =	sdelay $0x4  }
0xad: {  	v62 =	vshrl.u32 v3, $0x3  }
0xae: {  	v4 =	vmul.u32 $0x28, v62  }
0xaf: {  	v3 =	vand.u32 $0x7, v3  }
0xb0: {  	v3 =	vor.u32 v3, v4  }
0xb1: {  	v4 =	vperm.xlane v3, v0;
	_ =	sdelay $0x1  }
0xb2: {  	v4 =	vadd.s32 v1, v4;
	_ =	sdelay $0x3  }
0xb3: {  	v3 =	vperm.xlane v3, v2  }
0xb4: {  	[tilespmem:s14], [sflag:$0x2] =	stream.indirect_vreg.gather [hbm4b:s3+s2], $0x80, v4, vm0, $0xb8;
	[tilespmem:$0x14100] =	vst v63  }
0xb5: {  	v3 =	vadd.s32 v1, v3  }
0xb6: {  	[tilespmem:s15], [sflag:$0x2] =	stream.indirect_vreg.gather [hbm4b:s4+s2], $0x80, v4, vm0, $0xb8;
	[tilespmem:$0x14100] =	vst v63  }
0xb7: {  	_ = 	snop  }
0xb8: {  	[tilespmem:s16], [sflag:$0x2] =	stream.indirect_vreg.gather [hbm4b:s5+s2], $0x80, v4, vm1, $0xb8;
	[tilespmem:$0x14100] =	vst v63  }
0xb9: {  	_ = 	snop  }
0xba: {  	[tilespmem:s17], [sflag:$0x2] =	stream.indirect_vreg.gather [hbm4b:s3+s2], $0x80, v3, vm0, $0xb8;
	[tilespmem:$0x14100] =	vst v63  }
0xbb: {  	_ = 	snop  }
0xbc: {  	[tilespmem:s18], [sflag:$0x2] =	stream.indirect_vreg.gather [hbm4b:s4+s2], $0x80, v3, vm0, $0xb8;
	[tilespmem:$0x14100] =	vst v63  }
0xbd: {  	_ = 	snop  }
0xbe: {  	[tilespmem:s19], [sflag:$0x2] =	stream.indirect_vreg.gather [hbm4b:s5+s2], $0x80, v3, vm1, $0xb8;
	[tilespmem:$0x14100] =	vst v63  }
0xbf: {  	v3 =	vld [tilespmem:$0xB0];
	_ =	sdelay $0x4  }
0xc0: {  	v63 =	vshrl.u32 v3, $0x3  }
0xc1: {  	v4 =	vmul.u32 $0x28, v63  }
0xc2: {  	v3 =	vand.u32 $0x7, v3  }
0xc3: {  	v3 =	vor.u32 v3, v4  }
0xc4: {  	v4 =	vperm.xlane v3, v0;
	_ =	sdelay $0x1  }
0xc5: {  	v4 =	vadd.s32 v1, v4;
	_ =	sdelay $0x3  }
0xc6: {  	v3 =	vperm.xlane v3, v2  }
0xc7: {  	[tilespmem:s20], [sflag:$0x2] =	stream.indirect_vreg.gather [hbm4b:s3+s2], $0x80, v4, vm0, $0xb8;
	[tilespmem:$0x14100] =	vst v63  }
0xc8: {  	v3 =	vadd.s32 v1, v3  }
0xc9: {  	[tilespmem:s21], [sflag:$0x2] =	stream.indirect_vreg.gather [hbm4b:s4+s2], $0x80, v4, vm0, $0xb8;
	[tilespmem:$0x14100] =	vst v63  }
0xca: {  	_ = 	snop  }
0xcb: {  	[tilespmem:s22], [sflag:$0x2] =	stream.indirect_vreg.gather [hbm4b:s5+s2], $0x80, v4, vm1, $0xb8;
	[tilespmem:$0x14100] =	vst v63  }
0xcc: {  	_ = 	snop  }
0xcd: {  	[tilespmem:s23], [sflag:$0x2] =	stream.indirect_vreg.gather [hbm4b:s3+s2], $0x80, v3, vm0, $0xb8;
	[tilespmem:$0x14100] =	vst v63  }
0xce: {  	_ = 	snop  }
0xcf: {  	[tilespmem:s24], [sflag:$0x2] =	stream.indirect_vreg.gather [hbm4b:s4+s2], $0x80, v3, vm0, $0xb8;
	[tilespmem:$0x14100] =	vst v63  }
0xd0: {  	_ = 	snop  }
0xd1: {  	[tilespmem:s25], [sflag:$0x2] =	stream.indirect_vreg.gather [hbm4b:s5+s2], $0x80, v3, vm1, $0xb8;
	[tilespmem:$0x14100] =	vst v63  }
0xd2: {  	_ =	swait.ge [sflag:s26], $0xA000  }
0xd3: {  	[sflag:s26] =	ssyncset.done $0x0  }
0xd4: {  	s6 =	sadd.s32 $0xFFFFEC00, s30;
	[sflag:s26] =	ssyncadd.s32 $0xFFFF6000  }
0xd5: {  	[hbm4b:s6+s2] =	stream.linear.scatter [tilespmem:s9], [sflag:$0x3], $0xA000, $0x38;
	[tilespmem:$0x14100] =	vst v63  }
0xd6: {  	_ =	swait.ge [sflag:s8], $0xA000  }
0xd7: {  	[sflag:s8] =	ssyncset.done $0x0  }
0xd8: {  	[sflag:s8] =	ssyncadd.s32 $0xFFFF6000  }
0xd9: {  	_ =	swait.ge [sflag:s28], $0xA000  }
0xda: {  	p0 =	sne.s32 s31, $0x70;
	[sflag:s28] =	ssyncset.done $0x0  }
.Ltmp0:
0xdb: {  	[sflag:s28] =	ssyncadd.s32 $0xFFFF6000;
	(pc) =	sbr.rel @p0 .LBB2_2-.Ltmp0, $4  }
0xdc: {  	[hbm4b:s30+s2] =	stream.linear.scatter [tilespmem:s10], [sflag:$0x3], $0xA000, $0x38;
	[tilespmem:$0x14100] =	vst v63  }
0xdd: {  	_ =	swait.ge [sflag:s8], $0xA000  }
0xde: {  	[sflag:s8] =	ssyncset.done $0x0  }
0xdf: {  	s31 =	sadd.s32 $0x10, s31;
	s30 =	sadd.s32 $0x2800, s30;
	[sflag:s8] =	ssyncadd.s32 $0xFFFF6000  }
0xe0: {  	s0 =	sld [smem:$0x7FA];
	_ =	sdelay $0x1  }
0xe1: {  	s29 =	sadd.s32 $0x1, s29  }
0xe2: {  	p0 =	sne.s32 s29, s0  }
.Ltmp1:
0xe3: {  	_ = 	snop;
	(pc) =	sbr.rel @p0 .LBB2_1-.Ltmp1, $1  }
0xe4: {  	_ =	sdelay $0x3  }
0xe5: {  	_ =	sfence.sel $0x180000  }
0xe6: {  	[bflag:$0x0] =	sbarrier.arrive $0xFFFF  }
0xe7: {  	_ =	strace $0x90000047  }
0xe8: {  	s0 =	stileid.u32;
	[bflag:$0x2] =	sbarrier.arrive $0xFFFF  }
0xe9: {  	p0 =	sne.s32 s0, $0x0;
	s0 =	rddreg [dreg:$0x1]  }
0xea: {  	s0 =	sadd.s32 @!p0 $0x100000, s0  }
0xeb: {  	[sflag:s0] =	ssyncadd.tile.s32 @!p0 $0x1;
	_ =	shalt  }
.Lfunc_end2:
_tile_overlayer_lowered:
.L_overlay_start_2:
0xec: {  	(tag) =	ssettag $0x2  }
0xed: {  	s0 =	rddreg [dreg:$0x0];
	s2 =	stileid.u32  }
0xee: {  	s1 =	rddreg [dreg:$0x1];
	p0 =	sne.s32 s2, $0x0  }
0xef: {  	s3 =	rddreg [dreg:$0x2];
	[bflag:$0x3] =	sbarrier.arrive $0xFFFF;
	s2 =	simm.s32 @!p0 $0x1C03  }
0xf0: {  	[timem:s3], [sflag:s2] =	dma.local @!p0 [hbm:s0], s1  }
0xf1: {  	s0 =	simm.s32 @!p0 $0x3  }
0xf2: {  	_ =	swait.ge @!p0 [sflag:s0], s1  }
0xf3: {  	s1 =	ssub.s32 @!p0 $0x0, s1;
	[sflag:s0] =	ssyncset.done @!p0 $0x0  }
0xf4: {  	[sflag:s0] =	ssyncadd.s32 @!p0 s1  }
0xf5: {  	[bflag:$0x3] =	sbarrier.arrive $0xFFFF  }
0xf6: {  	_ =	shalt  }

</sc_bundles>
